<compile_context>
chip_gen: v7x
topology: tpu7x:2x2x1
jax: 0.10.2.dev20260603
libtpu: 0.0.44.dev20260713+nightly
codegen_flags: <defaults>
</compile_context>

<pallas_src>
import jax
import jax.numpy as jnp
from jax import lax
from jax.experimental import pallas as pl
from jax.experimental.pallas import tpu as pltpu
from jax.experimental.pallas import tpu_sc as plsc

N = 10000
E = 160000
DIN = 256
HID = 512
OUT = 256
K = 512

NT = 16
NC = 2
CH = 128
NPAD = 10240
EPAD = NC * NT * 40 * CH
EPT_S = EPAD // (NC * NT)
EPT_A = EPAD // NT
PAIR = K * K
PAIRPAD = PAIR + NT * 128
PZC = PAIRPAD // NT
KC = K + 128
DEGC = NPAD // NT
ROWS_PT = NPAD // NT
BM = 2000
GRID = N // BM

_mesh = plsc.VectorSubcoreMesh(core_axis_name="c", subcore_axis_name="s")


SDEPTH = 4


def _stats_body(src_hbm, dst_hbm, clu_hbm, z1_hbm,
                deg_out, pair_out, cnt_out,
                spm_deg, spm_pair, spm_cnt, *sc):
    sidx = sc[0:SDEPTH]
    didx = sc[SDEPTH:2 * SDEPTH]
    cuv = sc[2 * SDEPTH:3 * SDEPTH]
    cvv = sc[3 * SDEPTH:4 * SDEPTH]
    ones_v = sc[4 * SDEPTH]
    sem_ls, sem_ld, sem_gu, sem_gv = sc[4 * SDEPTH + 1:4 * SDEPTH + 5]
    c = lax.axis_index("c")
    s = lax.axis_index("s")
    for j in range(CH // 16):
        ones_v[pl.ds(j * 16, 16)] = jnp.full((16,), 1.0, jnp.float32)

    pltpu.sync_copy(z1_hbm.at[pl.ds(0, DEGC)],
                    spm_deg.at[pl.ds(s * DEGC, DEGC)])
    pltpu.sync_copy(z1_hbm.at[pl.ds(0, PZC)],
                    spm_pair.at[pl.ds(s * PZC, PZC)])

    @pl.when(s == 0)
    def _():
        pltpu.sync_copy(z1_hbm.at[pl.ds(0, KC)], spm_cnt)

    plsc.subcore_barrier()

    ebase = (c * NT + s) * EPT_S

    def keys(cu_v, cv_v):
        for j in range(CH // 16):
            sl = pl.ds(j * 16, 16)
            cu = cu_v[sl]
            cv = cv_v[sl]
            cu_v[sl] = jnp.where(cu == cv, PAIR, cv * K + cu)

    def body(i, carry):
        base = ebase + i * (SDEPTH * CH)
        ls = []
        ld = []
        for g in range(SDEPTH):
            b = base + g * CH
            ls.append(pltpu.async_copy(src_hbm.at[pl.ds(b, CH)],
                                       sidx[g], sem_ls))
            ld.append(pltpu.async_copy(dst_hbm.at[pl.ds(b, CH)],
                                       didx[g], sem_ld))
        gu = []
        gv = []
        for g in range(SDEPTH):
            ls[g].wait()
            gu.append(pltpu.async_copy(clu_hbm.at[sidx[g]], cuv[g], sem_gu))
            ld[g].wait()
            gv.append(pltpu.async_copy(clu_hbm.at[didx[g]], cvv[g], sem_gv))
        for g in range(SDEPTH):
            pltpu.sync_copy(ones_v, spm_deg.at[didx[g]], add=True)
        for g in range(SDEPTH):
            gu[g].wait()
            gv[g].wait()
            keys(cuv[g], cvv[g])
            pltpu.sync_copy(ones_v, spm_pair.at[cuv[g]], add=True)
        return carry

    lax.fori_loop(0, EPT_S // (SDEPTH * CH), body, 0)

    @pl.when(c == 1)
    def _cnt():
        def cbody(i, carry):
            base = s * DEGC + i * CH
            pltpu.sync_copy(clu_hbm.at[pl.ds(base, CH)], sidx[0])
            pltpu.sync_copy(ones_v, spm_cnt.at[sidx[0]], add=True)
            return carry
        lax.fori_loop(0, DEGC // CH, cbody, 0)

    plsc.subcore_barrier()

    pltpu.sync_copy(spm_deg.at[pl.ds(s * DEGC, DEGC)],
                    deg_out.at[pl.ds(c * NPAD + s * DEGC, DEGC)])
    pltpu.sync_copy(spm_pair.at[pl.ds(s * PZC, PZC)],
                    pair_out.at[pl.ds(c * PAIRPAD + s * PZC, PZC)])

    @pl.when(s == 0)
    def _():
        pltpu.sync_copy(spm_cnt, cnt_out.at[pl.ds(c * KC, KC)])


_stats = pl.kernel(
    _stats_body,
    out_type=(
        jax.ShapeDtypeStruct((NC * NPAD,), jnp.float32),
        jax.ShapeDtypeStruct((NC * PAIRPAD,), jnp.float32),
        jax.ShapeDtypeStruct((NC * KC,), jnp.float32),
    ),
    mesh=_mesh,
    scratch_types=(
        [pltpu.VMEM_SHARED((NPAD,), jnp.float32),
         pltpu.VMEM_SHARED((PAIRPAD,), jnp.float32),
         pltpu.VMEM_SHARED((KC,), jnp.float32)]
        + [pltpu.VMEM((CH,), jnp.int32) for _ in range(4 * SDEPTH)]
        + [pltpu.VMEM((CH,), jnp.float32)]
        + [pltpu.SemaphoreType.DMA for _ in range(4)]
    ),
)


DEPTH = 4
CHA = 80


def _agg_body(src_hbm, dst_hbm, x2_hbm, z2_hbm, agg_out, spm_agg, *sc):
    sidx = sc[0:DEPTH]
    didx = sc[DEPTH:2 * DEPTH]
    rows = sc[2 * DEPTH:3 * DEPTH]
    sem_ls, sem_ld, sem_g, sem_sc = sc[3 * DEPTH:3 * DEPTH + 4]
    c = lax.axis_index("c")
    s = lax.axis_index("s")
    pltpu.sync_copy(z2_hbm, spm_agg.at[pl.ds(s * ROWS_PT, ROWS_PT)])
    plsc.subcore_barrier()
    off = c * NPAD
    ebase = s * EPT_A

    def addoff(idx_v):
        for j in range(CHA // 16):
            sl = pl.ds(j * 16, 16)
            idx_v[sl] = idx_v[sl] + off

    def body(i, carry):
        base = ebase + i * (DEPTH * CHA)
        ls = []
        ld = []
        for g in range(DEPTH):
            b = base + g * CHA
            ls.append(pltpu.async_copy(src_hbm.at[pl.ds(b, CHA)],
                                       sidx[g], sem_ls))
            ld.append(pltpu.async_copy(dst_hbm.at[pl.ds(b, CHA)],
                                       didx[g], sem_ld))
        gd = []
        for g in range(DEPTH):
            ls[g].wait()
            addoff(sidx[g])
            gd.append(pltpu.async_copy(x2_hbm.at[sidx[g]], rows[g], sem_g))
        scs = []
        for g in range(DEPTH):
            gd[g].wait()
            ld[g].wait()
            scs.append(pltpu.async_copy(rows[g], spm_agg.at[didx[g]],
                                        sem_sc, add=True))
        for g in range(DEPTH):
            scs[g].wait()
        return carry

    lax.fori_loop(0, EPT_A // (DEPTH * CHA), body, 0)
    plsc.subcore_barrier()
    pltpu.sync_copy(spm_agg.at[pl.ds(s * ROWS_PT, ROWS_PT)],
                    agg_out.at[pl.ds(c * NPAD + s * ROWS_PT, ROWS_PT)])


_agg = pl.kernel(
    _agg_body,
    out_type=jax.ShapeDtypeStruct((NC * NPAD, 128), jnp.float32),
    mesh=_mesh,
    scratch_types=(
        [pltpu.VMEM_SHARED((NPAD, 128), jnp.float32)]
        + [pltpu.VMEM((CHA,), jnp.int32) for _ in range(2 * DEPTH)]
        + [pltpu.VMEM((CHA, 128), jnp.float32) for _ in range(DEPTH)]
        + [pltpu.SemaphoreType.DMA for _ in range(4)]
    ),
)


def _prep_body(x_ref, d0_ref, d1_ref, x2_ref, dinv_ref):
    dinv = lax.rsqrt(d0_ref[...] + d1_ref[...] + 1.0)
    xs = x_ref[...] * dinv
    x2_ref[0] = xs[:, :128]
    x2_ref[1] = xs[:, 128:]
    dinv_ref[...] = dinv


_prep = pl.pallas_call(
    _prep_body,
    grid=(GRID,),
    in_specs=[
        pl.BlockSpec((BM, DIN), lambda i: (i, 0)),
        pl.BlockSpec((BM, 1), lambda i: (i, 0)),
        pl.BlockSpec((BM, 1), lambda i: (i, 0)),
    ],
    out_specs=[
        pl.BlockSpec((2, BM, 128), lambda i: (0, i, 0)),
        pl.BlockSpec((BM, 1), lambda i: (i, 0)),
    ],
    out_shape=[
        jax.ShapeDtypeStruct((2, NPAD, 128), jnp.float32),
        jax.ShapeDtypeStruct((N, 1), jnp.float32),
    ],
)


def _main_body(x_ref, agg_ref, dinv_ref, w1_ref, b1_ref, ws_ref, bs_ref,
               cid_ref, skip_ref, sums_ref):
    i = pl.program_id(0)
    dinv = dinv_ref[...]
    agg = jnp.concatenate([agg_ref[0], agg_ref[1]], axis=1)
    pre = dinv * (agg + dinv * x_ref[...])
    h = jnp.dot(pre, w1_ref[...], preferred_element_type=jnp.float32)
    x1 = jnp.maximum(h + b1_ref[...], 0.0)
    skip_ref[...] = jnp.dot(x1, ws_ref[...],
                            preferred_element_type=jnp.float32) + bs_ref[...]
    cid = cid_ref[0, 0, :]
    oh = (lax.broadcasted_iota(jnp.int32, (K, BM), 0)
          == cid[None, :]).astype(jnp.float32)
    contrib = jnp.dot(oh, x1, preferred_element_type=jnp.float32)

    @pl.when(i == 0)
    def _():
        sums_ref[...] = jnp.zeros_like(sums_ref)

    sums_ref[...] += contrib


_main = pl.pallas_call(
    _main_body,
    grid=(GRID,),
    in_specs=[
        pl.BlockSpec((BM, DIN), lambda i: (i, 0)),
        pl.BlockSpec((2, BM, 128), lambda i: (0, i, 0)),
        pl.BlockSpec((BM, 1), lambda i: (i, 0)),
        pl.BlockSpec((DIN, HID), lambda i: (0, 0)),
        pl.BlockSpec((1, HID), lambda i: (0, 0)),
        pl.BlockSpec((HID, OUT), lambda i: (0, 0)),
        pl.BlockSpec((1, OUT), lambda i: (0, 0)),
        pl.BlockSpec((1, 1, BM), lambda i: (i, 0, 0)),
    ],
    out_specs=[
        pl.BlockSpec((BM, OUT), lambda i: (i, 0)),
        pl.BlockSpec((K, HID), lambda i: (0, 0)),
    ],
    out_shape=[
        jax.ShapeDtypeStruct((N, OUT), jnp.float32),
        jax.ShapeDtypeStruct((K, HID), jnp.float32),
    ],
)


def _out_body(sums_ref, c0_ref, c1_ref, pair_ref, w2_ref, b2_ref,
              cid_ref, skip_ref, out_ref, z_s):
    i = pl.program_id(0)

    @pl.when(i == 0)
    def _():
        cnt = jnp.maximum(c0_ref[...] + c1_ref[...], 1.0)
        xp = sums_ref[...] / cnt
        a = jnp.minimum(pair_ref[0] + pair_ref[1], 1.0)
        degp = jnp.sum(a, axis=1, keepdims=True) + 1.0
        dinvp = lax.rsqrt(degp)
        xw = jnp.dot(xp, w2_ref[...], preferred_element_type=jnp.float32)
        t = dinvp * xw
        z_s[...] = dinvp * (jnp.dot(a, t, preferred_element_type=jnp.float32)
                            + t) + b2_ref[...]

    cid = cid_ref[0, 0, :]
    oh = (cid[:, None] == lax.broadcasted_iota(jnp.int32, (BM, K), 1)
          ).astype(jnp.float32)
    up = jnp.dot(oh, z_s[...], preferred_element_type=jnp.float32)
    out_ref[...] = up + skip_ref[...]


_out = pl.pallas_call(
    _out_body,
    grid=(GRID,),
    in_specs=[
        pl.BlockSpec((K, HID), lambda i: (0, 0)),
        pl.BlockSpec((K, 1), lambda i: (0, 0)),
        pl.BlockSpec((K, 1), lambda i: (0, 0)),
        pl.BlockSpec((2, K, K), lambda i: (0, 0, 0)),
        pl.BlockSpec((HID, OUT), lambda i: (0, 0)),
        pl.BlockSpec((1, OUT), lambda i: (0, 0)),
        pl.BlockSpec((1, 1, BM), lambda i: (i, 0, 0)),
        pl.BlockSpec((BM, OUT), lambda i: (i, 0)),
    ],
    out_specs=pl.BlockSpec((BM, OUT), lambda i: (i, 0)),
    out_shape=jax.ShapeDtypeStruct((N, OUT), jnp.float32),
    scratch_shapes=[pltpu.VMEM((K, OUT), jnp.float32)],
)


def kernel(x, edge_index, cluster_id, W1, b1, W2, b2, Ws, bs):
    src = jnp.concatenate(
        [edge_index[0], jnp.zeros((EPAD - E,), jnp.int32)])
    dst = jnp.concatenate(
        [edge_index[1], jnp.full((EPAD - E,), N, jnp.int32)])
    clu_pad = jnp.concatenate(
        [cluster_id, jnp.full((NPAD - N,), K, jnp.int32)])
    z1 = jnp.zeros((PZC,), jnp.float32)
    deg2, pair2, cnt2 = _stats(src, dst, clu_pad, z1)

    x2, dinv = _prep(x,
                     deg2[:N].reshape(N, 1),
                     deg2[NPAD:NPAD + N].reshape(N, 1))

    z2 = jnp.zeros((ROWS_PT, 128), jnp.float32)
    agg_flat = _agg(src, dst, x2.reshape(NC * NPAD, 128), z2)
    agg2 = agg_flat.reshape(NC, NPAD, 128)

    cid3 = cluster_id.reshape(GRID, 1, BM)
    skip, sums = _main(x, agg2, dinv, W1, b1.reshape(1, HID),
                       Ws, bs.reshape(1, OUT), cid3)

    pair3 = pair2.reshape(NC, PAIRPAD // K, K)
    logits = _out(sums,
                  cnt2[:K].reshape(K, 1),
                  cnt2[KC:KC + K].reshape(K, 1),
                  pair3,
                  W2, b2.reshape(1, OUT),
                  cid3, skip)
    return (logits, 0.0)

# --- scband reference (transcript-rebuilt; emitter-appended) ---
"""Pipeline reference for scband-lrmc-seeded-pool-gcn-51247549776543 (READ-ONLY COPY).

The authoritative reference and input builder live on the scoring server;
editing this copy changes nothing except your own understanding.
"""

import jax, jax.numpy as jnp
import numpy as np

N = 10000
E = 160000
IN_DIM = 256
HID = 512
OUT = 256
K = 512


def setup_inputs(seed: int = 0) -> dict:
    key = jax.random.key(seed)
    ks = jax.random.split(key, 10)
    x = jax.random.normal(ks[0], (N, IN_DIM), dtype=jnp.float32)
    edge_index = jax.random.randint(ks[1], (2, E), 0, N, dtype=jnp.int32)
    cluster_id = jax.random.randint(ks[2], (N,), 0, K, dtype=jnp.int32)
    W1 = jax.random.normal(ks[3], (IN_DIM, HID), dtype=jnp.float32) * 0.05
    b1 = jnp.zeros((HID,), dtype=jnp.float32)
    W2 = jax.random.normal(ks[4], (HID, OUT), dtype=jnp.float32) * 0.05
    b2 = jnp.zeros((OUT,), dtype=jnp.float32)
    Ws = jax.random.normal(ks[5], (HID, OUT), dtype=jnp.float32) * 0.05
    bs = jnp.zeros((OUT,), dtype=jnp.float32)
    return {"x": x, "edge_index": edge_index, "cluster_id": cluster_id,
            "W1": W1, "b1": b1, "W2": W2, "b2": b2, "Ws": Ws, "bs": bs}


def gcn_conv(x, src, dst, W, b, n):
    # PyG GCNConv with add_self_loops=True, normalize=True
    xw = x @ W
    loop = jnp.arange(n, dtype=src.dtype)
    s = jnp.concatenate([src, loop])
    d = jnp.concatenate([dst, loop])
    deg = jnp.zeros((n,), dtype=xw.dtype).at[d].add(1.0)
    dinv = jnp.where(deg > 0, deg ** -0.5, 0.0)
    norm = dinv[s] * dinv[d]
    msgs = xw[s] * norm[:, None]
    out = jnp.zeros((n, xw.shape[1]), dtype=xw.dtype).at[d].add(msgs)
    return out + b


def pool_edges(edge_index, cluster_id):
    # unique directed inter-cluster pairs (set equality with the torch loop version)
    cu = cluster_id[edge_index[0]]
    cv = cluster_id[edge_index[1]]
    keys = cu * K + cv
    sentinel = jnp.int32(K * K)
    keys = jnp.where(cu == cv, sentinel, keys)
    keys = jnp.sort(keys)
    first = jnp.concatenate([jnp.ones((1,), dtype=jnp.bool_), keys[1:] != keys[:-1]])
    keys = jnp.where(first, keys, sentinel)
    valid = keys < sentinel
    sp = jnp.where(valid, keys // K, K).astype(jnp.int32)
    dp = jnp.where(valid, keys % K, K).astype(jnp.int32)
    return sp, dp


def reference(x, edge_index, cluster_id, W1, b1, W2, b2, Ws, bs):
    x1 = jax.nn.relu(gcn_conv(x, edge_index[0], edge_index[1], W1, b1, N))
    # dropout: eval mode -> identity
    sums = jnp.zeros((K, HID), dtype=x1.dtype).at[cluster_id].add(x1)
    counts = jnp.clip(jnp.bincount(cluster_id, minlength=K, length=K), 1, None).astype(x1.dtype)[:, None]
    x_p = sums / counts
    sp, dp = pool_edges(edge_index, cluster_id)
    x_p = gcn_conv(x_p, sp, dp, W2, b2, K)
    up = x_p[cluster_id]
    skip = x1 @ Ws + bs
    logits = up + skip
    return (logits, 0.0)

if __name__ == "__main__":
    import jax
    _d = setup_inputs()
    print(jax.jit(kernel)(*tuple(_d.values())))

</pallas_src>

<mosaic_0001>
#map = affine_map<(d0, d1) -> (0)>
module attributes {stable_mosaic.version = 14 : i64} {
  func.func @_stats_body(%arg0: i32, %arg1: i32, %arg2: memref<163840xi32, #tpu.memory_space<hbm>>, %arg3: memref<163840xi32, #tpu.memory_space<hbm>>, %arg4: memref<10240xi32, #tpu.memory_space<hbm>>, %arg5: memref<16512xf32, #tpu.memory_space<hbm>>, %arg6: memref<20480xf32, #tpu.memory_space<hbm>>, %arg7: memref<528384xf32, #tpu.memory_space<hbm>>, %arg8: memref<1280xf32, #tpu.memory_space<hbm>>, %arg9: memref<10240xf32, #tpu.memory_space<vmem_shared>>, %arg10: memref<264192xf32, #tpu.memory_space<vmem_shared>>, %arg11: memref<640xf32, #tpu.memory_space<vmem_shared>>, %arg12: memref<128xi32, #tpu.memory_space<vmem>>, %arg13: memref<128xi32, #tpu.memory_space<vmem>>, %arg14: memref<128xi32, #tpu.memory_space<vmem>>, %arg15: memref<128xi32, #tpu.memory_space<vmem>>, %arg16: memref<128xi32, #tpu.memory_space<vmem>>, %arg17: memref<128xi32, #tpu.memory_space<vmem>>, %arg18: memref<128xi32, #tpu.memory_space<vmem>>, %arg19: memref<128xi32, #tpu.memory_space<vmem>>, %arg20: memref<128xi32, #tpu.memory_space<vmem>>, %arg21: memref<128xi32, #tpu.memory_space<vmem>>, %arg22: memref<128xi32, #tpu.memory_space<vmem>>, %arg23: memref<128xi32, #tpu.memory_space<vmem>>, %arg24: memref<128xi32, #tpu.memory_space<vmem>>, %arg25: memref<128xi32, #tpu.memory_space<vmem>>, %arg26: memref<128xi32, #tpu.memory_space<vmem>>, %arg27: memref<128xi32, #tpu.memory_space<vmem>>, %arg28: memref<128xf32, #tpu.memory_space<vmem>>, %arg29: memref<!tpu.dma_semaphore, #tpu.memory_space<semaphore_mem>>, %arg30: memref<!tpu.dma_semaphore, #tpu.memory_space<semaphore_mem>>, %arg31: memref<!tpu.dma_semaphore, #tpu.memory_space<semaphore_mem>>, %arg32: memref<!tpu.dma_semaphore, #tpu.memory_space<semaphore_mem>>) attributes {dimension_semantics = [#tpu.dimension_semantics<core_parallel>, #tpu.dimension_semantics<subcore_parallel>], iteration_bounds = array<i64: 2, 16>, scalar_prefetch = 0 : i64, scratch_operands = 24 : i64, tpu.core_type = #tpu.core_type<sc_vector_subcore>, window_params = [{transform_indices = #map}, {transform_indices = #map}, {transform_indices = #map}, {transform_indices = #map}, {transform_indices = #map}, {transform_indices = #map}, {transform_indices = #map}]} {
    %broadcast_in_dim3A = arith.constant 1.000000e+00 : f32
    %broadcast_in_dim3A_0 = vector.broadcast %broadcast_in_dim3A : f32 to vector<16xf32>
    %swap3A = arith.constant 0 : index
    %swap3A_1 = tpu.vector_load %arg28[%swap3A] {strides = array<i32>} : memref<128xf32, #tpu.memory_space<vmem>>, vector<16xf32>,
    %swap3A_2 = vector.shape_cast %swap3A_1 : vector<16xf32> to vector<16xf32>
    %swap3A_3 = vector.shape_cast %broadcast_in_dim3A_0 : vector<16xf32> to vector<16xf32>
    tpu.vector_store %arg28[%swap3A], %swap3A_3 {strides = array<i32>} : memref<128xf32, #tpu.memory_space<vmem>>, vector<16xf32>,
    %broadcast_in_dim3A_4 = arith.constant 1.000000e+00 : f32
    %broadcast_in_dim3A_5 = vector.broadcast %broadcast_in_dim3A_4 : f32 to vector<16xf32>
    %swap3A_6 = arith.constant 16 : index
    %swap3A_7 = tpu.vector_load %arg28[%swap3A_6] {strides = array<i32>} : memref<128xf32, #tpu.memory_space<vmem>>, vector<16xf32>,
    %swap3A_8 = vector.shape_cast %swap3A_7 : vector<16xf32> to vector<16xf32>
    %swap3A_9 = vector.shape_cast %broadcast_in_dim3A_5 : vector<16xf32> to vector<16xf32>
    tpu.vector_store %arg28[%swap3A_6], %swap3A_9 {strides = array<i32>} : memref<128xf32, #tpu.memory_space<vmem>>, vector<16xf32>,
    %broadcast_in_dim3A_10 = arith.constant 1.000000e+00 : f32
    %broadcast_in_dim3A_11 = vector.broadcast %broadcast_in_dim3A_10 : f32 to vector<16xf32>
    %swap3A_12 = arith.constant 32 : index
    %swap3A_13 = tpu.vector_load %arg28[%swap3A_12] {strides = array<i32>} : memref<128xf32, #tpu.memory_space<vmem>>, vector<16xf32>,
    %swap3A_14 = vector.shape_cast %swap3A_13 : vector<16xf32> to vector<16xf32>
    %swap3A_15 = vector.shape_cast %broadcast_in_dim3A_11 : vector<16xf32> to vector<16xf32>
    tpu.vector_store %arg28[%swap3A_12], %swap3A_15 {strides = array<i32>} : memref<128xf32, #tpu.memory_space<vmem>>, vector<16xf32>,
    %broadcast_in_dim3A_16 = arith.constant 1.000000e+00 : f32
    %broadcast_in_dim3A_17 = vector.broadcast %broadcast_in_dim3A_16 : f32 to vector<16xf32>
    %swap3A_18 = arith.constant 48 : index
    %swap3A_19 = tpu.vector_load %arg28[%swap3A_18] {strides = array<i32>} : memref<128xf32, #tpu.memory_space<vmem>>, vector<16xf32>,
    %swap3A_20 = vector.shape_cast %swap3A_19 : vector<16xf32> to vector<16xf32>
    %swap3A_21 = vector.shape_cast %broadcast_in_dim3A_17 : vector<16xf32> to vector<16xf32>
    tpu.vector_store %arg28[%swap3A_18], %swap3A_21 {strides = array<i32>} : memref<128xf32, #tpu.memory_space<vmem>>, vector<16xf32>,
    %broadcast_in_dim3A_22 = arith.constant 1.000000e+00 : f32
    %broadcast_in_dim3A_23 = vector.broadcast %broadcast_in_dim3A_22 : f32 to vector<16xf32>
    %swap3A_24 = arith.constant 64 : index
    %swap3A_25 = tpu.vector_load %arg28[%swap3A_24] {strides = array<i32>} : memref<128xf32, #tpu.memory_space<vmem>>, vector<16xf32>,
    %swap3A_26 = vector.shape_cast %swap3A_25 : vector<16xf32> to vector<16xf32>
    %swap3A_27 = vector.shape_cast %broadcast_in_dim3A_23 : vector<16xf32> to vector<16xf32>
    tpu.vector_store %arg28[%swap3A_24], %swap3A_27 {strides = array<i32>} : memref<128xf32, #tpu.memory_space<vmem>>, vector<16xf32>,
    %broadcast_in_dim3A_28 = arith.constant 1.000000e+00 : f32
    %broadcast_in_dim3A_29 = vector.broadcast %broadcast_in_dim3A_28 : f32 to vector<16xf32>
    %swap3A_30 = arith.constant 80 : index
    %swap3A_31 = tpu.vector_load %arg28[%swap3A_30] {strides = array<i32>} : memref<128xf32, #tpu.memory_space<vmem>>, vector<16xf32>,
    %swap3A_32 = vector.shape_cast %swap3A_31 : vector<16xf32> to vector<16xf32>
    %swap3A_33 = vector.shape_cast %broadcast_in_dim3A_29 : vector<16xf32> to vector<16xf32>
    tpu.vector_store %arg28[%swap3A_30], %swap3A_33 {strides = array<i32>} : memref<128xf32, #tpu.memory_space<vmem>>, vector<16xf32>,
    %broadcast_in_dim3A_34 = arith.constant 1.000000e+00 : f32
    %broadcast_in_dim3A_35 = vector.broadcast %broadcast_in_dim3A_34 : f32 to vector<16xf32>
    %swap3A_36 = arith.constant 96 : index
    %swap3A_37 = tpu.vector_load %arg28[%swap3A_36] {strides = array<i32>} : memref<128xf32, #tpu.memory_space<vmem>>, vector<16xf32>,
    %swap3A_38 = vector.shape_cast %swap3A_37 : vector<16xf32> to vector<16xf32>
    %swap3A_39 = vector.shape_cast %broadcast_in_dim3A_35 : vector<16xf32> to vector<16xf32>
    tpu.vector_store %arg28[%swap3A_36], %swap3A_39 {strides = array<i32>} : memref<128xf32, #tpu.memory_space<vmem>>, vector<16xf32>,
    %broadcast_in_dim3A_40 = arith.constant 1.000000e+00 : f32
    %broadcast_in_dim3A_41 = vector.broadcast %broadcast_in_dim3A_40 : f32 to vector<16xf32>
    %swap3A_42 = arith.constant 112 : index
    %swap3A_43 = tpu.vector_load %arg28[%swap3A_42] {strides = array<i32>} : memref<128xf32, #tpu.memory_space<vmem>>, vector<16xf32>,
    %swap3A_44 = vector.shape_cast %swap3A_43 : vector<16xf32> to vector<16xf32>
    %swap3A_45 = vector.shape_cast %broadcast_in_dim3A_41 : vector<16xf32> to vector<16xf32>
    tpu.vector_store %arg28[%swap3A_42], %swap3A_45 {strides = array<i32>} : memref<128xf32, #tpu.memory_space<vmem>>, vector<16xf32>,
    %mul3A = arith.constant 640 : i32
    %mul3A_46 = arith.muli %arg1, %mul3A : i32
    "tpu.region"() ({
      %run_scoped3A = tpu.sem_alloc : memref<!tpu.dma_semaphore, #tpu.memory_space<semaphore_mem>>
      %dma_start3A = tpu.memref_slice %arg9[%mul3A_46] : memref<10240xf32, #tpu.memory_space<vmem_shared>> -> memref<640xf32, #tpu.memory_space<vmem_shared>>
      %dma_start3A_85 = arith.constant 0 : i32
      %dma_start3A_86 = tpu.memref_slice %arg5[%dma_start3A_85] : memref<16512xf32, #tpu.memory_space<hbm>> -> memref<640xf32, #tpu.memory_space<hbm>>
      tpu.enqueue_dma source(%dma_start3A_86 : memref<640xf32, #tpu.memory_space<hbm>>) target(%dma_start3A : memref<640xf32, #tpu.memory_space<vmem_shared>>) target_semaphore(%run_scoped3A : memref<!tpu.dma_semaphore, #tpu.memory_space<semaphore_mem>>)
      %dma_wait3A = tpu.memref_slice %arg9[%mul3A_46] : memref<10240xf32, #tpu.memory_space<vmem_shared>> -> memref<640xf32, #tpu.memory_space<vmem_shared>>
      %dma_wait3A_87 = arith.constant 0 : i32
      %dma_wait3A_88 = tpu.memref_slice %arg5[%dma_wait3A_87] : memref<16512xf32, #tpu.memory_space<hbm>> -> memref<640xf32, #tpu.memory_space<hbm>>
      tpu.wait_dma2 semaphore(%run_scoped3A : memref<!tpu.dma_semaphore, #tpu.memory_space<semaphore_mem>>) src(%dma_wait3A_88 : memref<640xf32, #tpu.memory_space<hbm>>) dst(%dma_wait3A : memref<640xf32, #tpu.memory_space<vmem_shared>>)
      tpu.yield
    }) : () -> ()
    %mul3A_47 = arith.constant 16512 : i32
    %mul3A_48 = arith.muli %arg1, %mul3A_47 : i32
    "tpu.region"() ({
      %run_scoped3A = tpu.sem_alloc : memref<!tpu.dma_semaphore, #tpu.memory_space<semaphore_mem>>
      %dma_start3A = tpu.memref_slice %arg10[%mul3A_48] : memref<264192xf32, #tpu.memory_space<vmem_shared>> -> memref<16512xf32, #tpu.memory_space<vmem_shared>>
      %dma_start3A_85 = arith.constant 0 : i32
      %dma_start3A_86 = tpu.memref_slice %arg5[%dma_start3A_85] : memref<16512xf32, #tpu.memory_space<hbm>> -> memref<16512xf32, #tpu.memory_space<hbm>>
      tpu.enqueue_dma source(%dma_start3A_86 : memref<16512xf32, #tpu.memory_space<hbm>>) target(%dma_start3A : memref<16512xf32, #tpu.memory_space<vmem_shared>>) target_semaphore(%run_scoped3A : memref<!tpu.dma_semaphore, #tpu.memory_space<semaphore_mem>>)
      %dma_wait3A = tpu.memref_slice %arg10[%mul3A_48] : memref<264192xf32, #tpu.memory_space<vmem_shared>> -> memref<16512xf32, #tpu.memory_space<vmem_shared>>
      %dma_wait3A_87 = arith.constant 0 : i32
      %dma_wait3A_88 = tpu.memref_slice %arg5[%dma_wait3A_87] : memref<16512xf32, #tpu.memory_space<hbm>> -> memref<16512xf32, #tpu.memory_space<hbm>>
      tpu.wait_dma2 semaphore(%run_scoped3A : memref<!tpu.dma_semaphore, #tpu.memory_space<semaphore_mem>>) src(%dma_wait3A_88 : memref<16512xf32, #tpu.memory_space<hbm>>) dst(%dma_wait3A : memref<16512xf32, #tpu.memory_space<vmem_shared>>)
      tpu.yield
    }) : () -> ()
    %eq3A = arith.constant 0 : i32
    %eq3A_49 = arith.cmpi eq, %arg1, %eq3A : i32
    %convert_element_type3A = arith.extui %eq3A_49 : i1 to i32
    %cond3A = arith.constant 0 : i32
    %cond3A_50 = arith.cmpi ne, %convert_element_type3A, %cond3A : i32
    scf.if %cond3A_50 {
      "tpu.region"() ({
        %run_scoped3A = tpu.sem_alloc : memref<!tpu.dma_semaphore, #tpu.memory_space<semaphore_mem>>
        %dma_start3A = arith.constant 0 : i32
        %dma_start3A_85 = tpu.memref_slice %arg5[%dma_start3A] : memref<16512xf32, #tpu.memory_space<hbm>> -> memref<640xf32, #tpu.memory_space<hbm>>
        tpu.enqueue_dma source(%dma_start3A_85 : memref<640xf32, #tpu.memory_space<hbm>>) target(%arg11 : memref<640xf32, #tpu.memory_space<vmem_shared>>) target_semaphore(%run_scoped3A : memref<!tpu.dma_semaphore, #tpu.memory_space<semaphore_mem>>)
        %dma_wait3A = arith.constant 0 : i32
        %dma_wait3A_86 = tpu.memref_slice %arg5[%dma_wait3A] : memref<16512xf32, #tpu.memory_space<hbm>> -> memref<640xf32, #tpu.memory_space<hbm>>
        tpu.wait_dma2 semaphore(%run_scoped3A : memref<!tpu.dma_semaphore, #tpu.memory_space<semaphore_mem>>) src(%dma_wait3A_86 : memref<640xf32, #tpu.memory_space<hbm>>) dst(%arg11 : memref<640xf32, #tpu.memory_space<vmem_shared>>)
        tpu.yield
      }) : () -> ()
    } else {
    }
    %barrier3A = arith.constant 0 : index
    tpu.barrier barrier_id(%barrier3A)
    %mul3A_51 = arith.constant 16 : i32
    %mul3A_52 = arith.muli %arg0, %mul3A_51 : i32
    %add3A = arith.addi %mul3A_52, %arg1 : i32
    %mul3A_53 = arith.constant 5120 : i32
    %mul3A_54 = arith.muli %add3A, %mul3A_53 : i32
    %scan3A = arith.constant 0 : i32
    %scan3A_55 = arith.constant 0 : i32
    %scan3A_56 = arith.constant 10 : i32
    %scan3A_57 = arith.addi %scan3A_55, %scan3A_56 : i32
    %scan3A_58 = arith.constant 1 : i32
    scf.for %scan3A_85 = %scan3A_55 to %scan3A_57 step %scan3A_58  : i32 {
      %mul3A_86 = arith.constant 512 : i32
      %mul3A_87 = arith.muli %scan3A_85, %mul3A_86 : i32
      %add3A_88 = arith.addi %mul3A_54, %mul3A_87 : i32
      %add3A_89 = arith.constant 0 : i32
      %add3A_90 = arith.addi %add3A_88, %add3A_89 : i32
      %dma_start3A = tpu.memref_slice %arg2[%add3A_90] : memref<163840xi32, #tpu.memory_space<hbm>> -> memref<128xi32, #tpu.memory_space<hbm>>
      %dma_start3A_91 = tpu.memref_slice %arg2[%add3A_90] : memref<163840xi32, #tpu.memory_space<hbm>> -> memref<128xi32, #tpu.memory_space<hbm>>
      tpu.enqueue_dma source(%dma_start3A_91 : memref<128xi32, #tpu.memory_space<hbm>>) target(%arg12 : memref<128xi32, #tpu.memory_space<vmem>>) target_semaphore(%arg29 : memref<!tpu.dma_semaphore, #tpu.memory_space<semaphore_mem>>)
      %dma_start3A_92 = tpu.memref_slice %arg3[%add3A_90] : memref<163840xi32, #tpu.memory_space<hbm>> -> memref<128xi32, #tpu.memory_space<hbm>>
      %dma_start3A_93 = tpu.memref_slice %arg3[%add3A_90] : memref<163840xi32, #tpu.memory_space<hbm>> -> memref<128xi32, #tpu.memory_space<hbm>>
      tpu.enqueue_dma source(%dma_start3A_93 : memref<128xi32, #tpu.memory_space<hbm>>) target(%arg16 : memref<128xi32, #tpu.memory_space<vmem>>) target_semaphore(%arg30 : memref<!tpu.dma_semaphore, #tpu.memory_space<semaphore_mem>>)
      %add3A_94 = arith.constant 128 : i32
      %add3A_95 = arith.addi %add3A_88, %add3A_94 : i32
      %dma_start3A_96 = tpu.memref_slice %arg2[%add3A_95] : memref<163840xi32, #tpu.memory_space<hbm>> -> memref<128xi32, #tpu.memory_space<hbm>>
      %dma_start3A_97 = tpu.memref_slice %arg2[%add3A_95] : memref<163840xi32, #tpu.memory_space<hbm>> -> memref<128xi32, #tpu.memory_space<hbm>>
      tpu.enqueue_dma source(%dma_start3A_97 : memref<128xi32, #tpu.memory_space<hbm>>) target(%arg13 : memref<128xi32, #tpu.memory_space<vmem>>) target_semaphore(%arg29 : memref<!tpu.dma_semaphore, #tpu.memory_space<semaphore_mem>>)
      %dma_start3A_98 = tpu.memref_slice %arg3[%add3A_95] : memref<163840xi32, #tpu.memory_space<hbm>> -> memref<128xi32, #tpu.memory_space<hbm>>
      %dma_start3A_99 = tpu.memref_slice %arg3[%add3A_95] : memref<163840xi32, #tpu.memory_space<hbm>> -> memref<128xi32, #tpu.memory_space<hbm>>
      tpu.enqueue_dma source(%dma_start3A_99 : memref<128xi32, #tpu.memory_space<hbm>>) target(%arg17 : memref<128xi32, #tpu.memory_space<vmem>>) target_semaphore(%arg30 : memref<!tpu.dma_semaphore, #tpu.memory_space<semaphore_mem>>)
      %add3A_100 = arith.constant 256 : i32
      %add3A_101 = arith.addi %add3A_88, %add3A_100 : i32
      %dma_start3A_102 = tpu.memref_slice %arg2[%add3A_101] : memref<163840xi32, #tpu.memory_space<hbm>> -> memref<128xi32, #tpu.memory_space<hbm>>
      %dma_start3A_103 = tpu.memref_slice %arg2[%add3A_101] : memref<163840xi32, #tpu.memory_space<hbm>> -> memref<128xi32, #tpu.memory_space<hbm>>
      tpu.enqueue_dma source(%dma_start3A_103 : memref<128xi32, #tpu.memory_space<hbm>>) target(%arg14 : memref<128xi32, #tpu.memory_space<vmem>>) target_semaphore(%arg29 : memref<!tpu.dma_semaphore, #tpu.memory_space<semaphore_mem>>)
      %dma_start3A_104 = tpu.memref_slice %arg3[%add3A_101] : memref<163840xi32, #tpu.memory_space<hbm>> -> memref<128xi32, #tpu.memory_space<hbm>>
      %dma_start3A_105 = tpu.memref_slice %arg3[%add3A_101] : memref<163840xi32, #tpu.memory_space<hbm>> -> memref<128xi32, #tpu.memory_space<hbm>>
      tpu.enqueue_dma source(%dma_start3A_105 : memref<128xi32, #tpu.memory_space<hbm>>) target(%arg18 : memref<128xi32, #tpu.memory_space<vmem>>) target_semaphore(%arg30 : memref<!tpu.dma_semaphore, #tpu.memory_space<semaphore_mem>>)
      %add3A_106 = arith.constant 384 : i32
      %add3A_107 = arith.addi %add3A_88, %add3A_106 : i32
      %dma_start3A_108 = tpu.memref_slice %arg2[%add3A_107] : memref<163840xi32, #tpu.memory_space<hbm>> -> memref<128xi32, #tpu.memory_space<hbm>>
      %dma_start3A_109 = tpu.memref_slice %arg2[%add3A_107] : memref<163840xi32, #tpu.memory_space<hbm>> -> memref<128xi32, #tpu.memory_space<hbm>>
      tpu.enqueue_dma source(%dma_start3A_109 : memref<128xi32, #tpu.memory_space<hbm>>) target(%arg15 : memref<128xi32, #tpu.memory_space<vmem>>) target_semaphore(%arg29 : memref<!tpu.dma_semaphore, #tpu.memory_space<semaphore_mem>>)
      %dma_start3A_110 = tpu.memref_slice %arg3[%add3A_107] : memref<163840xi32, #tpu.memory_space<hbm>> -> memref<128xi32, #tpu.memory_space<hbm>>
      %dma_start3A_111 = tpu.memref_slice %arg3[%add3A_107] : memref<163840xi32, #tpu.memory_space<hbm>> -> memref<128xi32, #tpu.memory_space<hbm>>
      tpu.enqueue_dma source(%dma_start3A_111 : memref<128xi32, #tpu.memory_space<hbm>>) target(%arg19 : memref<128xi32, #tpu.memory_space<vmem>>) target_semaphore(%arg30 : memref<!tpu.dma_semaphore, #tpu.memory_space<semaphore_mem>>)
      %dma_wait3A = tpu.memref_slice %arg2[%add3A_90] : memref<163840xi32, #tpu.memory_space<hbm>> -> memref<128xi32, #tpu.memory_space<hbm>>
      %dma_wait3A_112 = tpu.memref_slice %arg2[%add3A_90] : memref<163840xi32, #tpu.memory_space<hbm>> -> memref<128xi32, #tpu.memory_space<hbm>>
      tpu.wait_dma2 semaphore(%arg29 : memref<!tpu.dma_semaphore, #tpu.memory_space<semaphore_mem>>) src(%dma_wait3A_112 : memref<128xi32, #tpu.memory_space<hbm>>) dst(%arg12 : memref<128xi32, #tpu.memory_space<vmem>>)
      %dma_start3A_113 = arith.constant 0 : i32
      %dma_start3A_114 = tpu.memref_slice %arg4[%dma_start3A_113] : memref<10240xi32, #tpu.memory_space<hbm>> -> memref<10240xi32, #tpu.memory_space<hbm>>
      tpu.enqueue_indirect_dma source(%dma_start3A_114 : memref<10240xi32, #tpu.memory_space<hbm>>) target(%arg20 : memref<128xi32, #tpu.memory_space<vmem>>) offsets(%arg12 : memref<128xi32, #tpu.memory_space<vmem>>) semaphore(%arg31 : memref<!tpu.dma_semaphore, #tpu.memory_space<semaphore_mem>>)
      %dma_wait3A_115 = tpu.memref_slice %arg3[%add3A_90] : memref<163840xi32, #tpu.memory_space<hbm>> -> memref<128xi32, #tpu.memory_space<hbm>>
      %dma_wait3A_116 = tpu.memref_slice %arg3[%add3A_90] : memref<163840xi32, #tpu.memory_space<hbm>> -> memref<128xi32, #tpu.memory_space<hbm>>
      tpu.wait_dma2 semaphore(%arg30 : memref<!tpu.dma_semaphore, #tpu.memory_space<semaphore_mem>>) src(%dma_wait3A_116 : memref<128xi32, #tpu.memory_space<hbm>>) dst(%arg16 : memref<128xi32, #tpu.memory_space<vmem>>)
      %dma_start3A_117 = arith.constant 0 : i32
      %dma_start3A_118 = tpu.memref_slice %arg4[%dma_start3A_117] : memref<10240xi32, #tpu.memory_space<hbm>> -> memref<10240xi32, #tpu.memory_space<hbm>>
      tpu.enqueue_indirect_dma source(%dma_start3A_118 : memref<10240xi32, #tpu.memory_space<hbm>>) target(%arg24 : memref<128xi32, #tpu.memory_space<vmem>>) offsets(%arg16 : memref<128xi32, #tpu.memory_space<vmem>>) semaphore(%arg32 : memref<!tpu.dma_semaphore, #tpu.memory_space<semaphore_mem>>)
      %dma_wait3A_119 = tpu.memref_slice %arg2[%add3A_95] : memref<163840xi32, #tpu.memory_space<hbm>> -> memref<128xi32, #tpu.memory_space<hbm>>
      %dma_wait3A_120 = tpu.memref_slice %arg2[%add3A_95] : memref<163840xi32, #tpu.memory_space<hbm>> -> memref<128xi32, #tpu.memory_space<hbm>>
      tpu.wait_dma2 semaphore(%arg29 : memref<!tpu.dma_semaphore, #tpu.memory_space<semaphore_mem>>) src(%dma_wait3A_120 : memref<128xi32, #tpu.memory_space<hbm>>) dst(%arg13 : memref<128xi32, #tpu.memory_space<vmem>>)
      %dma_start3A_121 = arith.constant 0 : i32
      %dma_start3A_122 = tpu.memref_slice %arg4[%dma_start3A_121] : memref<10240xi32, #tpu.memory_space<hbm>> -> memref<10240xi32, #tpu.memory_space<hbm>>
      tpu.enqueue_indirect_dma source(%dma_start3A_122 : memref<10240xi32, #tpu.memory_space<hbm>>) target(%arg21 : memref<128xi32, #tpu.memory_space<vmem>>) offsets(%arg13 : memref<128xi32, #tpu.memory_space<vmem>>) semaphore(%arg31 : memref<!tpu.dma_semaphore, #tpu.memory_space<semaphore_mem>>)
      %dma_wait3A_123 = tpu.memref_slice %arg3[%add3A_95] : memref<163840xi32, #tpu.memory_space<hbm>> -> memref<128xi32, #tpu.memory_space<hbm>>
      %dma_wait3A_124 = tpu.memref_slice %arg3[%add3A_95] : memref<163840xi32, #tpu.memory_space<hbm>> -> memref<128xi32, #tpu.memory_space<hbm>>
      tpu.wait_dma2 semaphore(%arg30 : memref<!tpu.dma_semaphore, #tpu.memory_space<semaphore_mem>>) src(%dma_wait3A_124 : memref<128xi32, #tpu.memory_space<hbm>>) dst(%arg17 : memref<128xi32, #tpu.memory_space<vmem>>)
      %dma_start3A_125 = arith.constant 0 : i32
      %dma_start3A_126 = tpu.memref_slice %arg4[%dma_start3A_125] : memref<10240xi32, #tpu.memory_space<hbm>> -> memref<10240xi32, #tpu.memory_space<hbm>>
      tpu.enqueue_indirect_dma source(%dma_start3A_126 : memref<10240xi32, #tpu.memory_space<hbm>>) target(%arg25 : memref<128xi32, #tpu.memory_space<vmem>>) offsets(%arg17 : memref<128xi32, #tpu.memory_space<vmem>>) semaphore(%arg32 : memref<!tpu.dma_semaphore, #tpu.memory_space<semaphore_mem>>)
      %dma_wait3A_127 = tpu.memref_slice %arg2[%add3A_101] : memref<163840xi32, #tpu.memory_space<hbm>> -> memref<128xi32, #tpu.memory_space<hbm>>
      %dma_wait3A_128 = tpu.memref_slice %arg2[%add3A_101] : memref<163840xi32, #tpu.memory_space<hbm>> -> memref<128xi32, #tpu.memory_space<hbm>>
      tpu.wait_dma2 semaphore(%arg29 : memref<!tpu.dma_semaphore, #tpu.memory_space<semaphore_mem>>) src(%dma_wait3A_128 : memref<128xi32, #tpu.memory_space<hbm>>) dst(%arg14 : memref<128xi32, #tpu.memory_space<vmem>>)
      %dma_start3A_129 = arith.constant 0 : i32
      %dma_start3A_130 = tpu.memref_slice %arg4[%dma_start3A_129] : memref<10240xi32, #tpu.memory_space<hbm>> -> memref<10240xi32, #tpu.memory_space<hbm>>
      tpu.enqueue_indirect_dma source(%dma_start3A_130 : memref<10240xi32, #tpu.memory_space<hbm>>) target(%arg22 : memref<128xi32, #tpu.memory_space<vmem>>) offsets(%arg14 : memref<128xi32, #tpu.memory_space<vmem>>) semaphore(%arg31 : memref<!tpu.dma_semaphore, #tpu.memory_space<semaphore_mem>>)
      %dma_wait3A_131 = tpu.memref_slice %arg3[%add3A_101] : memref<163840xi32, #tpu.memory_space<hbm>> -> memref<128xi32, #tpu.memory_space<hbm>>
      %dma_wait3A_132 = tpu.memref_slice %arg3[%add3A_101] : memref<163840xi32, #tpu.memory_space<hbm>> -> memref<128xi32, #tpu.memory_space<hbm>>
      tpu.wait_dma2 semaphore(%arg30 : memref<!tpu.dma_semaphore, #tpu.memory_space<semaphore_mem>>) src(%dma_wait3A_132 : memref<128xi32, #tpu.memory_space<hbm>>) dst(%arg18 : memref<128xi32, #tpu.memory_space<vmem>>)
      %dma_start3A_133 = arith.constant 0 : i32
      %dma_start3A_134 = tpu.memref_slice %arg4[%dma_start3A_133] : memref<10240xi32, #tpu.memory_space<hbm>> -> memref<10240xi32, #tpu.memory_space<hbm>>
      tpu.enqueue_indirect_dma source(%dma_start3A_134 : memref<10240xi32, #tpu.memory_space<hbm>>) target(%arg26 : memref<128xi32, #tpu.memory_space<vmem>>) offsets(%arg18 : memref<128xi32, #tpu.memory_space<vmem>>) semaphore(%arg32 : memref<!tpu.dma_semaphore, #tpu.memory_space<semaphore_mem>>)
      %dma_wait3A_135 = tpu.memref_slice %arg2[%add3A_107] : memref<163840xi32, #tpu.memory_space<hbm>> -> memref<128xi32, #tpu.memory_space<hbm>>
      %dma_wait3A_136 = tpu.memref_slice %arg2[%add3A_107] : memref<163840xi32, #tpu.memory_space<hbm>> -> memref<128xi32, #tpu.memory_space<hbm>>
      tpu.wait_dma2 semaphore(%arg29 : memref<!tpu.dma_semaphore, #tpu.memory_space<semaphore_mem>>) src(%dma_wait3A_136 : memref<128xi32, #tpu.memory_space<hbm>>) dst(%arg15 : memref<128xi32, #tpu.memory_space<vmem>>)
      %dma_start3A_137 = arith.constant 0 : i32
      %dma_start3A_138 = tpu.memref_slice %arg4[%dma_start3A_137] : memref<10240xi32, #tpu.memory_space<hbm>> -> memref<10240xi32, #tpu.memory_space<hbm>>
      tpu.enqueue_indirect_dma source(%dma_start3A_138 : memref<10240xi32, #tpu.memory_space<hbm>>) target(%arg23 : memref<128xi32, #tpu.memory_space<vmem>>) offsets(%arg15 : memref<128xi32, #tpu.memory_space<vmem>>) semaphore(%arg31 : memref<!tpu.dma_semaphore, #tpu.memory_space<semaphore_mem>>)
      %dma_wait3A_139 = tpu.memref_slice %arg3[%add3A_107] : memref<163840xi32, #tpu.memory_space<hbm>> -> memref<128xi32, #tpu.memory_space<hbm>>
      %dma_wait3A_140 = tpu.memref_slice %arg3[%add3A_107] : memref<163840xi32, #tpu.memory_space<hbm>> -> memref<128xi32, #tpu.memory_space<hbm>>
      tpu.wait_dma2 semaphore(%arg30 : memref<!tpu.dma_semaphore, #tpu.memory_space<semaphore_mem>>) src(%dma_wait3A_140 : memref<128xi32, #tpu.memory_space<hbm>>) dst(%arg19 : memref<128xi32, #tpu.memory_space<vmem>>)
      %dma_start3A_141 = arith.constant 0 : i32
      %dma_start3A_142 = tpu.memref_slice %arg4[%dma_start3A_141] : memref<10240xi32, #tpu.memory_space<hbm>> -> memref<10240xi32, #tpu.memory_space<hbm>>
      tpu.enqueue_indirect_dma source(%dma_start3A_142 : memref<10240xi32, #tpu.memory_space<hbm>>) target(%arg27 : memref<128xi32, #tpu.memory_space<vmem>>) offsets(%arg19 : memref<128xi32, #tpu.memory_space<vmem>>) semaphore(%arg32 : memref<!tpu.dma_semaphore, #tpu.memory_space<semaphore_mem>>)
      "tpu.region"() ({
        %run_scoped3A = tpu.sem_alloc : memref<!tpu.dma_semaphore, #tpu.memory_space<semaphore_mem>>
        %dma_start3A_732 = arith.constant 0 : i32
        %dma_start3A_733 = tpu.memref_slice %arg9[%dma_start3A_732] : memref<10240xf32, #tpu.memory_space<vmem_shared>> -> memref<10240xf32, #tpu.memory_space<vmem_shared>>
        tpu.enqueue_indirect_dma source(%arg28 : memref<128xf32, #tpu.memory_space<vmem>>) target(%dma_start3A_733 : memref<10240xf32, #tpu.memory_space<vmem_shared>>) offsets(%arg16 : memref<128xi32, #tpu.memory_space<vmem>>) semaphore(%run_scoped3A : memref<!tpu.dma_semaphore, #tpu.memory_space<semaphore_mem>>) {add = true}
        %dma_wait3A_734 = arith.constant 0 : i32
        %dma_wait3A_735 = tpu.memref_slice %arg9[%dma_wait3A_734] : memref<10240xf32, #tpu.memory_space<vmem_shared>> -> memref<10240xf32, #tpu.memory_space<vmem_shared>>
        tpu.wait_indirect_dma semaphore(%run_scoped3A : memref<!tpu.dma_semaphore, #tpu.memory_space<semaphore_mem>>) src(%arg28 : memref<128xf32, #tpu.memory_space<vmem>>) dst(%dma_wait3A_735 : memref<10240xf32, #tpu.memory_space<vmem_shared>>)
        tpu.yield
      }) : () -> ()
      "tpu.region"() ({
        %run_scoped3A = tpu.sem_alloc : memref<!tpu.dma_semaphore, #tpu.memory_space<semaphore_mem>>
        %dma_start3A_732 = arith.constant 0 : i32
        %dma_start3A_733 = tpu.memref_slice %arg9[%dma_start3A_732] : memref<10240xf32, #tpu.memory_space<vmem_shared>> -> memref<10240xf32, #tpu.memory_space<vmem_shared>>
        tpu.enqueue_indirect_dma source(%arg28 : memref<128xf32, #tpu.memory_space<vmem>>) target(%dma_start3A_733 : memref<10240xf32, #tpu.memory_space<vmem_shared>>) offsets(%arg17 : memref<128xi32, #tpu.memory_space<vmem>>) semaphore(%run_scoped3A : memref<!tpu.dma_semaphore, #tpu.memory_space<semaphore_mem>>) {add = true}
        %dma_wait3A_734 = arith.constant 0 : i32
        %dma_wait3A_735 = tpu.memref_slice %arg9[%dma_wait3A_734] : memref<10240xf32, #tpu.memory_space<vmem_shared>> -> memref<10240xf32, #tpu.memory_space<vmem_shared>>
        tpu.wait_indirect_dma semaphore(%run_scoped3A : memref<!tpu.dma_semaphore, #tpu.memory_space<semaphore_mem>>) src(%arg28 : memref<128xf32, #tpu.memory_space<vmem>>) dst(%dma_wait3A_735 : memref<10240xf32, #tpu.memory_space<vmem_shared>>)
        tpu.yield
      }) : () -> ()
      "tpu.region"() ({
        %run_scoped3A = tpu.sem_alloc : memref<!tpu.dma_semaphore, #tpu.memory_space<semaphore_mem>>
        %dma_start3A_732 = arith.constant 0 : i32
        %dma_start3A_733 = tpu.memref_slice %arg9[%dma_start3A_732] : memref<10240xf32, #tpu.memory_space<vmem_shared>> -> memref<10240xf32, #tpu.memory_space<vmem_shared>>
        tpu.enqueue_indirect_dma source(%arg28 : memref<128xf32, #tpu.memory_space<vmem>>) target(%dma_start3A_733 : memref<10240xf32, #tpu.memory_space<vmem_shared>>) offsets(%arg18 : memref<128xi32, #tpu.memory_space<vmem>>) semaphore(%run_scoped3A : memref<!tpu.dma_semaphore, #tpu.memory_space<semaphore_mem>>) {add = true}
        %dma_wait3A_734 = arith.constant 0 : i32
        %dma_wait3A_735 = tpu.memref_slice %arg9[%dma_wait3A_734] : memref<10240xf32, #tpu.memory_space<vmem_shared>> -> memref<10240xf32, #tpu.memory_space<vmem_shared>>
        tpu.wait_indirect_dma semaphore(%run_scoped3A : memref<!tpu.dma_semaphore, #tpu.memory_space<semaphore_mem>>) src(%arg28 : memref<128xf32, #tpu.memory_space<vmem>>) dst(%dma_wait3A_735 : memref<10240xf32, #tpu.memory_space<vmem_shared>>)
        tpu.yield
      }) : () -> ()
      "tpu.region"() ({
        %run_scoped3A = tpu.sem_alloc : memref<!tpu.dma_semaphore, #tpu.memory_space<semaphore_mem>>
        %dma_start3A_732 = arith.constant 0 : i32
        %dma_start3A_733 = tpu.memref_slice %arg9[%dma_start3A_732] : memref<10240xf32, #tpu.memory_space<vmem_shared>> -> memref<10240xf32, #tpu.memory_space<vmem_shared>>
        tpu.enqueue_indirect_dma source(%arg28 : memref<128xf32, #tpu.memory_space<vmem>>) target(%dma_start3A_733 : memref<10240xf32, #tpu.memory_space<vmem_shared>>) offsets(%arg19 : memref<128xi32, #tpu.memory_space<vmem>>) semaphore(%run_scoped3A : memref<!tpu.dma_semaphore, #tpu.memory_space<semaphore_mem>>) {add = true}
        %dma_wait3A_734 = arith.constant 0 : i32
        %dma_wait3A_735 = tpu.memref_slice %arg9[%dma_wait3A_734] : memref<10240xf32, #tpu.memory_space<vmem_shared>> -> memref<10240xf32, #tpu.memory_space<vmem_shared>>
        tpu.wait_indirect_dma semaphore(%run_scoped3A : memref<!tpu.dma_semaphore, #tpu.memory_space<semaphore_mem>>) src(%arg28 : memref<128xf32, #tpu.memory_space<vmem>>) dst(%dma_wait3A_735 : memref<10240xf32, #tpu.memory_space<vmem_shared>>)
        tpu.yield
      }) : () -> ()
      %dma_wait3A_143 = arith.constant 0 : i32
      %dma_wait3A_144 = tpu.memref_slice %arg4[%dma_wait3A_143] : memref<10240xi32, #tpu.memory_space<hbm>> -> memref<10240xi32, #tpu.memory_space<hbm>>
      tpu.wait_indirect_dma semaphore(%arg31 : memref<!tpu.dma_semaphore, #tpu.memory_space<semaphore_mem>>) src(%dma_wait3A_144 : memref<10240xi32, #tpu.memory_space<hbm>>) dst(%arg20 : memref<128xi32, #tpu.memory_space<vmem>>)
      %dma_wait3A_145 = arith.constant 0 : i32
      %dma_wait3A_146 = tpu.memref_slice %arg4[%dma_wait3A_145] : memref<10240xi32, #tpu.memory_space<hbm>> -> memref<10240xi32, #tpu.memory_space<hbm>>
      tpu.wait_indirect_dma semaphore(%arg32 : memref<!tpu.dma_semaphore, #tpu.memory_space<semaphore_mem>>) src(%dma_wait3A_146 : memref<10240xi32, #tpu.memory_space<hbm>>) dst(%arg24 : memref<128xi32, #tpu.memory_space<vmem>>)
      %get3A = arith.constant 0 : index
      %get3A_147 = tpu.vector_load %arg20[%get3A] {strides = array<i32>} : memref<128xi32, #tpu.memory_space<vmem>>, vector<16xi32>,
      %get3A_148 = vector.shape_cast %get3A_147 : vector<16xi32> to vector<16xi32>
      %get3A_149 = arith.constant 0 : index
      %get3A_150 = tpu.vector_load %arg24[%get3A_149] {strides = array<i32>} : memref<128xi32, #tpu.memory_space<vmem>>, vector<16xi32>,
      %get3A_151 = vector.shape_cast %get3A_150 : vector<16xi32> to vector<16xi32>
      %eq3A_152 = arith.cmpi eq, %get3A_148, %get3A_151 : vector<16xi32>
      %mul3A_153 = arith.constant 512 : i32
      %mul3A_154 = vector.broadcast %mul3A_153 : i32 to vector<16xi32>
      %mul3A_155 = arith.muli %get3A_151, %mul3A_154 : vector<16xi32>
      %add3A_156 = arith.addi %mul3A_155, %get3A_148 : vector<16xi32>
      %jit3A = arith.constant 262144 : i32
      %broadcast_in_dim3A_157 = vector.broadcast %jit3A : i32 to vector<16xi32>
      %select_n3A = arith.select %eq3A_152, %broadcast_in_dim3A_157, %add3A_156 : vector<16xi1>, vector<16xi32>
      %swap3A_158 = arith.constant 0 : index
      %swap3A_159 = tpu.vector_load %arg20[%swap3A_158] {strides = array<i32>} : memref<128xi32, #tpu.memory_space<vmem>>, vector<16xi32>,
      %swap3A_160 = vector.shape_cast %swap3A_159 : vector<16xi32> to vector<16xi32>
      %swap3A_161 = vector.shape_cast %select_n3A : vector<16xi32> to vector<16xi32>
      tpu.vector_store %arg20[%swap3A_158], %swap3A_161 {strides = array<i32>} : memref<128xi32, #tpu.memory_space<vmem>>, vector<16xi32>,
      %get3A_162 = arith.constant 16 : index
      %get3A_163 = tpu.vector_load %arg20[%get3A_162] {strides = array<i32>} : memref<128xi32, #tpu.memory_space<vmem>>, vector<16xi32>,
      %get3A_164 = vector.shape_cast %get3A_163 : vector<16xi32> to vector<16xi32>
      %get3A_165 = arith.constant 16 : index
      %get3A_166 = tpu.vector_load %arg24[%get3A_165] {strides = array<i32>} : memref<128xi32, #tpu.memory_space<vmem>>, vector<16xi32>,
      %get3A_167 = vector.shape_cast %get3A_166 : vector<16xi32> to vector<16xi32>
      %eq3A_168 = arith.cmpi eq, %get3A_164, %get3A_167 : vector<16xi32>
      %mul3A_169 = arith.constant 512 : i32
      %mul3A_170 = vector.broadcast %mul3A_169 : i32 to vector<16xi32>
      %mul3A_171 = arith.muli %get3A_167, %mul3A_170 : vector<16xi32>
      %add3A_172 = arith.addi %mul3A_171, %get3A_164 : vector<16xi32>
      %jit3A_173 = arith.constant 262144 : i32
      %broadcast_in_dim3A_174 = vector.broadcast %jit3A_173 : i32 to vector<16xi32>
      %select_n3A_175 = arith.select %eq3A_168, %broadcast_in_dim3A_174, %add3A_172 : vector<16xi1>, vector<16xi32>
      %swap3A_176 = arith.constant 16 : index
      %swap3A_177 = tpu.vector_load %arg20[%swap3A_176] {strides = array<i32>} : memref<128xi32, #tpu.memory_space<vmem>>, vector<16xi32>,
      %swap3A_178 = vector.shape_cast %swap3A_177 : vector<16xi32> to vector<16xi32>
      %swap3A_179 = vector.shape_cast %select_n3A_175 : vector<16xi32> to vector<16xi32>
      tpu.vector_store %arg20[%swap3A_176], %swap3A_179 {strides = array<i32>} : memref<128xi32, #tpu.memory_space<vmem>>, vector<16xi32>,
      %get3A_180 = arith.constant 32 : index
      %get3A_181 = tpu.vector_load %arg20[%get3A_180] {strides = array<i32>} : memref<128xi32, #tpu.memory_space<vmem>>, vector<16xi32>,
      %get3A_182 = vector.shape_cast %get3A_181 : vector<16xi32> to vector<16xi32>
      %get3A_183 = arith.constant 32 : index
      %get3A_184 = tpu.vector_load %arg24[%get3A_183] {strides = array<i32>} : memref<128xi32, #tpu.memory_space<vmem>>, vector<16xi32>,
      %get3A_185 = vector.shape_cast %get3A_184 : vector<16xi32> to vector<16xi32>
      %eq3A_186 = arith.cmpi eq, %get3A_182, %get3A_185 : vector<16xi32>
      %mul3A_187 = arith.constant 512 : i32
      %mul3A_188 = vector.broadcast %mul3A_187 : i32 to vector<16xi32>
      %mul3A_189 = arith.muli %get3A_185, %mul3A_188 : vector<16xi32>
      %add3A_190 = arith.addi %mul3A_189, %get3A_182 : vector<16xi32>
      %jit3A_191 = arith.constant 262144 : i32
      %broadcast_in_dim3A_192 = vector.broadcast %jit3A_191 : i32 to vector<16xi32>
      %select_n3A_193 = arith.select %eq3A_186, %broadcast_in_dim3A_192, %add3A_190 : vector<16xi1>, vector<16xi32>
      %swap3A_194 = arith.constant 32 : index
      %swap3A_195 = tpu.vector_load %arg20[%swap3A_194] {strides = array<i32>} : memref<128xi32, #tpu.memory_space<vmem>>, vector<16xi32>,
      %swap3A_196 = vector.shape_cast %swap3A_195 : vector<16xi32> to vector<16xi32>
      %swap3A_197 = vector.shape_cast %select_n3A_193 : vector<16xi32> to vector<16xi32>
      tpu.vector_store %arg20[%swap3A_194], %swap3A_197 {strides = array<i32>} : memref<128xi32, #tpu.memory_space<vmem>>, vector<16xi32>,
      %get3A_198 = arith.constant 48 : index
      %get3A_199 = tpu.vector_load %arg20[%get3A_198] {strides = array<i32>} : memref<128xi32, #tpu.memory_space<vmem>>, vector<16xi32>,
      %get3A_200 = vector.shape_cast %get3A_199 : vector<16xi32> to vector<16xi32>
      %get3A_201 = arith.constant 48 : index
      %get3A_202 = tpu.vector_load %arg24[%get3A_201] {strides = array<i32>} : memref<128xi32, #tpu.memory_space<vmem>>, vector<16xi32>,
      %get3A_203 = vector.shape_cast %get3A_202 : vector<16xi32> to vector<16xi32>
      %eq3A_204 = arith.cmpi eq, %get3A_200, %get3A_203 : vector<16xi32>
      %mul3A_205 = arith.constant 512 : i32
      %mul3A_206 = vector.broadcast %mul3A_205 : i32 to vector<16xi32>
      %mul3A_207 = arith.muli %get3A_203, %mul3A_206 : vector<16xi32>
      %add3A_208 = arith.addi %mul3A_207, %get3A_200 : vector<16xi32>
      %jit3A_209 = arith.constant 262144 : i32
      %broadcast_in_dim3A_210 = vector.broadcast %jit3A_209 : i32 to vector<16xi32>
      %select_n3A_211 = arith.select %eq3A_204, %broadcast_in_dim3A_210, %add3A_208 : vector<16xi1>, vector<16xi32>
      %swap3A_212 = arith.constant 48 : index
      %swap3A_213 = tpu.vector_load %arg20[%swap3A_212] {strides = array<i32>} : memref<128xi32, #tpu.memory_space<vmem>>, vector<16xi32>,
      %swap3A_214 = vector.shape_cast %swap3A_213 : vector<16xi32> to vector<16xi32>
      %swap3A_215 = vector.shape_cast %select_n3A_211 : vector<16xi32> to vector<16xi32>
      tpu.vector_store %arg20[%swap3A_212], %swap3A_215 {strides = array<i32>} : memref<128xi32, #tpu.memory_space<vmem>>, vector<16xi32>,
      %get3A_216 = arith.constant 64 : index
      %get3A_217 = tpu.vector_load %arg20[%get3A_216] {strides = array<i32>} : memref<128xi32, #tpu.memory_space<vmem>>, vector<16xi32>,
      %get3A_218 = vector.shape_cast %get3A_217 : vector<16xi32> to vector<16xi32>
      %get3A_219 = arith.constant 64 : index
      %get3A_220 = tpu.vector_load %arg24[%get3A_219] {strides = array<i32>} : memref<128xi32, #tpu.memory_space<vmem>>, vector<16xi32>,
      %get3A_221 = vector.shape_cast %get3A_220 : vector<16xi32> to vector<16xi32>
      %eq3A_222 = arith.cmpi eq, %get3A_218, %get3A_221 : vector<16xi32>
      %mul3A_223 = arith.constant 512 : i32
      %mul3A_224 = vector.broadcast %mul3A_223 : i32 to vector<16xi32>
      %mul3A_225 = arith.muli %get3A_221, %mul3A_224 : vector<16xi32>
      %add3A_226 = arith.addi %mul3A_225, %get3A_218 : vector<16xi32>
      %jit3A_227 = arith.constant 262144 : i32
      %broadcast_in_dim3A_228 = vector.broadcast %jit3A_227 : i32 to vector<16xi32>
      %select_n3A_229 = arith.select %eq3A_222, %broadcast_in_dim3A_228, %add3A_226 : vector<16xi1>, vector<16xi32>
      %swap3A_230 = arith.constant 64 : index
      %swap3A_231 = tpu.vector_load %arg20[%swap3A_230] {strides = array<i32>} : memref<128xi32, #tpu.memory_space<vmem>>, vector<16xi32>,
      %swap3A_232 = vector.shape_cast %swap3A_231 : vector<16xi32> to vector<16xi32>
      %swap3A_233 = vector.shape_cast %select_n3A_229 : vector<16xi32> to vector<16xi32>
      tpu.vector_store %arg20[%swap3A_230], %swap3A_233 {strides = array<i32>} : memref<128xi32, #tpu.memory_space<vmem>>, vector<16xi32>,
      %get3A_234 = arith.constant 80 : index
      %get3A_235 = tpu.vector_load %arg20[%get3A_234] {strides = array<i32>} : memref<128xi32, #tpu.memory_space<vmem>>, vector<16xi32>,
      %get3A_236 = vector.shape_cast %get3A_235 : vector<16xi32> to vector<16xi32>
      %get3A_237 = arith.constant 80 : index
      %get3A_238 = tpu.vector_load %arg24[%get3A_237] {strides = array<i32>} : memref<128xi32, #tpu.memory_space<vmem>>, vector<16xi32>,
      %get3A_239 = vector.shape_cast %get3A_238 : vector<16xi32> to vector<16xi32>
      %eq3A_240 = arith.cmpi eq, %get3A_236, %get3A_239 : vector<16xi32>
      %mul3A_241 = arith.constant 512 : i32
      %mul3A_242 = vector.broadcast %mul3A_241 : i32 to vector<16xi32>
      %mul3A_243 = arith.muli %get3A_239, %mul3A_242 : vector<16xi32>
      %add3A_244 = arith.addi %mul3A_243, %get3A_236 : vector<16xi32>
      %jit3A_245 = arith.constant 262144 : i32
      %broadcast_in_dim3A_246 = vector.broadcast %jit3A_245 : i32 to vector<16xi32>
      %select_n3A_247 = arith.select %eq3A_240, %broadcast_in_dim3A_246, %add3A_244 : vector<16xi1>, vector<16xi32>
      %swap3A_248 = arith.constant 80 : index
      %swap3A_249 = tpu.vector_load %arg20[%swap3A_248] {strides = array<i32>} : memref<128xi32, #tpu.memory_space<vmem>>, vector<16xi32>,
      %swap3A_250 = vector.shape_cast %swap3A_249 : vector<16xi32> to vector<16xi32>
      %swap3A_251 = vector.shape_cast %select_n3A_247 : vector<16xi32> to vector<16xi32>
      tpu.vector_store %arg20[%swap3A_248], %swap3A_251 {strides = array<i32>} : memref<128xi32, #tpu.memory_space<vmem>>, vector<16xi32>,
      %get3A_252 = arith.constant 96 : index
      %get3A_253 = tpu.vector_load %arg20[%get3A_252] {strides = array<i32>} : memref<128xi32, #tpu.memory_space<vmem>>, vector<16xi32>,
      %get3A_254 = vector.shape_cast %get3A_253 : vector<16xi32> to vector<16xi32>
      %get3A_255 = arith.constant 96 : index
      %get3A_256 = tpu.vector_load %arg24[%get3A_255] {strides = array<i32>} : memref<128xi32, #tpu.memory_space<vmem>>, vector<16xi32>,
      %get3A_257 = vector.shape_cast %get3A_256 : vector<16xi32> to vector<16xi32>
      %eq3A_258 = arith.cmpi eq, %get3A_254, %get3A_257 : vector<16xi32>
      %mul3A_259 = arith.constant 512 : i32
      %mul3A_260 = vector.broadcast %mul3A_259 : i32 to vector<16xi32>
      %mul3A_261 = arith.muli %get3A_257, %mul3A_260 : vector<16xi32>
      %add3A_262 = arith.addi %mul3A_261, %get3A_254 : vector<16xi32>
      %jit3A_263 = arith.constant 262144 : i32
      %broadcast_in_dim3A_264 = vector.broadcast %jit3A_263 : i32 to vector<16xi32>
      %select_n3A_265 = arith.select %eq3A_258, %broadcast_in_dim3A_264, %add3A_262 : vector<16xi1>, vector<16xi32>
      %swap3A_266 = arith.constant 96 : index
      %swap3A_267 = tpu.vector_load %arg20[%swap3A_266] {strides = array<i32>} : memref<128xi32, #tpu.memory_space<vmem>>, vector<16xi32>,
      %swap3A_268 = vector.shape_cast %swap3A_267 : vector<16xi32> to vector<16xi32>
      %swap3A_269 = vector.shape_cast %select_n3A_265 : vector<16xi32> to vector<16xi32>
      tpu.vector_store %arg20[%swap3A_266], %swap3A_269 {strides = array<i32>} : memref<128xi32, #tpu.memory_space<vmem>>, vector<16xi32>,
      %get3A_270 = arith.constant 112 : index
      %get3A_271 = tpu.vector_load %arg20[%get3A_270] {strides = array<i32>} : memref<128xi32, #tpu.memory_space<vmem>>, vector<16xi32>,
      %get3A_272 = vector.shape_cast %get3A_271 : vector<16xi32> to vector<16xi32>
      %get3A_273 = arith.constant 112 : index
      %get3A_274 = tpu.vector_load %arg24[%get3A_273] {strides = array<i32>} : memref<128xi32, #tpu.memory_space<vmem>>, vector<16xi32>,
      %get3A_275 = vector.shape_cast %get3A_274 : vector<16xi32> to vector<16xi32>
      %eq3A_276 = arith.cmpi eq, %get3A_272, %get3A_275 : vector<16xi32>
      %mul3A_277 = arith.constant 512 : i32
      %mul3A_278 = vector.broadcast %mul3A_277 : i32 to vector<16xi32>
      %mul3A_279 = arith.muli %get3A_275, %mul3A_278 : vector<16xi32>
      %add3A_280 = arith.addi %mul3A_279, %get3A_272 : vector<16xi32>
      %jit3A_281 = arith.constant 262144 : i32
      %broadcast_in_dim3A_282 = vector.broadcast %jit3A_281 : i32 to vector<16xi32>
      %select_n3A_283 = arith.select %eq3A_276, %broadcast_in_dim3A_282, %add3A_280 : vector<16xi1>, vector<16xi32>
      %swap3A_284 = arith.constant 112 : index
      %swap3A_285 = tpu.vector_load %arg20[%swap3A_284] {strides = array<i32>} : memref<128xi32, #tpu.memory_space<vmem>>, vector<16xi32>,
      %swap3A_286 = vector.shape_cast %swap3A_285 : vector<16xi32> to vector<16xi32>
      %swap3A_287 = vector.shape_cast %select_n3A_283 : vector<16xi32> to vector<16xi32>
      tpu.vector_store %arg20[%swap3A_284], %swap3A_287 {strides = array<i32>} : memref<128xi32, #tpu.memory_space<vmem>>, vector<16xi32>,
      "tpu.region"() ({
        %run_scoped3A = tpu.sem_alloc : memref<!tpu.dma_semaphore, #tpu.memory_space<semaphore_mem>>
        %dma_start3A_732 = arith.constant 0 : i32
        %dma_start3A_733 = tpu.memref_slice %arg10[%dma_start3A_732] : memref<264192xf32, #tpu.memory_space<vmem_shared>> -> memref<264192xf32, #tpu.memory_space<vmem_shared>>
        tpu.enqueue_indirect_dma source(%arg28 : memref<128xf32, #tpu.memory_space<vmem>>) target(%dma_start3A_733 : memref<264192xf32, #tpu.memory_space<vmem_shared>>) offsets(%arg20 : memref<128xi32, #tpu.memory_space<vmem>>) semaphore(%run_scoped3A : memref<!tpu.dma_semaphore, #tpu.memory_space<semaphore_mem>>) {add = true}
        %dma_wait3A_734 = arith.constant 0 : i32
        %dma_wait3A_735 = tpu.memref_slice %arg10[%dma_wait3A_734] : memref<264192xf32, #tpu.memory_space<vmem_shared>> -> memref<264192xf32, #tpu.memory_space<vmem_shared>>
        tpu.wait_indirect_dma semaphore(%run_scoped3A : memref<!tpu.dma_semaphore, #tpu.memory_space<semaphore_mem>>) src(%arg28 : memref<128xf32, #tpu.memory_space<vmem>>) dst(%dma_wait3A_735 : memref<264192xf32, #tpu.memory_space<vmem_shared>>)
        tpu.yield
      }) : () -> ()
      %dma_wait3A_288 = arith.constant 0 : i32
      %dma_wait3A_289 = tpu.memref_slice %arg4[%dma_wait3A_288] : memref<10240xi32, #tpu.memory_space<hbm>> -> memref<10240xi32, #tpu.memory_space<hbm>>
      tpu.wait_indirect_dma semaphore(%arg31 : memref<!tpu.dma_semaphore, #tpu.memory_space<semaphore_mem>>) src(%dma_wait3A_289 : memref<10240xi32, #tpu.memory_space<hbm>>) dst(%arg21 : memref<128xi32, #tpu.memory_space<vmem>>)
      %dma_wait3A_290 = arith.constant 0 : i32
      %dma_wait3A_291 = tpu.memref_slice %arg4[%dma_wait3A_290] : memref<10240xi32, #tpu.memory_space<hbm>> -> memref<10240xi32, #tpu.memory_space<hbm>>
      tpu.wait_indirect_dma semaphore(%arg32 : memref<!tpu.dma_semaphore, #tpu.memory_space<semaphore_mem>>) src(%dma_wait3A_291 : memref<10240xi32, #tpu.memory_space<hbm>>) dst(%arg25 : memref<128xi32, #tpu.memory_space<vmem>>)
      %get3A_292 = arith.constant 0 : index
      %get3A_293 = tpu.vector_load %arg21[%get3A_292] {strides = array<i32>} : memref<128xi32, #tpu.memory_space<vmem>>, vector<16xi32>,
      %get3A_294 = vector.shape_cast %get3A_293 : vector<16xi32> to vector<16xi32>
      %get3A_295 = arith.constant 0 : index
      %get3A_296 = tpu.vector_load %arg25[%get3A_295] {strides = array<i32>} : memref<128xi32, #tpu.memory_space<vmem>>, vector<16xi32>,
      %get3A_297 = vector.shape_cast %get3A_296 : vector<16xi32> to vector<16xi32>
      %eq3A_298 = arith.cmpi eq, %get3A_294, %get3A_297 : vector<16xi32>
      %mul3A_299 = arith.constant 512 : i32
      %mul3A_300 = vector.broadcast %mul3A_299 : i32 to vector<16xi32>
      %mul3A_301 = arith.muli %get3A_297, %mul3A_300 : vector<16xi32>
      %add3A_302 = arith.addi %mul3A_301, %get3A_294 : vector<16xi32>
      %jit3A_303 = arith.constant 262144 : i32
      %broadcast_in_dim3A_304 = vector.broadcast %jit3A_303 : i32 to vector<16xi32>
      %select_n3A_305 = arith.select %eq3A_298, %broadcast_in_dim3A_304, %add3A_302 : vector<16xi1>, vector<16xi32>
      %swap3A_306 = arith.constant 0 : index
      %swap3A_307 = tpu.vector_load %arg21[%swap3A_306] {strides = array<i32>} : memref<128xi32, #tpu.memory_space<vmem>>, vector<16xi32>,
      %swap3A_308 = vector.shape_cast %swap3A_307 : vector<16xi32> to vector<16xi32>
      %swap3A_309 = vector.shape_cast %select_n3A_305 : vector<16xi32> to vector<16xi32>
      tpu.vector_store %arg21[%swap3A_306], %swap3A_309 {strides = array<i32>} : memref<128xi32, #tpu.memory_space<vmem>>, vector<16xi32>,
      %get3A_310 = arith.constant 16 : index
      %get3A_311 = tpu.vector_load %arg21[%get3A_310] {strides = array<i32>} : memref<128xi32, #tpu.memory_space<vmem>>, vector<16xi32>,
      %get3A_312 = vector.shape_cast %get3A_311 : vector<16xi32> to vector<16xi32>
      %get3A_313 = arith.constant 16 : index
      %get3A_314 = tpu.vector_load %arg25[%get3A_313] {strides = array<i32>} : memref<128xi32, #tpu.memory_space<vmem>>, vector<16xi32>,
      %get3A_315 = vector.shape_cast %get3A_314 : vector<16xi32> to vector<16xi32>
      %eq3A_316 = arith.cmpi eq, %get3A_312, %get3A_315 : vector<16xi32>
      %mul3A_317 = arith.constant 512 : i32
      %mul3A_318 = vector.broadcast %mul3A_317 : i32 to vector<16xi32>
      %mul3A_319 = arith.muli %get3A_315, %mul3A_318 : vector<16xi32>
      %add3A_320 = arith.addi %mul3A_319, %get3A_312 : vector<16xi32>
      %jit3A_321 = arith.constant 262144 : i32
      %broadcast_in_dim3A_322 = vector.broadcast %jit3A_321 : i32 to vector<16xi32>
      %select_n3A_323 = arith.select %eq3A_316, %broadcast_in_dim3A_322, %add3A_320 : vector<16xi1>, vector<16xi32>
      %swap3A_324 = arith.constant 16 : index
      %swap3A_325 = tpu.vector_load %arg21[%swap3A_324] {strides = array<i32>} : memref<128xi32, #tpu.memory_space<vmem>>, vector<16xi32>,
      %swap3A_326 = vector.shape_cast %swap3A_325 : vector<16xi32> to vector<16xi32>
      %swap3A_327 = vector.shape_cast %select_n3A_323 : vector<16xi32> to vector<16xi32>
      tpu.vector_store %arg21[%swap3A_324], %swap3A_327 {strides = array<i32>} : memref<128xi32, #tpu.memory_space<vmem>>, vector<16xi32>,
      %get3A_328 = arith.constant 32 : index
      %get3A_329 = tpu.vector_load %arg21[%get3A_328] {strides = array<i32>} : memref<128xi32, #tpu.memory_space<vmem>>, vector<16xi32>,
      %get3A_330 = vector.shape_cast %get3A_329 : vector<16xi32> to vector<16xi32>
      %get3A_331 = arith.constant 32 : index
      %get3A_332 = tpu.vector_load %arg25[%get3A_331] {strides = array<i32>} : memref<128xi32, #tpu.memory_space<vmem>>, vector<16xi32>,
      %get3A_333 = vector.shape_cast %get3A_332 : vector<16xi32> to vector<16xi32>
      %eq3A_334 = arith.cmpi eq, %get3A_330, %get3A_333 : vector<16xi32>
      %mul3A_335 = arith.constant 512 : i32
      %mul3A_336 = vector.broadcast %mul3A_335 : i32 to vector<16xi32>
      %mul3A_337 = arith.muli %get3A_333, %mul3A_336 : vector<16xi32>
      %add3A_338 = arith.addi %mul3A_337, %get3A_330 : vector<16xi32>
      %jit3A_339 = arith.constant 262144 : i32
      %broadcast_in_dim3A_340 = vector.broadcast %jit3A_339 : i32 to vector<16xi32>
      %select_n3A_341 = arith.select %eq3A_334, %broadcast_in_dim3A_340, %add3A_338 : vector<16xi1>, vector<16xi32>
      %swap3A_342 = arith.constant 32 : index
      %swap3A_343 = tpu.vector_load %arg21[%swap3A_342] {strides = array<i32>} : memref<128xi32, #tpu.memory_space<vmem>>, vector<16xi32>,
      %swap3A_344 = vector.shape_cast %swap3A_343 : vector<16xi32> to vector<16xi32>
      %swap3A_345 = vector.shape_cast %select_n3A_341 : vector<16xi32> to vector<16xi32>
      tpu.vector_store %arg21[%swap3A_342], %swap3A_345 {strides = array<i32>} : memref<128xi32, #tpu.memory_space<vmem>>, vector<16xi32>,
      %get3A_346 = arith.constant 48 : index
      %get3A_347 = tpu.vector_load %arg21[%get3A_346] {strides = array<i32>} : memref<128xi32, #tpu.memory_space<vmem>>, vector<16xi32>,
      %get3A_348 = vector.shape_cast %get3A_347 : vector<16xi32> to vector<16xi32>
      %get3A_349 = arith.constant 48 : index
      %get3A_350 = tpu.vector_load %arg25[%get3A_349] {strides = array<i32>} : memref<128xi32, #tpu.memory_space<vmem>>, vector<16xi32>,
      %get3A_351 = vector.shape_cast %get3A_350 : vector<16xi32> to vector<16xi32>
      %eq3A_352 = arith.cmpi eq, %get3A_348, %get3A_351 : vector<16xi32>
      %mul3A_353 = arith.constant 512 : i32
      %mul3A_354 = vector.broadcast %mul3A_353 : i32 to vector<16xi32>
      %mul3A_355 = arith.muli %get3A_351, %mul3A_354 : vector<16xi32>
      %add3A_356 = arith.addi %mul3A_355, %get3A_348 : vector<16xi32>
      %jit3A_357 = arith.constant 262144 : i32
      %broadcast_in_dim3A_358 = vector.broadcast %jit3A_357 : i32 to vector<16xi32>
      %select_n3A_359 = arith.select %eq3A_352, %broadcast_in_dim3A_358, %add3A_356 : vector<16xi1>, vector<16xi32>
      %swap3A_360 = arith.constant 48 : index
      %swap3A_361 = tpu.vector_load %arg21[%swap3A_360] {strides = array<i32>} : memref<128xi32, #tpu.memory_space<vmem>>, vector<16xi32>,
      %swap3A_362 = vector.shape_cast %swap3A_361 : vector<16xi32> to vector<16xi32>
      %swap3A_363 = vector.shape_cast %select_n3A_359 : vector<16xi32> to vector<16xi32>
      tpu.vector_store %arg21[%swap3A_360], %swap3A_363 {strides = array<i32>} : memref<128xi32, #tpu.memory_space<vmem>>, vector<16xi32>,
      %get3A_364 = arith.constant 64 : index
      %get3A_365 = tpu.vector_load %arg21[%get3A_364] {strides = array<i32>} : memref<128xi32, #tpu.memory_space<vmem>>, vector<16xi32>,
      %get3A_366 = vector.shape_cast %get3A_365 : vector<16xi32> to vector<16xi32>
      %get3A_367 = arith.constant 64 : index
      %get3A_368 = tpu.vector_load %arg25[%get3A_367] {strides = array<i32>} : memref<128xi32, #tpu.memory_space<vmem>>, vector<16xi32>,
      %get3A_369 = vector.shape_cast %get3A_368 : vector<16xi32> to vector<16xi32>
      %eq3A_370 = arith.cmpi eq, %get3A_366, %get3A_369 : vector<16xi32>
      %mul3A_371 = arith.constant 512 : i32
      %mul3A_372 = vector.broadcast %mul3A_371 : i32 to vector<16xi32>
      %mul3A_373 = arith.muli %get3A_369, %mul3A_372 : vector<16xi32>
      %add3A_374 = arith.addi %mul3A_373, %get3A_366 : vector<16xi32>
      %jit3A_375 = arith.constant 262144 : i32
      %broadcast_in_dim3A_376 = vector.broadcast %jit3A_375 : i32 to vector<16xi32>
      %select_n3A_377 = arith.select %eq3A_370, %broadcast_in_dim3A_376, %add3A_374 : vector<16xi1>, vector<16xi32>
      %swap3A_378 = arith.constant 64 : index
      %swap3A_379 = tpu.vector_load %arg21[%swap3A_378] {strides = array<i32>} : memref<128xi32, #tpu.memory_space<vmem>>, vector<16xi32>,
      %swap3A_380 = vector.shape_cast %swap3A_379 : vector<16xi32> to vector<16xi32>
      %swap3A_381 = vector.shape_cast %select_n3A_377 : vector<16xi32> to vector<16xi32>
      tpu.vector_store %arg21[%swap3A_378], %swap3A_381 {strides = array<i32>} : memref<128xi32, #tpu.memory_space<vmem>>, vector<16xi32>,
      %get3A_382 = arith.constant 80 : index
      %get3A_383 = tpu.vector_load %arg21[%get3A_382] {strides = array<i32>} : memref<128xi32, #tpu.memory_space<vmem>>, vector<16xi32>,
      %get3A_384 = vector.shape_cast %get3A_383 : vector<16xi32> to vector<16xi32>
      %get3A_385 = arith.constant 80 : index
      %get3A_386 = tpu.vector_load %arg25[%get3A_385] {strides = array<i32>} : memref<128xi32, #tpu.memory_space<vmem>>, vector<16xi32>,
      %get3A_387 = vector.shape_cast %get3A_386 : vector<16xi32> to vector<16xi32>
      %eq3A_388 = arith.cmpi eq, %get3A_384, %get3A_387 : vector<16xi32>
      %mul3A_389 = arith.constant 512 : i32
      %mul3A_390 = vector.broadcast %mul3A_389 : i32 to vector<16xi32>
      %mul3A_391 = arith.muli %get3A_387, %mul3A_390 : vector<16xi32>
      %add3A_392 = arith.addi %mul3A_391, %get3A_384 : vector<16xi32>
      %jit3A_393 = arith.constant 262144 : i32
      %broadcast_in_dim3A_394 = vector.broadcast %jit3A_393 : i32 to vector<16xi32>
      %select_n3A_395 = arith.select %eq3A_388, %broadcast_in_dim3A_394, %add3A_392 : vector<16xi1>, vector<16xi32>
      %swap3A_396 = arith.constant 80 : index
      %swap3A_397 = tpu.vector_load %arg21[%swap3A_396] {strides = array<i32>} : memref<128xi32, #tpu.memory_space<vmem>>, vector<16xi32>,
      %swap3A_398 = vector.shape_cast %swap3A_397 : vector<16xi32> to vector<16xi32>
      %swap3A_399 = vector.shape_cast %select_n3A_395 : vector<16xi32> to vector<16xi32>
      tpu.vector_store %arg21[%swap3A_396], %swap3A_399 {strides = array<i32>} : memref<128xi32, #tpu.memory_space<vmem>>, vector<16xi32>,
      %get3A_400 = arith.constant 96 : index
      %get3A_401 = tpu.vector_load %arg21[%get3A_400] {strides = array<i32>} : memref<128xi32, #tpu.memory_space<vmem>>, vector<16xi32>,
      %get3A_402 = vector.shape_cast %get3A_401 : vector<16xi32> to vector<16xi32>
      %get3A_403 = arith.constant 96 : index
      %get3A_404 = tpu.vector_load %arg25[%get3A_403] {strides = array<i32>} : memref<128xi32, #tpu.memory_space<vmem>>, vector<16xi32>,
      %get3A_405 = vector.shape_cast %get3A_404 : vector<16xi32> to vector<16xi32>
      %eq3A_406 = arith.cmpi eq, %get3A_402, %get3A_405 : vector<16xi32>
      %mul3A_407 = arith.constant 512 : i32
      %mul3A_408 = vector.broadcast %mul3A_407 : i32 to vector<16xi32>
      %mul3A_409 = arith.muli %get3A_405, %mul3A_408 : vector<16xi32>
      %add3A_410 = arith.addi %mul3A_409, %get3A_402 : vector<16xi32>
      %jit3A_411 = arith.constant 262144 : i32
      %broadcast_in_dim3A_412 = vector.broadcast %jit3A_411 : i32 to vector<16xi32>
      %select_n3A_413 = arith.select %eq3A_406, %broadcast_in_dim3A_412, %add3A_410 : vector<16xi1>, vector<16xi32>
      %swap3A_414 = arith.constant 96 : index
      %swap3A_415 = tpu.vector_load %arg21[%swap3A_414] {strides = array<i32>} : memref<128xi32, #tpu.memory_space<vmem>>, vector<16xi32>,
      %swap3A_416 = vector.shape_cast %swap3A_415 : vector<16xi32> to vector<16xi32>
      %swap3A_417 = vector.shape_cast %select_n3A_413 : vector<16xi32> to vector<16xi32>
      tpu.vector_store %arg21[%swap3A_414], %swap3A_417 {strides = array<i32>} : memref<128xi32, #tpu.memory_space<vmem>>, vector<16xi32>,
      %get3A_418 = arith.constant 112 : index
      %get3A_419 = tpu.vector_load %arg21[%get3A_418] {strides = array<i32>} : memref<128xi32, #tpu.memory_space<vmem>>, vector<16xi32>,
      %get3A_420 = vector.shape_cast %get3A_419 : vector<16xi32> to vector<16xi32>
      %get3A_421 = arith.constant 112 : index
      %get3A_422 = tpu.vector_load %arg25[%get3A_421] {strides = array<i32>} : memref<128xi32, #tpu.memory_space<vmem>>, vector<16xi32>,
      %get3A_423 = vector.shape_cast %get3A_422 : vector<16xi32> to vector<16xi32>
      %eq3A_424 = arith.cmpi eq, %get3A_420, %get3A_423 : vector<16xi32>
      %mul3A_425 = arith.constant 512 : i32
      %mul3A_426 = vector.broadcast %mul3A_425 : i32 to vector<16xi32>
      %mul3A_427 = arith.muli %get3A_423, %mul3A_426 : vector<16xi32>
      %add3A_428 = arith.addi %mul3A_427, %get3A_420 : vector<16xi32>
      %jit3A_429 = arith.constant 262144 : i32
      %broadcast_in_dim3A_430 = vector.broadcast %jit3A_429 : i32 to vector<16xi32>
      %select_n3A_431 = arith.select %eq3A_424, %broadcast_in_dim3A_430, %add3A_428 : vector<16xi1>, vector<16xi32>
      %swap3A_432 = arith.constant 112 : index
      %swap3A_433 = tpu.vector_load %arg21[%swap3A_432] {strides = array<i32>} : memref<128xi32, #tpu.memory_space<vmem>>, vector<16xi32>,
      %swap3A_434 = vector.shape_cast %swap3A_433 : vector<16xi32> to vector<16xi32>
      %swap3A_435 = vector.shape_cast %select_n3A_431 : vector<16xi32> to vector<16xi32>
      tpu.vector_store %arg21[%swap3A_432], %swap3A_435 {strides = array<i32>} : memref<128xi32, #tpu.memory_space<vmem>>, vector<16xi32>,
      "tpu.region"() ({
        %run_scoped3A = tpu.sem_alloc : memref<!tpu.dma_semaphore, #tpu.memory_space<semaphore_mem>>
        %dma_start3A_732 = arith.constant 0 : i32
        %dma_start3A_733 = tpu.memref_slice %arg10[%dma_start3A_732] : memref<264192xf32, #tpu.memory_space<vmem_shared>> -> memref<264192xf32, #tpu.memory_space<vmem_shared>>
        tpu.enqueue_indirect_dma source(%arg28 : memref<128xf32, #tpu.memory_space<vmem>>) target(%dma_start3A_733 : memref<264192xf32, #tpu.memory_space<vmem_shared>>) offsets(%arg21 : memref<128xi32, #tpu.memory_space<vmem>>) semaphore(%run_scoped3A : memref<!tpu.dma_semaphore, #tpu.memory_space<semaphore_mem>>) {add = true}
        %dma_wait3A_734 = arith.constant 0 : i32
        %dma_wait3A_735 = tpu.memref_slice %arg10[%dma_wait3A_734] : memref<264192xf32, #tpu.memory_space<vmem_shared>> -> memref<264192xf32, #tpu.memory_space<vmem_shared>>
        tpu.wait_indirect_dma semaphore(%run_scoped3A : memref<!tpu.dma_semaphore, #tpu.memory_space<semaphore_mem>>) src(%arg28 : memref<128xf32, #tpu.memory_space<vmem>>) dst(%dma_wait3A_735 : memref<264192xf32, #tpu.memory_space<vmem_shared>>)
        tpu.yield
      }) : () -> ()
      %dma_wait3A_436 = arith.constant 0 : i32
      %dma_wait3A_437 = tpu.memref_slice %arg4[%dma_wait3A_436] : memref<10240xi32, #tpu.memory_space<hbm>> -> memref<10240xi32, #tpu.memory_space<hbm>>
      tpu.wait_indirect_dma semaphore(%arg31 : memref<!tpu.dma_semaphore, #tpu.memory_space<semaphore_mem>>) src(%dma_wait3A_437 : memref<10240xi32, #tpu.memory_space<hbm>>) dst(%arg22 : memref<128xi32, #tpu.memory_space<vmem>>)
      %dma_wait3A_438 = arith.constant 0 : i32
      %dma_wait3A_439 = tpu.memref_slice %arg4[%dma_wait3A_438] : memref<10240xi32, #tpu.memory_space<hbm>> -> memref<10240xi32, #tpu.memory_space<hbm>>
      tpu.wait_indirect_dma semaphore(%arg32 : memref<!tpu.dma_semaphore, #tpu.memory_space<semaphore_mem>>) src(%dma_wait3A_439 : memref<10240xi32, #tpu.memory_space<hbm>>) dst(%arg26 : memref<128xi32, #tpu.memory_space<vmem>>)
      %get3A_440 = arith.constant 0 : index
      %get3A_441 = tpu.vector_load %arg22[%get3A_440] {strides = array<i32>} : memref<128xi32, #tpu.memory_space<vmem>>, vector<16xi32>,
      %get3A_442 = vector.shape_cast %get3A_441 : vector<16xi32> to vector<16xi32>
      %get3A_443 = arith.constant 0 : index
      %get3A_444 = tpu.vector_load %arg26[%get3A_443] {strides = array<i32>} : memref<128xi32, #tpu.memory_space<vmem>>, vector<16xi32>,
      %get3A_445 = vector.shape_cast %get3A_444 : vector<16xi32> to vector<16xi32>
      %eq3A_446 = arith.cmpi eq, %get3A_442, %get3A_445 : vector<16xi32>
      %mul3A_447 = arith.constant 512 : i32
      %mul3A_448 = vector.broadcast %mul3A_447 : i32 to vector<16xi32>
      %mul3A_449 = arith.muli %get3A_445, %mul3A_448 : vector<16xi32>
      %add3A_450 = arith.addi %mul3A_449, %get3A_442 : vector<16xi32>
      %jit3A_451 = arith.constant 262144 : i32
      %broadcast_in_dim3A_452 = vector.broadcast %jit3A_451 : i32 to vector<16xi32>
      %select_n3A_453 = arith.select %eq3A_446, %broadcast_in_dim3A_452, %add3A_450 : vector<16xi1>, vector<16xi32>
      %swap3A_454 = arith.constant 0 : index
      %swap3A_455 = tpu.vector_load %arg22[%swap3A_454] {strides = array<i32>} : memref<128xi32, #tpu.memory_space<vmem>>, vector<16xi32>,
      %swap3A_456 = vector.shape_cast %swap3A_455 : vector<16xi32> to vector<16xi32>
      %swap3A_457 = vector.shape_cast %select_n3A_453 : vector<16xi32> to vector<16xi32>
      tpu.vector_store %arg22[%swap3A_454], %swap3A_457 {strides = array<i32>} : memref<128xi32, #tpu.memory_space<vmem>>, vector<16xi32>,
      %get3A_458 = arith.constant 16 : index
      %get3A_459 = tpu.vector_load %arg22[%get3A_458] {strides = array<i32>} : memref<128xi32, #tpu.memory_space<vmem>>, vector<16xi32>,
      %get3A_460 = vector.shape_cast %get3A_459 : vector<16xi32> to vector<16xi32>
      %get3A_461 = arith.constant 16 : index
      %get3A_462 = tpu.vector_load %arg26[%get3A_461] {strides = array<i32>} : memref<128xi32, #tpu.memory_space<vmem>>, vector<16xi32>,
      %get3A_463 = vector.shape_cast %get3A_462 : vector<16xi32> to vector<16xi32>
      %eq3A_464 = arith.cmpi eq, %get3A_460, %get3A_463 : vector<16xi32>
      %mul3A_465 = arith.constant 512 : i32
      %mul3A_466 = vector.broadcast %mul3A_465 : i32 to vector<16xi32>
      %mul3A_467 = arith.muli %get3A_463, %mul3A_466 : vector<16xi32>
      %add3A_468 = arith.addi %mul3A_467, %get3A_460 : vector<16xi32>
      %jit3A_469 = arith.constant 262144 : i32
      %broadcast_in_dim3A_470 = vector.broadcast %jit3A_469 : i32 to vector<16xi32>
      %select_n3A_471 = arith.select %eq3A_464, %broadcast_in_dim3A_470, %add3A_468 : vector<16xi1>, vector<16xi32>
      %swap3A_472 = arith.constant 16 : index
      %swap3A_473 = tpu.vector_load %arg22[%swap3A_472] {strides = array<i32>} : memref<128xi32, #tpu.memory_space<vmem>>, vector<16xi32>,
      %swap3A_474 = vector.shape_cast %swap3A_473 : vector<16xi32> to vector<16xi32>
      %swap3A_475 = vector.shape_cast %select_n3A_471 : vector<16xi32> to vector<16xi32>
      tpu.vector_store %arg22[%swap3A_472], %swap3A_475 {strides = array<i32>} : memref<128xi32, #tpu.memory_space<vmem>>, vector<16xi32>,
      %get3A_476 = arith.constant 32 : index
      %get3A_477 = tpu.vector_load %arg22[%get3A_476] {strides = array<i32>} : memref<128xi32, #tpu.memory_space<vmem>>, vector<16xi32>,
      %get3A_478 = vector.shape_cast %get3A_477 : vector<16xi32> to vector<16xi32>
      %get3A_479 = arith.constant 32 : index
      %get3A_480 = tpu.vector_load %arg26[%get3A_479] {strides = array<i32>} : memref<128xi32, #tpu.memory_space<vmem>>, vector<16xi32>,
      %get3A_481 = vector.shape_cast %get3A_480 : vector<16xi32> to vector<16xi32>
      %eq3A_482 = arith.cmpi eq, %get3A_478, %get3A_481 : vector<16xi32>
      %mul3A_483 = arith.constant 512 : i32
      %mul3A_484 = vector.broadcast %mul3A_483 : i32 to vector<16xi32>
      %mul3A_485 = arith.muli %get3A_481, %mul3A_484 : vector<16xi32>
      %add3A_486 = arith.addi %mul3A_485, %get3A_478 : vector<16xi32>
      %jit3A_487 = arith.constant 262144 : i32
      %broadcast_in_dim3A_488 = vector.broadcast %jit3A_487 : i32 to vector<16xi32>
      %select_n3A_489 = arith.select %eq3A_482, %broadcast_in_dim3A_488, %add3A_486 : vector<16xi1>, vector<16xi32>
      %swap3A_490 = arith.constant 32 : index
      %swap3A_491 = tpu.vector_load %arg22[%swap3A_490] {strides = array<i32>} : memref<128xi32, #tpu.memory_space<vmem>>, vector<16xi32>,
      %swap3A_492 = vector.shape_cast %swap3A_491 : vector<16xi32> to vector<16xi32>
      %swap3A_493 = vector.shape_cast %select_n3A_489 : vector<16xi32> to vector<16xi32>
      tpu.vector_store %arg22[%swap3A_490], %swap3A_493 {strides = array<i32>} : memref<128xi32, #tpu.memory_space<vmem>>, vector<16xi32>,
      %get3A_494 = arith.constant 48 : index
      %get3A_495 = tpu.vector_load %arg22[%get3A_494] {strides = array<i32>} : memref<128xi32, #tpu.memory_space<vmem>>, vector<16xi32>,
      %get3A_496 = vector.shape_cast %get3A_495 : vector<16xi32> to vector<16xi32>
      %get3A_497 = arith.constant 48 : index
      %get3A_498 = tpu.vector_load %arg26[%get3A_497] {strides = array<i32>} : memref<128xi32, #tpu.memory_space<vmem>>, vector<16xi32>,
      %get3A_499 = vector.shape_cast %get3A_498 : vector<16xi32> to vector<16xi32>
      %eq3A_500 = arith.cmpi eq, %get3A_496, %get3A_499 : vector<16xi32>
      %mul3A_501 = arith.constant 512 : i32
      %mul3A_502 = vector.broadcast %mul3A_501 : i32 to vector<16xi32>
      %mul3A_503 = arith.muli %get3A_499, %mul3A_502 : vector<16xi32>
      %add3A_504 = arith.addi %mul3A_503, %get3A_496 : vector<16xi32>
      %jit3A_505 = arith.constant 262144 : i32
      %broadcast_in_dim3A_506 = vector.broadcast %jit3A_505 : i32 to vector<16xi32>
      %select_n3A_507 = arith.select %eq3A_500, %broadcast_in_dim3A_506, %add3A_504 : vector<16xi1>, vector<16xi32>
      %swap3A_508 = arith.constant 48 : index
      %swap3A_509 = tpu.vector_load %arg22[%swap3A_508] {strides = array<i32>} : memref<128xi32, #tpu.memory_space<vmem>>, vector<16xi32>,
      %swap3A_510 = vector.shape_cast %swap3A_509 : vector<16xi32> to vector<16xi32>
      %swap3A_511 = vector.shape_cast %select_n3A_507 : vector<16xi32> to vector<16xi32>
      tpu.vector_store %arg22[%swap3A_508], %swap3A_511 {strides = array<i32>} : memref<128xi32, #tpu.memory_space<vmem>>, vector<16xi32>,
      %get3A_512 = arith.constant 64 : index
      %get3A_513 = tpu.vector_load %arg22[%get3A_512] {strides = array<i32>} : memref<128xi32, #tpu.memory_space<vmem>>, vector<16xi32>,
      %get3A_514 = vector.shape_cast %get3A_513 : vector<16xi32> to vector<16xi32>
      %get3A_515 = arith.constant 64 : index
      %get3A_516 = tpu.vector_load %arg26[%get3A_515] {strides = array<i32>} : memref<128xi32, #tpu.memory_space<vmem>>, vector<16xi32>,
      %get3A_517 = vector.shape_cast %get3A_516 : vector<16xi32> to vector<16xi32>
      %eq3A_518 = arith.cmpi eq, %get3A_514, %get3A_517 : vector<16xi32>
      %mul3A_519 = arith.constant 512 : i32
      %mul3A_520 = vector.broadcast %mul3A_519 : i32 to vector<16xi32>
      %mul3A_521 = arith.muli %get3A_517, %mul3A_520 : vector<16xi32>
      %add3A_522 = arith.addi %mul3A_521, %get3A_514 : vector<16xi32>
      %jit3A_523 = arith.constant 262144 : i32
      %broadcast_in_dim3A_524 = vector.broadcast %jit3A_523 : i32 to vector<16xi32>
      %select_n3A_525 = arith.select %eq3A_518, %broadcast_in_dim3A_524, %add3A_522 : vector<16xi1>, vector<16xi32>
      %swap3A_526 = arith.constant 64 : index
      %swap3A_527 = tpu.vector_load %arg22[%swap3A_526] {strides = array<i32>} : memref<128xi32, #tpu.memory_space<vmem>>, vector<16xi32>,
      %swap3A_528 = vector.shape_cast %swap3A_527 : vector<16xi32> to vector<16xi32>
      %swap3A_529 = vector.shape_cast %select_n3A_525 : vector<16xi32> to vector<16xi32>
      tpu.vector_store %arg22[%swap3A_526], %swap3A_529 {strides = array<i32>} : memref<128xi32, #tpu.memory_space<vmem>>, vector<16xi32>,
      %get3A_530 = arith.constant 80 : index
      %get3A_531 = tpu.vector_load %arg22[%get3A_530] {strides = array<i32>} : memref<128xi32, #tpu.memory_space<vmem>>, vector<16xi32>,
      %get3A_532 = vector.shape_cast %get3A_531 : vector<16xi32> to vector<16xi32>
      %get3A_533 = arith.constant 80 : index
      %get3A_534 = tpu.vector_load %arg26[%get3A_533] {strides = array<i32>} : memref<128xi32, #tpu.memory_space<vmem>>, vector<16xi32>,
      %get3A_535 = vector.shape_cast %get3A_534 : vector<16xi32> to vector<16xi32>
      %eq3A_536 = arith.cmpi eq, %get3A_532, %get3A_535 : vector<16xi32>
      %mul3A_537 = arith.constant 512 : i32
      %mul3A_538 = vector.broadcast %mul3A_537 : i32 to vector<16xi32>
      %mul3A_539 = arith.muli %get3A_535, %mul3A_538 : vector<16xi32>
      %add3A_540 = arith.addi %mul3A_539, %get3A_532 : vector<16xi32>
      %jit3A_541 = arith.constant 262144 : i32
      %broadcast_in_dim3A_542 = vector.broadcast %jit3A_541 : i32 to vector<16xi32>
      %select_n3A_543 = arith.select %eq3A_536, %broadcast_in_dim3A_542, %add3A_540 : vector<16xi1>, vector<16xi32>
      %swap3A_544 = arith.constant 80 : index
      %swap3A_545 = tpu.vector_load %arg22[%swap3A_544] {strides = array<i32>} : memref<128xi32, #tpu.memory_space<vmem>>, vector<16xi32>,
      %swap3A_546 = vector.shape_cast %swap3A_545 : vector<16xi32> to vector<16xi32>
      %swap3A_547 = vector.shape_cast %select_n3A_543 : vector<16xi32> to vector<16xi32>
      tpu.vector_store %arg22[%swap3A_544], %swap3A_547 {strides = array<i32>} : memref<128xi32, #tpu.memory_space<vmem>>, vector<16xi32>,
      %get3A_548 = arith.constant 96 : index
      %get3A_549 = tpu.vector_load %arg22[%get3A_548] {strides = array<i32>} : memref<128xi32, #tpu.memory_space<vmem>>, vector<16xi32>,
      %get3A_550 = vector.shape_cast %get3A_549 : vector<16xi32> to vector<16xi32>
      %get3A_551 = arith.constant 96 : index
      %get3A_552 = tpu.vector_load %arg26[%get3A_551] {strides = array<i32>} : memref<128xi32, #tpu.memory_space<vmem>>, vector<16xi32>,
      %get3A_553 = vector.shape_cast %get3A_552 : vector<16xi32> to vector<16xi32>
      %eq3A_554 = arith.cmpi eq, %get3A_550, %get3A_553 : vector<16xi32>
      %mul3A_555 = arith.constant 512 : i32
      %mul3A_556 = vector.broadcast %mul3A_555 : i32 to vector<16xi32>
      %mul3A_557 = arith.muli %get3A_553, %mul3A_556 : vector<16xi32>
      %add3A_558 = arith.addi %mul3A_557, %get3A_550 : vector<16xi32>
      %jit3A_559 = arith.constant 262144 : i32
      %broadcast_in_dim3A_560 = vector.broadcast %jit3A_559 : i32 to vector<16xi32>
      %select_n3A_561 = arith.select %eq3A_554, %broadcast_in_dim3A_560, %add3A_558 : vector<16xi1>, vector<16xi32>
      %swap3A_562 = arith.constant 96 : index
      %swap3A_563 = tpu.vector_load %arg22[%swap3A_562] {strides = array<i32>} : memref<128xi32, #tpu.memory_space<vmem>>, vector<16xi32>,
      %swap3A_564 = vector.shape_cast %swap3A_563 : vector<16xi32> to vector<16xi32>
      %swap3A_565 = vector.shape_cast %select_n3A_561 : vector<16xi32> to vector<16xi32>
      tpu.vector_store %arg22[%swap3A_562], %swap3A_565 {strides = array<i32>} : memref<128xi32, #tpu.memory_space<vmem>>, vector<16xi32>,
      %get3A_566 = arith.constant 112 : index
      %get3A_567 = tpu.vector_load %arg22[%get3A_566] {strides = array<i32>} : memref<128xi32, #tpu.memory_space<vmem>>, vector<16xi32>,
      %get3A_568 = vector.shape_cast %get3A_567 : vector<16xi32> to vector<16xi32>
      %get3A_569 = arith.constant 112 : index
      %get3A_570 = tpu.vector_load %arg26[%get3A_569] {strides = array<i32>} : memref<128xi32, #tpu.memory_space<vmem>>, vector<16xi32>,
      %get3A_571 = vector.shape_cast %get3A_570 : vector<16xi32> to vector<16xi32>
      %eq3A_572 = arith.cmpi eq, %get3A_568, %get3A_571 : vector<16xi32>
      %mul3A_573 = arith.constant 512 : i32
      %mul3A_574 = vector.broadcast %mul3A_573 : i32 to vector<16xi32>
      %mul3A_575 = arith.muli %get3A_571, %mul3A_574 : vector<16xi32>
      %add3A_576 = arith.addi %mul3A_575, %get3A_568 : vector<16xi32>
      %jit3A_577 = arith.constant 262144 : i32
      %broadcast_in_dim3A_578 = vector.broadcast %jit3A_577 : i32 to vector<16xi32>
      %select_n3A_579 = arith.select %eq3A_572, %broadcast_in_dim3A_578, %add3A_576 : vector<16xi1>, vector<16xi32>
      %swap3A_580 = arith.constant 112 : index
      %swap3A_581 = tpu.vector_load %arg22[%swap3A_580] {strides = array<i32>} : memref<128xi32, #tpu.memory_space<vmem>>, vector<16xi32>,
      %swap3A_582 = vector.shape_cast %swap3A_581 : vector<16xi32> to vector<16xi32>
      %swap3A_583 = vector.shape_cast %select_n3A_579 : vector<16xi32> to vector<16xi32>
      tpu.vector_store %arg22[%swap3A_580], %swap3A_583 {strides = array<i32>} : memref<128xi32, #tpu.memory_space<vmem>>, vector<16xi32>,
      "tpu.region"() ({
        %run_scoped3A = tpu.sem_alloc : memref<!tpu.dma_semaphore, #tpu.memory_space<semaphore_mem>>
        %dma_start3A_732 = arith.constant 0 : i32
        %dma_start3A_733 = tpu.memref_slice %arg10[%dma_start3A_732] : memref<264192xf32, #tpu.memory_space<vmem_shared>> -> memref<264192xf32, #tpu.memory_space<vmem_shared>>
        tpu.enqueue_indirect_dma source(%arg28 : memref<128xf32, #tpu.memory_space<vmem>>) target(%dma_start3A_733 : memref<264192xf32, #tpu.memory_space<vmem_shared>>) offsets(%arg22 : memref<128xi32, #tpu.memory_space<vmem>>) semaphore(%run_scoped3A : memref<!tpu.dma_semaphore, #tpu.memory_space<semaphore_mem>>) {add = true}
        %dma_wait3A_734 = arith.constant 0 : i32
        %dma_wait3A_735 = tpu.memref_slice %arg10[%dma_wait3A_734] : memref<264192xf32, #tpu.memory_space<vmem_shared>> -> memref<264192xf32, #tpu.memory_space<vmem_shared>>
        tpu.wait_indirect_dma semaphore(%run_scoped3A : memref<!tpu.dma_semaphore, #tpu.memory_space<semaphore_mem>>) src(%arg28 : memref<128xf32, #tpu.memory_space<vmem>>) dst(%dma_wait3A_735 : memref<264192xf32, #tpu.memory_space<vmem_shared>>)
        tpu.yield
      }) : () -> ()
      %dma_wait3A_584 = arith.constant 0 : i32
      %dma_wait3A_585 = tpu.memref_slice %arg4[%dma_wait3A_584] : memref<10240xi32, #tpu.memory_space<hbm>> -> memref<10240xi32, #tpu.memory_space<hbm>>
      tpu.wait_indirect_dma semaphore(%arg31 : memref<!tpu.dma_semaphore, #tpu.memory_space<semaphore_mem>>) src(%dma_wait3A_585 : memref<10240xi32, #tpu.memory_space<hbm>>) dst(%arg23 : memref<128xi32, #tpu.memory_space<vmem>>)
      %dma_wait3A_586 = arith.constant 0 : i32
      %dma_wait3A_587 = tpu.memref_slice %arg4[%dma_wait3A_586] : memref<10240xi32, #tpu.memory_space<hbm>> -> memref<10240xi32, #tpu.memory_space<hbm>>
      tpu.wait_indirect_dma semaphore(%arg32 : memref<!tpu.dma_semaphore, #tpu.memory_space<semaphore_mem>>) src(%dma_wait3A_587 : memref<10240xi32, #tpu.memory_space<hbm>>) dst(%arg27 : memref<128xi32, #tpu.memory_space<vmem>>)
      %get3A_588 = arith.constant 0 : index
      %get3A_589 = tpu.vector_load %arg23[%get3A_588] {strides = array<i32>} : memref<128xi32, #tpu.memory_space<vmem>>, vector<16xi32>,
      %get3A_590 = vector.shape_cast %get3A_589 : vector<16xi32> to vector<16xi32>
      %get3A_591 = arith.constant 0 : index
      %get3A_592 = tpu.vector_load %arg27[%get3A_591] {strides = array<i32>} : memref<128xi32, #tpu.memory_space<vmem>>, vector<16xi32>,
      %get3A_593 = vector.shape_cast %get3A_592 : vector<16xi32> to vector<16xi32>
      %eq3A_594 = arith.cmpi eq, %get3A_590, %get3A_593 : vector<16xi32>
      %mul3A_595 = arith.constant 512 : i32
      %mul3A_596 = vector.broadcast %mul3A_595 : i32 to vector<16xi32>
      %mul3A_597 = arith.muli %get3A_593, %mul3A_596 : vector<16xi32>
      %add3A_598 = arith.addi %mul3A_597, %get3A_590 : vector<16xi32>
      %jit3A_599 = arith.constant 262144 : i32
      %broadcast_in_dim3A_600 = vector.broadcast %jit3A_599 : i32 to vector<16xi32>
      %select_n3A_601 = arith.select %eq3A_594, %broadcast_in_dim3A_600, %add3A_598 : vector<16xi1>, vector<16xi32>
      %swap3A_602 = arith.constant 0 : index
      %swap3A_603 = tpu.vector_load %arg23[%swap3A_602] {strides = array<i32>} : memref<128xi32, #tpu.memory_space<vmem>>, vector<16xi32>,
      %swap3A_604 = vector.shape_cast %swap3A_603 : vector<16xi32> to vector<16xi32>
      %swap3A_605 = vector.shape_cast %select_n3A_601 : vector<16xi32> to vector<16xi32>
      tpu.vector_store %arg23[%swap3A_602], %swap3A_605 {strides = array<i32>} : memref<128xi32, #tpu.memory_space<vmem>>, vector<16xi32>,
      %get3A_606 = arith.constant 16 : index
      %get3A_607 = tpu.vector_load %arg23[%get3A_606] {strides = array<i32>} : memref<128xi32, #tpu.memory_space<vmem>>, vector<16xi32>,
      %get3A_608 = vector.shape_cast %get3A_607 : vector<16xi32> to vector<16xi32>
      %get3A_609 = arith.constant 16 : index
      %get3A_610 = tpu.vector_load %arg27[%get3A_609] {strides = array<i32>} : memref<128xi32, #tpu.memory_space<vmem>>, vector<16xi32>,
      %get3A_611 = vector.shape_cast %get3A_610 : vector<16xi32> to vector<16xi32>
      %eq3A_612 = arith.cmpi eq, %get3A_608, %get3A_611 : vector<16xi32>
      %mul3A_613 = arith.constant 512 : i32
      %mul3A_614 = vector.broadcast %mul3A_613 : i32 to vector<16xi32>
      %mul3A_615 = arith.muli %get3A_611, %mul3A_614 : vector<16xi32>
      %add3A_616 = arith.addi %mul3A_615, %get3A_608 : vector<16xi32>
      %jit3A_617 = arith.constant 262144 : i32
      %broadcast_in_dim3A_618 = vector.broadcast %jit3A_617 : i32 to vector<16xi32>
      %select_n3A_619 = arith.select %eq3A_612, %broadcast_in_dim3A_618, %add3A_616 : vector<16xi1>, vector<16xi32>
      %swap3A_620 = arith.constant 16 : index
      %swap3A_621 = tpu.vector_load %arg23[%swap3A_620] {strides = array<i32>} : memref<128xi32, #tpu.memory_space<vmem>>, vector<16xi32>,
      %swap3A_622 = vector.shape_cast %swap3A_621 : vector<16xi32> to vector<16xi32>
      %swap3A_623 = vector.shape_cast %select_n3A_619 : vector<16xi32> to vector<16xi32>
      tpu.vector_store %arg23[%swap3A_620], %swap3A_623 {strides = array<i32>} : memref<128xi32, #tpu.memory_space<vmem>>, vector<16xi32>,
      %get3A_624 = arith.constant 32 : index
      %get3A_625 = tpu.vector_load %arg23[%get3A_624] {strides = array<i32>} : memref<128xi32, #tpu.memory_space<vmem>>, vector<16xi32>,
      %get3A_626 = vector.shape_cast %get3A_625 : vector<16xi32> to vector<16xi32>
      %get3A_627 = arith.constant 32 : index
      %get3A_628 = tpu.vector_load %arg27[%get3A_627] {strides = array<i32>} : memref<128xi32, #tpu.memory_space<vmem>>, vector<16xi32>,
      %get3A_629 = vector.shape_cast %get3A_628 : vector<16xi32> to vector<16xi32>
      %eq3A_630 = arith.cmpi eq, %get3A_626, %get3A_629 : vector<16xi32>
      %mul3A_631 = arith.constant 512 : i32
      %mul3A_632 = vector.broadcast %mul3A_631 : i32 to vector<16xi32>
      %mul3A_633 = arith.muli %get3A_629, %mul3A_632 : vector<16xi32>
      %add3A_634 = arith.addi %mul3A_633, %get3A_626 : vector<16xi32>
      %jit3A_635 = arith.constant 262144 : i32
      %broadcast_in_dim3A_636 = vector.broadcast %jit3A_635 : i32 to vector<16xi32>
      %select_n3A_637 = arith.select %eq3A_630, %broadcast_in_dim3A_636, %add3A_634 : vector<16xi1>, vector<16xi32>
      %swap3A_638 = arith.constant 32 : index
      %swap3A_639 = tpu.vector_load %arg23[%swap3A_638] {strides = array<i32>} : memref<128xi32, #tpu.memory_space<vmem>>, vector<16xi32>,
      %swap3A_640 = vector.shape_cast %swap3A_639 : vector<16xi32> to vector<16xi32>
      %swap3A_641 = vector.shape_cast %select_n3A_637 : vector<16xi32> to vector<16xi32>
      tpu.vector_store %arg23[%swap3A_638], %swap3A_641 {strides = array<i32>} : memref<128xi32, #tpu.memory_space<vmem>>, vector<16xi32>,
      %get3A_642 = arith.constant 48 : index
      %get3A_643 = tpu.vector_load %arg23[%get3A_642] {strides = array<i32>} : memref<128xi32, #tpu.memory_space<vmem>>, vector<16xi32>,
      %get3A_644 = vector.shape_cast %get3A_643 : vector<16xi32> to vector<16xi32>
      %get3A_645 = arith.constant 48 : index
      %get3A_646 = tpu.vector_load %arg27[%get3A_645] {strides = array<i32>} : memref<128xi32, #tpu.memory_space<vmem>>, vector<16xi32>,
      %get3A_647 = vector.shape_cast %get3A_646 : vector<16xi32> to vector<16xi32>
      %eq3A_648 = arith.cmpi eq, %get3A_644, %get3A_647 : vector<16xi32>
      %mul3A_649 = arith.constant 512 : i32
      %mul3A_650 = vector.broadcast %mul3A_649 : i32 to vector<16xi32>
      %mul3A_651 = arith.muli %get3A_647, %mul3A_650 : vector<16xi32>
      %add3A_652 = arith.addi %mul3A_651, %get3A_644 : vector<16xi32>
      %jit3A_653 = arith.constant 262144 : i32
      %broadcast_in_dim3A_654 = vector.broadcast %jit3A_653 : i32 to vector<16xi32>
      %select_n3A_655 = arith.select %eq3A_648, %broadcast_in_dim3A_654, %add3A_652 : vector<16xi1>, vector<16xi32>
      %swap3A_656 = arith.constant 48 : index
      %swap3A_657 = tpu.vector_load %arg23[%swap3A_656] {strides = array<i32>} : memref<128xi32, #tpu.memory_space<vmem>>, vector<16xi32>,
      %swap3A_658 = vector.shape_cast %swap3A_657 : vector<16xi32> to vector<16xi32>
      %swap3A_659 = vector.shape_cast %select_n3A_655 : vector<16xi32> to vector<16xi32>
      tpu.vector_store %arg23[%swap3A_656], %swap3A_659 {strides = array<i32>} : memref<128xi32, #tpu.memory_space<vmem>>, vector<16xi32>,
      %get3A_660 = arith.constant 64 : index
      %get3A_661 = tpu.vector_load %arg23[%get3A_660] {strides = array<i32>} : memref<128xi32, #tpu.memory_space<vmem>>, vector<16xi32>,
      %get3A_662 = vector.shape_cast %get3A_661 : vector<16xi32> to vector<16xi32>
      %get3A_663 = arith.constant 64 : index
      %get3A_664 = tpu.vector_load %arg27[%get3A_663] {strides = array<i32>} : memref<128xi32, #tpu.memory_space<vmem>>, vector<16xi32>,
      %get3A_665 = vector.shape_cast %get3A_664 : vector<16xi32> to vector<16xi32>
      %eq3A_666 = arith.cmpi eq, %get3A_662, %get3A_665 : vector<16xi32>
      %mul3A_667 = arith.constant 512 : i32
      %mul3A_668 = vector.broadcast %mul3A_667 : i32 to vector<16xi32>
      %mul3A_669 = arith.muli %get3A_665, %mul3A_668 : vector<16xi32>
      %add3A_670 = arith.addi %mul3A_669, %get3A_662 : vector<16xi32>
      %jit3A_671 = arith.constant 262144 : i32
      %broadcast_in_dim3A_672 = vector.broadcast %jit3A_671 : i32 to vector<16xi32>
      %select_n3A_673 = arith.select %eq3A_666, %broadcast_in_dim3A_672, %add3A_670 : vector<16xi1>, vector<16xi32>
      %swap3A_674 = arith.constant 64 : index
      %swap3A_675 = tpu.vector_load %arg23[%swap3A_674] {strides = array<i32>} : memref<128xi32, #tpu.memory_space<vmem>>, vector<16xi32>,
      %swap3A_676 = vector.shape_cast %swap3A_675 : vector<16xi32> to vector<16xi32>
      %swap3A_677 = vector.shape_cast %select_n3A_673 : vector<16xi32> to vector<16xi32>
      tpu.vector_store %arg23[%swap3A_674], %swap3A_677 {strides = array<i32>} : memref<128xi32, #tpu.memory_space<vmem>>, vector<16xi32>,
      %get3A_678 = arith.constant 80 : index
      %get3A_679 = tpu.vector_load %arg23[%get3A_678] {strides = array<i32>} : memref<128xi32, #tpu.memory_space<vmem>>, vector<16xi32>,
      %get3A_680 = vector.shape_cast %get3A_679 : vector<16xi32> to vector<16xi32>
      %get3A_681 = arith.constant 80 : index
      %get3A_682 = tpu.vector_load %arg27[%get3A_681] {strides = array<i32>} : memref<128xi32, #tpu.memory_space<vmem>>, vector<16xi32>,
      %get3A_683 = vector.shape_cast %get3A_682 : vector<16xi32> to vector<16xi32>
      %eq3A_684 = arith.cmpi eq, %get3A_680, %get3A_683 : vector<16xi32>
      %mul3A_685 = arith.constant 512 : i32
      %mul3A_686 = vector.broadcast %mul3A_685 : i32 to vector<16xi32>
      %mul3A_687 = arith.muli %get3A_683, %mul3A_686 : vector<16xi32>
      %add3A_688 = arith.addi %mul3A_687, %get3A_680 : vector<16xi32>
      %jit3A_689 = arith.constant 262144 : i32
      %broadcast_in_dim3A_690 = vector.broadcast %jit3A_689 : i32 to vector<16xi32>
      %select_n3A_691 = arith.select %eq3A_684, %broadcast_in_dim3A_690, %add3A_688 : vector<16xi1>, vector<16xi32>
      %swap3A_692 = arith.constant 80 : index
      %swap3A_693 = tpu.vector_load %arg23[%swap3A_692] {strides = array<i32>} : memref<128xi32, #tpu.memory_space<vmem>>, vector<16xi32>,
      %swap3A_694 = vector.shape_cast %swap3A_693 : vector<16xi32> to vector<16xi32>
      %swap3A_695 = vector.shape_cast %select_n3A_691 : vector<16xi32> to vector<16xi32>
      tpu.vector_store %arg23[%swap3A_692], %swap3A_695 {strides = array<i32>} : memref<128xi32, #tpu.memory_space<vmem>>, vector<16xi32>,
      %get3A_696 = arith.constant 96 : index
      %get3A_697 = tpu.vector_load %arg23[%get3A_696] {strides = array<i32>} : memref<128xi32, #tpu.memory_space<vmem>>, vector<16xi32>,
      %get3A_698 = vector.shape_cast %get3A_697 : vector<16xi32> to vector<16xi32>
      %get3A_699 = arith.constant 96 : index
      %get3A_700 = tpu.vector_load %arg27[%get3A_699] {strides = array<i32>} : memref<128xi32, #tpu.memory_space<vmem>>, vector<16xi32>,
      %get3A_701 = vector.shape_cast %get3A_700 : vector<16xi32> to vector<16xi32>
      %eq3A_702 = arith.cmpi eq, %get3A_698, %get3A_701 : vector<16xi32>
      %mul3A_703 = arith.constant 512 : i32
      %mul3A_704 = vector.broadcast %mul3A_703 : i32 to vector<16xi32>
      %mul3A_705 = arith.muli %get3A_701, %mul3A_704 : vector<16xi32>
      %add3A_706 = arith.addi %mul3A_705, %get3A_698 : vector<16xi32>
      %jit3A_707 = arith.constant 262144 : i32
      %broadcast_in_dim3A_708 = vector.broadcast %jit3A_707 : i32 to vector<16xi32>
      %select_n3A_709 = arith.select %eq3A_702, %broadcast_in_dim3A_708, %add3A_706 : vector<16xi1>, vector<16xi32>
      %swap3A_710 = arith.constant 96 : index
      %swap3A_711 = tpu.vector_load %arg23[%swap3A_710] {strides = array<i32>} : memref<128xi32, #tpu.memory_space<vmem>>, vector<16xi32>,
      %swap3A_712 = vector.shape_cast %swap3A_711 : vector<16xi32> to vector<16xi32>
      %swap3A_713 = vector.shape_cast %select_n3A_709 : vector<16xi32> to vector<16xi32>
      tpu.vector_store %arg23[%swap3A_710], %swap3A_713 {strides = array<i32>} : memref<128xi32, #tpu.memory_space<vmem>>, vector<16xi32>,
      %get3A_714 = arith.constant 112 : index
      %get3A_715 = tpu.vector_load %arg23[%get3A_714] {strides = array<i32>} : memref<128xi32, #tpu.memory_space<vmem>>, vector<16xi32>,
      %get3A_716 = vector.shape_cast %get3A_715 : vector<16xi32> to vector<16xi32>
      %get3A_717 = arith.constant 112 : index
      %get3A_718 = tpu.vector_load %arg27[%get3A_717] {strides = array<i32>} : memref<128xi32, #tpu.memory_space<vmem>>, vector<16xi32>,
      %get3A_719 = vector.shape_cast %get3A_718 : vector<16xi32> to vector<16xi32>
      %eq3A_720 = arith.cmpi eq, %get3A_716, %get3A_719 : vector<16xi32>
      %mul3A_721 = arith.constant 512 : i32
      %mul3A_722 = vector.broadcast %mul3A_721 : i32 to vector<16xi32>
      %mul3A_723 = arith.muli %get3A_719, %mul3A_722 : vector<16xi32>
      %add3A_724 = arith.addi %mul3A_723, %get3A_716 : vector<16xi32>
      %jit3A_725 = arith.constant 262144 : i32
      %broadcast_in_dim3A_726 = vector.broadcast %jit3A_725 : i32 to vector<16xi32>
      %select_n3A_727 = arith.select %eq3A_720, %broadcast_in_dim3A_726, %add3A_724 : vector<16xi1>, vector<16xi32>
      %swap3A_728 = arith.constant 112 : index
      %swap3A_729 = tpu.vector_load %arg23[%swap3A_728] {strides = array<i32>} : memref<128xi32, #tpu.memory_space<vmem>>, vector<16xi32>,
      %swap3A_730 = vector.shape_cast %swap3A_729 : vector<16xi32> to vector<16xi32>
      %swap3A_731 = vector.shape_cast %select_n3A_727 : vector<16xi32> to vector<16xi32>
      tpu.vector_store %arg23[%swap3A_728], %swap3A_731 {strides = array<i32>} : memref<128xi32, #tpu.memory_space<vmem>>, vector<16xi32>,
      "tpu.region"() ({
        %run_scoped3A = tpu.sem_alloc : memref<!tpu.dma_semaphore, #tpu.memory_space<semaphore_mem>>
        %dma_start3A_732 = arith.constant 0 : i32
        %dma_start3A_733 = tpu.memref_slice %arg10[%dma_start3A_732] : memref<264192xf32, #tpu.memory_space<vmem_shared>> -> memref<264192xf32, #tpu.memory_space<vmem_shared>>
        tpu.enqueue_indirect_dma source(%arg28 : memref<128xf32, #tpu.memory_space<vmem>>) target(%dma_start3A_733 : memref<264192xf32, #tpu.memory_space<vmem_shared>>) offsets(%arg23 : memref<128xi32, #tpu.memory_space<vmem>>) semaphore(%run_scoped3A : memref<!tpu.dma_semaphore, #tpu.memory_space<semaphore_mem>>) {add = true}
        %dma_wait3A_734 = arith.constant 0 : i32
        %dma_wait3A_735 = tpu.memref_slice %arg10[%dma_wait3A_734] : memref<264192xf32, #tpu.memory_space<vmem_shared>> -> memref<264192xf32, #tpu.memory_space<vmem_shared>>
        tpu.wait_indirect_dma semaphore(%run_scoped3A : memref<!tpu.dma_semaphore, #tpu.memory_space<semaphore_mem>>) src(%arg28 : memref<128xf32, #tpu.memory_space<vmem>>) dst(%dma_wait3A_735 : memref<264192xf32, #tpu.memory_space<vmem_shared>>)
        tpu.yield
      }) : () -> ()
    }
    %scan3A_59 = arith.constant 10 : i32
    %eq3A_60 = arith.constant 1 : i32
    %eq3A_61 = arith.cmpi eq, %arg0, %eq3A_60 : i32
    %convert_element_type3A_62 = arith.extui %eq3A_61 : i1 to i32
    %cond3A_63 = arith.constant 0 : i32
    %cond3A_64 = arith.cmpi ne, %convert_element_type3A_62, %cond3A_63 : i32
    scf.if %cond3A_64 {
      %scan3A_85 = arith.constant 0 : i32
      %scan3A_86 = arith.constant 0 : i32
      %scan3A_87 = arith.constant 5 : i32
      %scan3A_88 = arith.addi %scan3A_86, %scan3A_87 : i32
      %scan3A_89 = arith.constant 1 : i32
      scf.for %scan3A_91 = %scan3A_86 to %scan3A_88 step %scan3A_89  : i32 {
        %mul3A_92 = arith.constant 640 : i32
        %mul3A_93 = arith.muli %arg1, %mul3A_92 : i32
        %mul3A_94 = arith.constant 128 : i32
        %mul3A_95 = arith.muli %scan3A_91, %mul3A_94 : i32
        %add3A_96 = arith.addi %mul3A_93, %mul3A_95 : i32
        "tpu.region"() ({
          %run_scoped3A = tpu.sem_alloc : memref<!tpu.dma_semaphore, #tpu.memory_space<semaphore_mem>>
          %dma_start3A = tpu.memref_slice %arg4[%add3A_96] : memref<10240xi32, #tpu.memory_space<hbm>> -> memref<128xi32, #tpu.memory_space<hbm>>
          %dma_start3A_97 = tpu.memref_slice %arg4[%add3A_96] : memref<10240xi32, #tpu.memory_space<hbm>> -> memref<128xi32, #tpu.memory_space<hbm>>
          tpu.enqueue_dma source(%dma_start3A_97 : memref<128xi32, #tpu.memory_space<hbm>>) target(%arg12 : memref<128xi32, #tpu.memory_space<vmem>>) target_semaphore(%run_scoped3A : memref<!tpu.dma_semaphore, #tpu.memory_space<semaphore_mem>>)
          %dma_wait3A = tpu.memref_slice %arg4[%add3A_96] : memref<10240xi32, #tpu.memory_space<hbm>> -> memref<128xi32, #tpu.memory_space<hbm>>
          %dma_wait3A_98 = tpu.memref_slice %arg4[%add3A_96] : memref<10240xi32, #tpu.memory_space<hbm>> -> memref<128xi32, #tpu.memory_space<hbm>>
          tpu.wait_dma2 semaphore(%run_scoped3A : memref<!tpu.dma_semaphore, #tpu.memory_space<semaphore_mem>>) src(%dma_wait3A_98 : memref<128xi32, #tpu.memory_space<hbm>>) dst(%arg12 : memref<128xi32, #tpu.memory_space<vmem>>)
          tpu.yield
        }) : () -> ()
        "tpu.region"() ({
          %run_scoped3A = tpu.sem_alloc : memref<!tpu.dma_semaphore, #tpu.memory_space<semaphore_mem>>
          %dma_start3A = arith.constant 0 : i32
          %dma_start3A_97 = tpu.memref_slice %arg11[%dma_start3A] : memref<640xf32, #tpu.memory_space<vmem_shared>> -> memref<640xf32, #tpu.memory_space<vmem_shared>>
          tpu.enqueue_indirect_dma source(%arg28 : memref<128xf32, #tpu.memory_space<vmem>>) target(%dma_start3A_97 : memref<640xf32, #tpu.memory_space<vmem_shared>>) offsets(%arg12 : memref<128xi32, #tpu.memory_space<vmem>>) semaphore(%run_scoped3A : memref<!tpu.dma_semaphore, #tpu.memory_space<semaphore_mem>>) {add = true}
          %dma_wait3A = arith.constant 0 : i32
          %dma_wait3A_98 = tpu.memref_slice %arg11[%dma_wait3A] : memref<640xf32, #tpu.memory_space<vmem_shared>> -> memref<640xf32, #tpu.memory_space<vmem_shared>>
          tpu.wait_indirect_dma semaphore(%run_scoped3A : memref<!tpu.dma_semaphore, #tpu.memory_space<semaphore_mem>>) src(%arg28 : memref<128xf32, #tpu.memory_space<vmem>>) dst(%dma_wait3A_98 : memref<640xf32, #tpu.memory_space<vmem_shared>>)
          tpu.yield
        }) : () -> ()
      }
      %scan3A_90 = arith.constant 5 : i32
    } else {
    }
    %barrier3A_65 = arith.constant 0 : index
    tpu.barrier barrier_id(%barrier3A_65)
    %mul3A_66 = arith.constant 640 : i32
    %mul3A_67 = arith.muli %arg1, %mul3A_66 : i32
    %mul3A_68 = arith.constant 10240 : i32
    %mul3A_69 = arith.muli %arg0, %mul3A_68 : i32
    %mul3A_70 = arith.constant 640 : i32
    %mul3A_71 = arith.muli %arg1, %mul3A_70 : i32
    %add3A_72 = arith.addi %mul3A_69, %mul3A_71 : i32
    "tpu.region"() ({
      %run_scoped3A = tpu.sem_alloc : memref<!tpu.dma_semaphore, #tpu.memory_space<semaphore_mem>>
      %dma_start3A = tpu.memref_slice %arg6[%add3A_72] : memref<20480xf32, #tpu.memory_space<hbm>> -> memref<640xf32, #tpu.memory_space<hbm>>
      %dma_start3A_85 = tpu.memref_slice %arg9[%mul3A_67] : memref<10240xf32, #tpu.memory_space<vmem_shared>> -> memref<640xf32, #tpu.memory_space<vmem_shared>>
      tpu.enqueue_dma source(%dma_start3A_85 : memref<640xf32, #tpu.memory_space<vmem_shared>>) target(%dma_start3A : memref<640xf32, #tpu.memory_space<hbm>>) target_semaphore(%run_scoped3A : memref<!tpu.dma_semaphore, #tpu.memory_space<semaphore_mem>>)
      %dma_wait3A = tpu.memref_slice %arg6[%add3A_72] : memref<20480xf32, #tpu.memory_space<hbm>> -> memref<640xf32, #tpu.memory_space<hbm>>
      %dma_wait3A_86 = tpu.memref_slice %arg9[%mul3A_67] : memref<10240xf32, #tpu.memory_space<vmem_shared>> -> memref<640xf32, #tpu.memory_space<vmem_shared>>
      tpu.wait_dma2 semaphore(%run_scoped3A : memref<!tpu.dma_semaphore, #tpu.memory_space<semaphore_mem>>) src(%dma_wait3A_86 : memref<640xf32, #tpu.memory_space<vmem_shared>>) dst(%dma_wait3A : memref<640xf32, #tpu.memory_space<hbm>>)
      tpu.yield
    }) : () -> ()
    %mul3A_73 = arith.constant 16512 : i32
    %mul3A_74 = arith.muli %arg1, %mul3A_73 : i32
    %mul3A_75 = arith.constant 264192 : i32
    %mul3A_76 = arith.muli %arg0, %mul3A_75 : i32
    %mul3A_77 = arith.constant 16512 : i32
    %mul3A_78 = arith.muli %arg1, %mul3A_77 : i32
    %add3A_79 = arith.addi %mul3A_76, %mul3A_78 : i32
    "tpu.region"() ({
      %run_scoped3A = tpu.sem_alloc : memref<!tpu.dma_semaphore, #tpu.memory_space<semaphore_mem>>
      %dma_start3A = tpu.memref_slice %arg7[%add3A_79] : memref<528384xf32, #tpu.memory_space<hbm>> -> memref<16512xf32, #tpu.memory_space<hbm>>
      %dma_start3A_85 = tpu.memref_slice %arg10[%mul3A_74] : memref<264192xf32, #tpu.memory_space<vmem_shared>> -> memref<16512xf32, #tpu.memory_space<vmem_shared>>
      tpu.enqueue_dma source(%dma_start3A_85 : memref<16512xf32, #tpu.memory_space<vmem_shared>>) target(%dma_start3A : memref<16512xf32, #tpu.memory_space<hbm>>) target_semaphore(%run_scoped3A : memref<!tpu.dma_semaphore, #tpu.memory_space<semaphore_mem>>)
      %dma_wait3A = tpu.memref_slice %arg7[%add3A_79] : memref<528384xf32, #tpu.memory_space<hbm>> -> memref<16512xf32, #tpu.memory_space<hbm>>
      %dma_wait3A_86 = tpu.memref_slice %arg10[%mul3A_74] : memref<264192xf32, #tpu.memory_space<vmem_shared>> -> memref<16512xf32, #tpu.memory_space<vmem_shared>>
      tpu.wait_dma2 semaphore(%run_scoped3A : memref<!tpu.dma_semaphore, #tpu.memory_space<semaphore_mem>>) src(%dma_wait3A_86 : memref<16512xf32, #tpu.memory_space<vmem_shared>>) dst(%dma_wait3A : memref<16512xf32, #tpu.memory_space<hbm>>)
      tpu.yield
    }) : () -> ()
    %eq3A_80 = arith.constant 0 : i32
    %eq3A_81 = arith.cmpi eq, %arg1, %eq3A_80 : i32
    %convert_element_type3A_82 = arith.extui %eq3A_81 : i1 to i32
    %cond3A_83 = arith.constant 0 : i32
    %cond3A_84 = arith.cmpi ne, %convert_element_type3A_82, %cond3A_83 : i32
    scf.if %cond3A_84 {
      %mul3A_85 = arith.constant 640 : i32
      %mul3A_86 = arith.muli %arg0, %mul3A_85 : i32
      "tpu.region"() ({
        %run_scoped3A = tpu.sem_alloc : memref<!tpu.dma_semaphore, #tpu.memory_space<semaphore_mem>>
        %dma_start3A = tpu.memref_slice %arg8[%mul3A_86] : memref<1280xf32, #tpu.memory_space<hbm>> -> memref<640xf32, #tpu.memory_space<hbm>>
        tpu.enqueue_dma source(%arg11 : memref<640xf32, #tpu.memory_space<vmem_shared>>) target(%dma_start3A : memref<640xf32, #tpu.memory_space<hbm>>) target_semaphore(%run_scoped3A : memref<!tpu.dma_semaphore, #tpu.memory_space<semaphore_mem>>)
        %dma_wait3A = tpu.memref_slice %arg8[%mul3A_86] : memref<1280xf32, #tpu.memory_space<hbm>> -> memref<640xf32, #tpu.memory_space<hbm>>
        tpu.wait_dma2 semaphore(%run_scoped3A : memref<!tpu.dma_semaphore, #tpu.memory_space<semaphore_mem>>) src(%arg11 : memref<640xf32, #tpu.memory_space<vmem_shared>>) dst(%dma_wait3A : memref<640xf32, #tpu.memory_space<hbm>>)
        tpu.yield
      }) : () -> ()
    } else {
    }
    return
  }
}

#map = affine_map<(d0, d1) -> (0)>
#map1 = affine_map<(d0, d1) -> (0, 0)>
module attributes {stable_mosaic.version = 14 : i64} {
  func.func @_agg_body(%arg0: i32, %arg1: i32, %arg2: memref<163840xi32, #tpu.memory_space<hbm>>, %arg3: memref<163840xi32, #tpu.memory_space<hbm>>, %arg4: memref<20480x128xf32, #tpu.memory_space<hbm>>, %arg5: memref<640x128xf32, #tpu.memory_space<hbm>>, %arg6: memref<20480x128xf32, #tpu.memory_space<hbm>>, %arg7: memref<10240x128xf32, #tpu.memory_space<vmem_shared>>, %arg8: memref<80xi32, #tpu.memory_space<vmem>>, %arg9: memref<80xi32, #tpu.memory_space<vmem>>, %arg10: memref<80xi32, #tpu.memory_space<vmem>>, %arg11: memref<80xi32, #tpu.memory_space<vmem>>, %arg12: memref<80xi32, #tpu.memory_space<vmem>>, %arg13: memref<80xi32, #tpu.memory_space<vmem>>, %arg14: memref<80xi32, #tpu.memory_space<vmem>>, %arg15: memref<80xi32, #tpu.memory_space<vmem>>, %arg16: memref<80x128xf32, #tpu.memory_space<vmem>>, %arg17: memref<80x128xf32, #tpu.memory_space<vmem>>, %arg18: memref<80x128xf32, #tpu.memory_space<vmem>>, %arg19: memref<80x128xf32, #tpu.memory_space<vmem>>, %arg20: memref<!tpu.dma_semaphore, #tpu.memory_space<semaphore_mem>>, %arg21: memref<!tpu.dma_semaphore, #tpu.memory_space<semaphore_mem>>, %arg22: memref<!tpu.dma_semaphore, #tpu.memory_space<semaphore_mem>>, %arg23: memref<!tpu.dma_semaphore, #tpu.memory_space<semaphore_mem>>) attributes {dimension_semantics = [#tpu.dimension_semantics<core_parallel>, #tpu.dimension_semantics<subcore_parallel>], iteration_bounds = array<i64: 2, 16>, scalar_prefetch = 0 : i64, scratch_operands = 17 : i64, tpu.core_type = #tpu.core_type<sc_vector_subcore>, window_params = [{transform_indices = #map}, {transform_indices = #map}, {transform_indices = #map1}, {transform_indices = #map1}, {transform_indices = #map1}]} {
    %mul3A = arith.constant 640 : i32
    %mul3A_0 = arith.muli %arg1, %mul3A : i32
    "tpu.region"() ({
      %run_scoped3A = tpu.sem_alloc : memref<!tpu.dma_semaphore, #tpu.memory_space<semaphore_mem>>
      %dma_start3A = arith.constant 0 : i32
      %dma_start3A_17 = tpu.memref_slice %arg7[%mul3A_0, %dma_start3A] : memref<10240x128xf32, #tpu.memory_space<vmem_shared>> -> memref<640x128xf32, #tpu.memory_space<vmem_shared>>
      tpu.enqueue_dma source(%arg5 : memref<640x128xf32, #tpu.memory_space<hbm>>) target(%dma_start3A_17 : memref<640x128xf32, #tpu.memory_space<vmem_shared>>) target_semaphore(%run_scoped3A : memref<!tpu.dma_semaphore, #tpu.memory_space<semaphore_mem>>)
      %dma_wait3A = arith.constant 0 : i32
      %dma_wait3A_18 = tpu.memref_slice %arg7[%mul3A_0, %dma_wait3A] : memref<10240x128xf32, #tpu.memory_space<vmem_shared>> -> memref<640x128xf32, #tpu.memory_space<vmem_shared>>
      tpu.wait_dma2 semaphore(%run_scoped3A : memref<!tpu.dma_semaphore, #tpu.memory_space<semaphore_mem>>) src(%arg5 : memref<640x128xf32, #tpu.memory_space<hbm>>) dst(%dma_wait3A_18 : memref<640x128xf32, #tpu.memory_space<vmem_shared>>)
      tpu.yield
    }) : () -> ()
    %barrier3A = arith.constant 0 : index
    tpu.barrier barrier_id(%barrier3A)
    %mul3A_1 = arith.constant 10240 : i32
    %mul3A_2 = arith.muli %arg0, %mul3A_1 : i32
    %mul3A_3 = arith.constant 10240 : i32
    %mul3A_4 = arith.muli %arg1, %mul3A_3 : i32
    %scan3A = arith.constant 0 : i32
    %scan3A_5 = arith.constant 0 : i32
    %scan3A_6 = arith.constant 32 : i32
    %scan3A_7 = arith.addi %scan3A_5, %scan3A_6 : i32
    %scan3A_8 = arith.constant 1 : i32
    scf.for %scan3A_17 = %scan3A_5 to %scan3A_7 step %scan3A_8  : i32 {
      %mul3A_18 = arith.constant 320 : i32
      %mul3A_19 = arith.muli %scan3A_17, %mul3A_18 : i32
      %add3A_20 = arith.addi %mul3A_4, %mul3A_19 : i32
      %add3A_21 = arith.constant 0 : i32
      %add3A_22 = arith.addi %add3A_20, %add3A_21 : i32
      %dma_start3A = tpu.memref_slice %arg2[%add3A_22] : memref<163840xi32, #tpu.memory_space<hbm>> -> memref<80xi32, #tpu.memory_space<hbm>>
      %dma_start3A_23 = tpu.memref_slice %arg2[%add3A_22] : memref<163840xi32, #tpu.memory_space<hbm>> -> memref<80xi32, #tpu.memory_space<hbm>>
      tpu.enqueue_dma source(%dma_start3A_23 : memref<80xi32, #tpu.memory_space<hbm>>) target(%arg8 : memref<80xi32, #tpu.memory_space<vmem>>) target_semaphore(%arg20 : memref<!tpu.dma_semaphore, #tpu.memory_space<semaphore_mem>>)
      %dma_start3A_24 = tpu.memref_slice %arg3[%add3A_22] : memref<163840xi32, #tpu.memory_space<hbm>> -> memref<80xi32, #tpu.memory_space<hbm>>
      %dma_start3A_25 = tpu.memref_slice %arg3[%add3A_22] : memref<163840xi32, #tpu.memory_space<hbm>> -> memref<80xi32, #tpu.memory_space<hbm>>
      tpu.enqueue_dma source(%dma_start3A_25 : memref<80xi32, #tpu.memory_space<hbm>>) target(%arg12 : memref<80xi32, #tpu.memory_space<vmem>>) target_semaphore(%arg21 : memref<!tpu.dma_semaphore, #tpu.memory_space<semaphore_mem>>)
      %add3A_26 = arith.constant 80 : i32
      %add3A_27 = arith.addi %add3A_20, %add3A_26 : i32
      %dma_start3A_28 = tpu.memref_slice %arg2[%add3A_27] : memref<163840xi32, #tpu.memory_space<hbm>> -> memref<80xi32, #tpu.memory_space<hbm>>
      %dma_start3A_29 = tpu.memref_slice %arg2[%add3A_27] : memref<163840xi32, #tpu.memory_space<hbm>> -> memref<80xi32, #tpu.memory_space<hbm>>
      tpu.enqueue_dma source(%dma_start3A_29 : memref<80xi32, #tpu.memory_space<hbm>>) target(%arg9 : memref<80xi32, #tpu.memory_space<vmem>>) target_semaphore(%arg20 : memref<!tpu.dma_semaphore, #tpu.memory_space<semaphore_mem>>)
      %dma_start3A_30 = tpu.memref_slice %arg3[%add3A_27] : memref<163840xi32, #tpu.memory_space<hbm>> -> memref<80xi32, #tpu.memory_space<hbm>>
      %dma_start3A_31 = tpu.memref_slice %arg3[%add3A_27] : memref<163840xi32, #tpu.memory_space<hbm>> -> memref<80xi32, #tpu.memory_space<hbm>>
      tpu.enqueue_dma source(%dma_start3A_31 : memref<80xi32, #tpu.memory_space<hbm>>) target(%arg13 : memref<80xi32, #tpu.memory_space<vmem>>) target_semaphore(%arg21 : memref<!tpu.dma_semaphore, #tpu.memory_space<semaphore_mem>>)
      %add3A_32 = arith.constant 160 : i32
      %add3A_33 = arith.addi %add3A_20, %add3A_32 : i32
      %dma_start3A_34 = tpu.memref_slice %arg2[%add3A_33] : memref<163840xi32, #tpu.memory_space<hbm>> -> memref<80xi32, #tpu.memory_space<hbm>>
      %dma_start3A_35 = tpu.memref_slice %arg2[%add3A_33] : memref<163840xi32, #tpu.memory_space<hbm>> -> memref<80xi32, #tpu.memory_space<hbm>>
      tpu.enqueue_dma source(%dma_start3A_35 : memref<80xi32, #tpu.memory_space<hbm>>) target(%arg10 : memref<80xi32, #tpu.memory_space<vmem>>) target_semaphore(%arg20 : memref<!tpu.dma_semaphore, #tpu.memory_space<semaphore_mem>>)
      %dma_start3A_36 = tpu.memref_slice %arg3[%add3A_33] : memref<163840xi32, #tpu.memory_space<hbm>> -> memref<80xi32, #tpu.memory_space<hbm>>
      %dma_start3A_37 = tpu.memref_slice %arg3[%add3A_33] : memref<163840xi32, #tpu.memory_space<hbm>> -> memref<80xi32, #tpu.memory_space<hbm>>
      tpu.enqueue_dma source(%dma_start3A_37 : memref<80xi32, #tpu.memory_space<hbm>>) target(%arg14 : memref<80xi32, #tpu.memory_space<vmem>>) target_semaphore(%arg21 : memref<!tpu.dma_semaphore, #tpu.memory_space<semaphore_mem>>)
      %add3A_38 = arith.constant 240 : i32
      %add3A_39 = arith.addi %add3A_20, %add3A_38 : i32
      %dma_start3A_40 = tpu.memref_slice %arg2[%add3A_39] : memref<163840xi32, #tpu.memory_space<hbm>> -> memref<80xi32, #tpu.memory_space<hbm>>
      %dma_start3A_41 = tpu.memref_slice %arg2[%add3A_39] : memref<163840xi32, #tpu.memory_space<hbm>> -> memref<80xi32, #tpu.memory_space<hbm>>
      tpu.enqueue_dma source(%dma_start3A_41 : memref<80xi32, #tpu.memory_space<hbm>>) target(%arg11 : memref<80xi32, #tpu.memory_space<vmem>>) target_semaphore(%arg20 : memref<!tpu.dma_semaphore, #tpu.memory_space<semaphore_mem>>)
      %dma_start3A_42 = tpu.memref_slice %arg3[%add3A_39] : memref<163840xi32, #tpu.memory_space<hbm>> -> memref<80xi32, #tpu.memory_space<hbm>>
      %dma_start3A_43 = tpu.memref_slice %arg3[%add3A_39] : memref<163840xi32, #tpu.memory_space<hbm>> -> memref<80xi32, #tpu.memory_space<hbm>>
      tpu.enqueue_dma source(%dma_start3A_43 : memref<80xi32, #tpu.memory_space<hbm>>) target(%arg15 : memref<80xi32, #tpu.memory_space<vmem>>) target_semaphore(%arg21 : memref<!tpu.dma_semaphore, #tpu.memory_space<semaphore_mem>>)
      %dma_wait3A = tpu.memref_slice %arg2[%add3A_22] : memref<163840xi32, #tpu.memory_space<hbm>> -> memref<80xi32, #tpu.memory_space<hbm>>
      %dma_wait3A_44 = tpu.memref_slice %arg2[%add3A_22] : memref<163840xi32, #tpu.memory_space<hbm>> -> memref<80xi32, #tpu.memory_space<hbm>>
      tpu.wait_dma2 semaphore(%arg20 : memref<!tpu.dma_semaphore, #tpu.memory_space<semaphore_mem>>) src(%dma_wait3A_44 : memref<80xi32, #tpu.memory_space<hbm>>) dst(%arg8 : memref<80xi32, #tpu.memory_space<vmem>>)
      %get3A = arith.constant 0 : index
      %get3A_45 = tpu.vector_load %arg8[%get3A] {strides = array<i32>} : memref<80xi32, #tpu.memory_space<vmem>>, vector<16xi32>,
      %get3A_46 = vector.shape_cast %get3A_45 : vector<16xi32> to vector<16xi32>
      %add3A_47 = vector.broadcast %mul3A_2 : i32 to vector<16xi32>
      %add3A_48 = arith.addi %get3A_46, %add3A_47 : vector<16xi32>
      %swap3A = arith.constant 0 : index
      %swap3A_49 = tpu.vector_load %arg8[%swap3A] {strides = array<i32>} : memref<80xi32, #tpu.memory_space<vmem>>, vector<16xi32>,
      %swap3A_50 = vector.shape_cast %swap3A_49 : vector<16xi32> to vector<16xi32>
      %swap3A_51 = vector.shape_cast %add3A_48 : vector<16xi32> to vector<16xi32>
      tpu.vector_store %arg8[%swap3A], %swap3A_51 {strides = array<i32>} : memref<80xi32, #tpu.memory_space<vmem>>, vector<16xi32>,
      %get3A_52 = arith.constant 16 : index
      %get3A_53 = tpu.vector_load %arg8[%get3A_52] {strides = array<i32>} : memref<80xi32, #tpu.memory_space<vmem>>, vector<16xi32>,
      %get3A_54 = vector.shape_cast %get3A_53 : vector<16xi32> to vector<16xi32>
      %add3A_55 = vector.broadcast %mul3A_2 : i32 to vector<16xi32>
      %add3A_56 = arith.addi %get3A_54, %add3A_55 : vector<16xi32>
      %swap3A_57 = arith.constant 16 : index
      %swap3A_58 = tpu.vector_load %arg8[%swap3A_57] {strides = array<i32>} : memref<80xi32, #tpu.memory_space<vmem>>, vector<16xi32>,
      %swap3A_59 = vector.shape_cast %swap3A_58 : vector<16xi32> to vector<16xi32>
      %swap3A_60 = vector.shape_cast %add3A_56 : vector<16xi32> to vector<16xi32>
      tpu.vector_store %arg8[%swap3A_57], %swap3A_60 {strides = array<i32>} : memref<80xi32, #tpu.memory_space<vmem>>, vector<16xi32>,
      %get3A_61 = arith.constant 32 : index
      %get3A_62 = tpu.vector_load %arg8[%get3A_61] {strides = array<i32>} : memref<80xi32, #tpu.memory_space<vmem>>, vector<16xi32>,
      %get3A_63 = vector.shape_cast %get3A_62 : vector<16xi32> to vector<16xi32>
      %add3A_64 = vector.broadcast %mul3A_2 : i32 to vector<16xi32>
      %add3A_65 = arith.addi %get3A_63, %add3A_64 : vector<16xi32>
      %swap3A_66 = arith.constant 32 : index
      %swap3A_67 = tpu.vector_load %arg8[%swap3A_66] {strides = array<i32>} : memref<80xi32, #tpu.memory_space<vmem>>, vector<16xi32>,
      %swap3A_68 = vector.shape_cast %swap3A_67 : vector<16xi32> to vector<16xi32>
      %swap3A_69 = vector.shape_cast %add3A_65 : vector<16xi32> to vector<16xi32>
      tpu.vector_store %arg8[%swap3A_66], %swap3A_69 {strides = array<i32>} : memref<80xi32, #tpu.memory_space<vmem>>, vector<16xi32>,
      %get3A_70 = arith.constant 48 : index
      %get3A_71 = tpu.vector_load %arg8[%get3A_70] {strides = array<i32>} : memref<80xi32, #tpu.memory_space<vmem>>, vector<16xi32>,
      %get3A_72 = vector.shape_cast %get3A_71 : vector<16xi32> to vector<16xi32>
      %add3A_73 = vector.broadcast %mul3A_2 : i32 to vector<16xi32>
      %add3A_74 = arith.addi %get3A_72, %add3A_73 : vector<16xi32>
      %swap3A_75 = arith.constant 48 : index
      %swap3A_76 = tpu.vector_load %arg8[%swap3A_75] {strides = array<i32>} : memref<80xi32, #tpu.memory_space<vmem>>, vector<16xi32>,
      %swap3A_77 = vector.shape_cast %swap3A_76 : vector<16xi32> to vector<16xi32>
      %swap3A_78 = vector.shape_cast %add3A_74 : vector<16xi32> to vector<16xi32>
      tpu.vector_store %arg8[%swap3A_75], %swap3A_78 {strides = array<i32>} : memref<80xi32, #tpu.memory_space<vmem>>, vector<16xi32>,
      %get3A_79 = arith.constant 64 : index
      %get3A_80 = tpu.vector_load %arg8[%get3A_79] {strides = array<i32>} : memref<80xi32, #tpu.memory_space<vmem>>, vector<16xi32>,
      %get3A_81 = vector.shape_cast %get3A_80 : vector<16xi32> to vector<16xi32>
      %add3A_82 = vector.broadcast %mul3A_2 : i32 to vector<16xi32>
      %add3A_83 = arith.addi %get3A_81, %add3A_82 : vector<16xi32>
      %swap3A_84 = arith.constant 64 : index
      %swap3A_85 = tpu.vector_load %arg8[%swap3A_84] {strides = array<i32>} : memref<80xi32, #tpu.memory_space<vmem>>, vector<16xi32>,
      %swap3A_86 = vector.shape_cast %swap3A_85 : vector<16xi32> to vector<16xi32>
      %swap3A_87 = vector.shape_cast %add3A_83 : vector<16xi32> to vector<16xi32>
      tpu.vector_store %arg8[%swap3A_84], %swap3A_87 {strides = array<i32>} : memref<80xi32, #tpu.memory_space<vmem>>, vector<16xi32>,
      %dma_start3A_88 = arith.constant 0 : i32
      %dma_start3A_89 = arith.constant 0 : i32
      %dma_start3A_90 = tpu.memref_slice %arg4[%dma_start3A_88, %dma_start3A_89] : memref<20480x128xf32, #tpu.memory_space<hbm>> -> memref<20480x128xf32, #tpu.memory_space<hbm>>
      tpu.enqueue_indirect_dma source(%dma_start3A_90 : memref<20480x128xf32, #tpu.memory_space<hbm>>) target(%arg16 : memref<80x128xf32, #tpu.memory_space<vmem>>) offsets(%arg8 : memref<80xi32, #tpu.memory_space<vmem>>) semaphore(%arg22 : memref<!tpu.dma_semaphore, #tpu.memory_space<semaphore_mem>>)
      %dma_wait3A_91 = tpu.memref_slice %arg2[%add3A_27] : memref<163840xi32, #tpu.memory_space<hbm>> -> memref<80xi32, #tpu.memory_space<hbm>>
      %dma_wait3A_92 = tpu.memref_slice %arg2[%add3A_27] : memref<163840xi32, #tpu.memory_space<hbm>> -> memref<80xi32, #tpu.memory_space<hbm>>
      tpu.wait_dma2 semaphore(%arg20 : memref<!tpu.dma_semaphore, #tpu.memory_space<semaphore_mem>>) src(%dma_wait3A_92 : memref<80xi32, #tpu.memory_space<hbm>>) dst(%arg9 : memref<80xi32, #tpu.memory_space<vmem>>)
      %get3A_93 = arith.constant 0 : index
      %get3A_94 = tpu.vector_load %arg9[%get3A_93] {strides = array<i32>} : memref<80xi32, #tpu.memory_space<vmem>>, vector<16xi32>,
      %get3A_95 = vector.shape_cast %get3A_94 : vector<16xi32> to vector<16xi32>
      %add3A_96 = vector.broadcast %mul3A_2 : i32 to vector<16xi32>
      %add3A_97 = arith.addi %get3A_95, %add3A_96 : vector<16xi32>
      %swap3A_98 = arith.constant 0 : index
      %swap3A_99 = tpu.vector_load %arg9[%swap3A_98] {strides = array<i32>} : memref<80xi32, #tpu.memory_space<vmem>>, vector<16xi32>,
      %swap3A_100 = vector.shape_cast %swap3A_99 : vector<16xi32> to vector<16xi32>
      %swap3A_101 = vector.shape_cast %add3A_97 : vector<16xi32> to vector<16xi32>
      tpu.vector_store %arg9[%swap3A_98], %swap3A_101 {strides = array<i32>} : memref<80xi32, #tpu.memory_space<vmem>>, vector<16xi32>,
      %get3A_102 = arith.constant 16 : index
      %get3A_103 = tpu.vector_load %arg9[%get3A_102] {strides = array<i32>} : memref<80xi32, #tpu.memory_space<vmem>>, vector<16xi32>,
      %get3A_104 = vector.shape_cast %get3A_103 : vector<16xi32> to vector<16xi32>
      %add3A_105 = vector.broadcast %mul3A_2 : i32 to vector<16xi32>
      %add3A_106 = arith.addi %get3A_104, %add3A_105 : vector<16xi32>
      %swap3A_107 = arith.constant 16 : index
      %swap3A_108 = tpu.vector_load %arg9[%swap3A_107] {strides = array<i32>} : memref<80xi32, #tpu.memory_space<vmem>>, vector<16xi32>,
      %swap3A_109 = vector.shape_cast %swap3A_108 : vector<16xi32> to vector<16xi32>
      %swap3A_110 = vector.shape_cast %add3A_106 : vector<16xi32> to vector<16xi32>
      tpu.vector_store %arg9[%swap3A_107], %swap3A_110 {strides = array<i32>} : memref<80xi32, #tpu.memory_space<vmem>>, vector<16xi32>,
      %get3A_111 = arith.constant 32 : index
      %get3A_112 = tpu.vector_load %arg9[%get3A_111] {strides = array<i32>} : memref<80xi32, #tpu.memory_space<vmem>>, vector<16xi32>,
      %get3A_113 = vector.shape_cast %get3A_112 : vector<16xi32> to vector<16xi32>
      %add3A_114 = vector.broadcast %mul3A_2 : i32 to vector<16xi32>
      %add3A_115 = arith.addi %get3A_113, %add3A_114 : vector<16xi32>
      %swap3A_116 = arith.constant 32 : index
      %swap3A_117 = tpu.vector_load %arg9[%swap3A_116] {strides = array<i32>} : memref<80xi32, #tpu.memory_space<vmem>>, vector<16xi32>,
      %swap3A_118 = vector.shape_cast %swap3A_117 : vector<16xi32> to vector<16xi32>
      %swap3A_119 = vector.shape_cast %add3A_115 : vector<16xi32> to vector<16xi32>
      tpu.vector_store %arg9[%swap3A_116], %swap3A_119 {strides = array<i32>} : memref<80xi32, #tpu.memory_space<vmem>>, vector<16xi32>,
      %get3A_120 = arith.constant 48 : index
      %get3A_121 = tpu.vector_load %arg9[%get3A_120] {strides = array<i32>} : memref<80xi32, #tpu.memory_space<vmem>>, vector<16xi32>,
      %get3A_122 = vector.shape_cast %get3A_121 : vector<16xi32> to vector<16xi32>
      %add3A_123 = vector.broadcast %mul3A_2 : i32 to vector<16xi32>
      %add3A_124 = arith.addi %get3A_122, %add3A_123 : vector<16xi32>
      %swap3A_125 = arith.constant 48 : index
      %swap3A_126 = tpu.vector_load %arg9[%swap3A_125] {strides = array<i32>} : memref<80xi32, #tpu.memory_space<vmem>>, vector<16xi32>,
      %swap3A_127 = vector.shape_cast %swap3A_126 : vector<16xi32> to vector<16xi32>
      %swap3A_128 = vector.shape_cast %add3A_124 : vector<16xi32> to vector<16xi32>
      tpu.vector_store %arg9[%swap3A_125], %swap3A_128 {strides = array<i32>} : memref<80xi32, #tpu.memory_space<vmem>>, vector<16xi32>,
      %get3A_129 = arith.constant 64 : index
      %get3A_130 = tpu.vector_load %arg9[%get3A_129] {strides = array<i32>} : memref<80xi32, #tpu.memory_space<vmem>>, vector<16xi32>,
      %get3A_131 = vector.shape_cast %get3A_130 : vector<16xi32> to vector<16xi32>
      %add3A_132 = vector.broadcast %mul3A_2 : i32 to vector<16xi32>
      %add3A_133 = arith.addi %get3A_131, %add3A_132 : vector<16xi32>
      %swap3A_134 = arith.constant 64 : index
      %swap3A_135 = tpu.vector_load %arg9[%swap3A_134] {strides = array<i32>} : memref<80xi32, #tpu.memory_space<vmem>>, vector<16xi32>,
      %swap3A_136 = vector.shape_cast %swap3A_135 : vector<16xi32> to vector<16xi32>
      %swap3A_137 = vector.shape_cast %add3A_133 : vector<16xi32> to vector<16xi32>
      tpu.vector_store %arg9[%swap3A_134], %swap3A_137 {strides = array<i32>} : memref<80xi32, #tpu.memory_space<vmem>>, vector<16xi32>,
      %dma_start3A_138 = arith.constant 0 : i32
      %dma_start3A_139 = arith.constant 0 : i32
      %dma_start3A_140 = tpu.memref_slice %arg4[%dma_start3A_138, %dma_start3A_139] : memref<20480x128xf32, #tpu.memory_space<hbm>> -> memref<20480x128xf32, #tpu.memory_space<hbm>>
      tpu.enqueue_indirect_dma source(%dma_start3A_140 : memref<20480x128xf32, #tpu.memory_space<hbm>>) target(%arg17 : memref<80x128xf32, #tpu.memory_space<vmem>>) offsets(%arg9 : memref<80xi32, #tpu.memory_space<vmem>>) semaphore(%arg22 : memref<!tpu.dma_semaphore, #tpu.memory_space<semaphore_mem>>)
      %dma_wait3A_141 = tpu.memref_slice %arg2[%add3A_33] : memref<163840xi32, #tpu.memory_space<hbm>> -> memref<80xi32, #tpu.memory_space<hbm>>
      %dma_wait3A_142 = tpu.memref_slice %arg2[%add3A_33] : memref<163840xi32, #tpu.memory_space<hbm>> -> memref<80xi32, #tpu.memory_space<hbm>>
      tpu.wait_dma2 semaphore(%arg20 : memref<!tpu.dma_semaphore, #tpu.memory_space<semaphore_mem>>) src(%dma_wait3A_142 : memref<80xi32, #tpu.memory_space<hbm>>) dst(%arg10 : memref<80xi32, #tpu.memory_space<vmem>>)
      %get3A_143 = arith.constant 0 : index
      %get3A_144 = tpu.vector_load %arg10[%get3A_143] {strides = array<i32>} : memref<80xi32, #tpu.memory_space<vmem>>, vector<16xi32>,
      %get3A_145 = vector.shape_cast %get3A_144 : vector<16xi32> to vector<16xi32>
      %add3A_146 = vector.broadcast %mul3A_2 : i32 to vector<16xi32>
      %add3A_147 = arith.addi %get3A_145, %add3A_146 : vector<16xi32>
      %swap3A_148 = arith.constant 0 : index
      %swap3A_149 = tpu.vector_load %arg10[%swap3A_148] {strides = array<i32>} : memref<80xi32, #tpu.memory_space<vmem>>, vector<16xi32>,
      %swap3A_150 = vector.shape_cast %swap3A_149 : vector<16xi32> to vector<16xi32>
      %swap3A_151 = vector.shape_cast %add3A_147 : vector<16xi32> to vector<16xi32>
      tpu.vector_store %arg10[%swap3A_148], %swap3A_151 {strides = array<i32>} : memref<80xi32, #tpu.memory_space<vmem>>, vector<16xi32>,
      %get3A_152 = arith.constant 16 : index
      %get3A_153 = tpu.vector_load %arg10[%get3A_152] {strides = array<i32>} : memref<80xi32, #tpu.memory_space<vmem>>, vector<16xi32>,
      %get3A_154 = vector.shape_cast %get3A_153 : vector<16xi32> to vector<16xi32>
      %add3A_155 = vector.broadcast %mul3A_2 : i32 to vector<16xi32>
      %add3A_156 = arith.addi %get3A_154, %add3A_155 : vector<16xi32>
      %swap3A_157 = arith.constant 16 : index
      %swap3A_158 = tpu.vector_load %arg10[%swap3A_157] {strides = array<i32>} : memref<80xi32, #tpu.memory_space<vmem>>, vector<16xi32>,
      %swap3A_159 = vector.shape_cast %swap3A_158 : vector<16xi32> to vector<16xi32>
      %swap3A_160 = vector.shape_cast %add3A_156 : vector<16xi32> to vector<16xi32>
      tpu.vector_store %arg10[%swap3A_157], %swap3A_160 {strides = array<i32>} : memref<80xi32, #tpu.memory_space<vmem>>, vector<16xi32>,
      %get3A_161 = arith.constant 32 : index
      %get3A_162 = tpu.vector_load %arg10[%get3A_161] {strides = array<i32>} : memref<80xi32, #tpu.memory_space<vmem>>, vector<16xi32>,
      %get3A_163 = vector.shape_cast %get3A_162 : vector<16xi32> to vector<16xi32>
      %add3A_164 = vector.broadcast %mul3A_2 : i32 to vector<16xi32>
      %add3A_165 = arith.addi %get3A_163, %add3A_164 : vector<16xi32>
      %swap3A_166 = arith.constant 32 : index
      %swap3A_167 = tpu.vector_load %arg10[%swap3A_166] {strides = array<i32>} : memref<80xi32, #tpu.memory_space<vmem>>, vector<16xi32>,
      %swap3A_168 = vector.shape_cast %swap3A_167 : vector<16xi32> to vector<16xi32>
      %swap3A_169 = vector.shape_cast %add3A_165 : vector<16xi32> to vector<16xi32>
      tpu.vector_store %arg10[%swap3A_166], %swap3A_169 {strides = array<i32>} : memref<80xi32, #tpu.memory_space<vmem>>, vector<16xi32>,
      %get3A_170 = arith.constant 48 : index
      %get3A_171 = tpu.vector_load %arg10[%get3A_170] {strides = array<i32>} : memref<80xi32, #tpu.memory_space<vmem>>, vector<16xi32>,
      %get3A_172 = vector.shape_cast %get3A_171 : vector<16xi32> to vector<16xi32>
      %add3A_173 = vector.broadcast %mul3A_2 : i32 to vector<16xi32>
      %add3A_174 = arith.addi %get3A_172, %add3A_173 : vector<16xi32>
      %swap3A_175 = arith.constant 48 : index
      %swap3A_176 = tpu.vector_load %arg10[%swap3A_175] {strides = array<i32>} : memref<80xi32, #tpu.memory_space<vmem>>, vector<16xi32>,
      %swap3A_177 = vector.shape_cast %swap3A_176 : vector<16xi32> to vector<16xi32>
      %swap3A_178 = vector.shape_cast %add3A_174 : vector<16xi32> to vector<16xi32>
      tpu.vector_store %arg10[%swap3A_175], %swap3A_178 {strides = array<i32>} : memref<80xi32, #tpu.memory_space<vmem>>, vector<16xi32>,
      %get3A_179 = arith.constant 64 : index
      %get3A_180 = tpu.vector_load %arg10[%get3A_179] {strides = array<i32>} : memref<80xi32, #tpu.memory_space<vmem>>, vector<16xi32>,
      %get3A_181 = vector.shape_cast %get3A_180 : vector<16xi32> to vector<16xi32>
      %add3A_182 = vector.broadcast %mul3A_2 : i32 to vector<16xi32>
      %add3A_183 = arith.addi %get3A_181, %add3A_182 : vector<16xi32>
      %swap3A_184 = arith.constant 64 : index
      %swap3A_185 = tpu.vector_load %arg10[%swap3A_184] {strides = array<i32>} : memref<80xi32, #tpu.memory_space<vmem>>, vector<16xi32>,
      %swap3A_186 = vector.shape_cast %swap3A_185 : vector<16xi32> to vector<16xi32>
      %swap3A_187 = vector.shape_cast %add3A_183 : vector<16xi32> to vector<16xi32>
      tpu.vector_store %arg10[%swap3A_184], %swap3A_187 {strides = array<i32>} : memref<80xi32, #tpu.memory_space<vmem>>, vector<16xi32>,
      %dma_start3A_188 = arith.constant 0 : i32
      %dma_start3A_189 = arith.constant 0 : i32
      %dma_start3A_190 = tpu.memref_slice %arg4[%dma_start3A_188, %dma_start3A_189] : memref<20480x128xf32, #tpu.memory_space<hbm>> -> memref<20480x128xf32, #tpu.memory_space<hbm>>
      tpu.enqueue_indirect_dma source(%dma_start3A_190 : memref<20480x128xf32, #tpu.memory_space<hbm>>) target(%arg18 : memref<80x128xf32, #tpu.memory_space<vmem>>) offsets(%arg10 : memref<80xi32, #tpu.memory_space<vmem>>) semaphore(%arg22 : memref<!tpu.dma_semaphore, #tpu.memory_space<semaphore_mem>>)
      %dma_wait3A_191 = tpu.memref_slice %arg2[%add3A_39] : memref<163840xi32, #tpu.memory_space<hbm>> -> memref<80xi32, #tpu.memory_space<hbm>>
      %dma_wait3A_192 = tpu.memref_slice %arg2[%add3A_39] : memref<163840xi32, #tpu.memory_space<hbm>> -> memref<80xi32, #tpu.memory_space<hbm>>
      tpu.wait_dma2 semaphore(%arg20 : memref<!tpu.dma_semaphore, #tpu.memory_space<semaphore_mem>>) src(%dma_wait3A_192 : memref<80xi32, #tpu.memory_space<hbm>>) dst(%arg11 : memref<80xi32, #tpu.memory_space<vmem>>)
      %get3A_193 = arith.constant 0 : index
      %get3A_194 = tpu.vector_load %arg11[%get3A_193] {strides = array<i32>} : memref<80xi32, #tpu.memory_space<vmem>>, vector<16xi32>,
      %get3A_195 = vector.shape_cast %get3A_194 : vector<16xi32> to vector<16xi32>
      %add3A_196 = vector.broadcast %mul3A_2 : i32 to vector<16xi32>
      %add3A_197 = arith.addi %get3A_195, %add3A_196 : vector<16xi32>
      %swap3A_198 = arith.constant 0 : index
      %swap3A_199 = tpu.vector_load %arg11[%swap3A_198] {strides = array<i32>} : memref<80xi32, #tpu.memory_space<vmem>>, vector<16xi32>,
      %swap3A_200 = vector.shape_cast %swap3A_199 : vector<16xi32> to vector<16xi32>
      %swap3A_201 = vector.shape_cast %add3A_197 : vector<16xi32> to vector<16xi32>
      tpu.vector_store %arg11[%swap3A_198], %swap3A_201 {strides = array<i32>} : memref<80xi32, #tpu.memory_space<vmem>>, vector<16xi32>,
      %get3A_202 = arith.constant 16 : index
      %get3A_203 = tpu.vector_load %arg11[%get3A_202] {strides = array<i32>} : memref<80xi32, #tpu.memory_space<vmem>>, vector<16xi32>,
      %get3A_204 = vector.shape_cast %get3A_203 : vector<16xi32> to vector<16xi32>
      %add3A_205 = vector.broadcast %mul3A_2 : i32 to vector<16xi32>
      %add3A_206 = arith.addi %get3A_204, %add3A_205 : vector<16xi32>
      %swap3A_207 = arith.constant 16 : index
      %swap3A_208 = tpu.vector_load %arg11[%swap3A_207] {strides = array<i32>} : memref<80xi32, #tpu.memory_space<vmem>>, vector<16xi32>,
      %swap3A_209 = vector.shape_cast %swap3A_208 : vector<16xi32> to vector<16xi32>
      %swap3A_210 = vector.shape_cast %add3A_206 : vector<16xi32> to vector<16xi32>
      tpu.vector_store %arg11[%swap3A_207], %swap3A_210 {strides = array<i32>} : memref<80xi32, #tpu.memory_space<vmem>>, vector<16xi32>,
      %get3A_211 = arith.constant 32 : index
      %get3A_212 = tpu.vector_load %arg11[%get3A_211] {strides = array<i32>} : memref<80xi32, #tpu.memory_space<vmem>>, vector<16xi32>,
      %get3A_213 = vector.shape_cast %get3A_212 : vector<16xi32> to vector<16xi32>
      %add3A_214 = vector.broadcast %mul3A_2 : i32 to vector<16xi32>
      %add3A_215 = arith.addi %get3A_213, %add3A_214 : vector<16xi32>
      %swap3A_216 = arith.constant 32 : index
      %swap3A_217 = tpu.vector_load %arg11[%swap3A_216] {strides = array<i32>} : memref<80xi32, #tpu.memory_space<vmem>>, vector<16xi32>,
      %swap3A_218 = vector.shape_cast %swap3A_217 : vector<16xi32> to vector<16xi32>
      %swap3A_219 = vector.shape_cast %add3A_215 : vector<16xi32> to vector<16xi32>
      tpu.vector_store %arg11[%swap3A_216], %swap3A_219 {strides = array<i32>} : memref<80xi32, #tpu.memory_space<vmem>>, vector<16xi32>,
      %get3A_220 = arith.constant 48 : index
      %get3A_221 = tpu.vector_load %arg11[%get3A_220] {strides = array<i32>} : memref<80xi32, #tpu.memory_space<vmem>>, vector<16xi32>,
      %get3A_222 = vector.shape_cast %get3A_221 : vector<16xi32> to vector<16xi32>
      %add3A_223 = vector.broadcast %mul3A_2 : i32 to vector<16xi32>
      %add3A_224 = arith.addi %get3A_222, %add3A_223 : vector<16xi32>
      %swap3A_225 = arith.constant 48 : index
      %swap3A_226 = tpu.vector_load %arg11[%swap3A_225] {strides = array<i32>} : memref<80xi32, #tpu.memory_space<vmem>>, vector<16xi32>,
      %swap3A_227 = vector.shape_cast %swap3A_226 : vector<16xi32> to vector<16xi32>
      %swap3A_228 = vector.shape_cast %add3A_224 : vector<16xi32> to vector<16xi32>
      tpu.vector_store %arg11[%swap3A_225], %swap3A_228 {strides = array<i32>} : memref<80xi32, #tpu.memory_space<vmem>>, vector<16xi32>,
      %get3A_229 = arith.constant 64 : index
      %get3A_230 = tpu.vector_load %arg11[%get3A_229] {strides = array<i32>} : memref<80xi32, #tpu.memory_space<vmem>>, vector<16xi32>,
      %get3A_231 = vector.shape_cast %get3A_230 : vector<16xi32> to vector<16xi32>
      %add3A_232 = vector.broadcast %mul3A_2 : i32 to vector<16xi32>
      %add3A_233 = arith.addi %get3A_231, %add3A_232 : vector<16xi32>
      %swap3A_234 = arith.constant 64 : index
      %swap3A_235 = tpu.vector_load %arg11[%swap3A_234] {strides = array<i32>} : memref<80xi32, #tpu.memory_space<vmem>>, vector<16xi32>,
      %swap3A_236 = vector.shape_cast %swap3A_235 : vector<16xi32> to vector<16xi32>
      %swap3A_237 = vector.shape_cast %add3A_233 : vector<16xi32> to vector<16xi32>
      tpu.vector_store %arg11[%swap3A_234], %swap3A_237 {strides = array<i32>} : memref<80xi32, #tpu.memory_space<vmem>>, vector<16xi32>,
      %dma_start3A_238 = arith.constant 0 : i32
      %dma_start3A_239 = arith.constant 0 : i32
      %dma_start3A_240 = tpu.memref_slice %arg4[%dma_start3A_238, %dma_start3A_239] : memref<20480x128xf32, #tpu.memory_space<hbm>> -> memref<20480x128xf32, #tpu.memory_space<hbm>>
      tpu.enqueue_indirect_dma source(%dma_start3A_240 : memref<20480x128xf32, #tpu.memory_space<hbm>>) target(%arg19 : memref<80x128xf32, #tpu.memory_space<vmem>>) offsets(%arg11 : memref<80xi32, #tpu.memory_space<vmem>>) semaphore(%arg22 : memref<!tpu.dma_semaphore, #tpu.memory_space<semaphore_mem>>)
      %dma_wait3A_241 = arith.constant 0 : i32
      %dma_wait3A_242 = arith.constant 0 : i32
      %dma_wait3A_243 = tpu.memref_slice %arg4[%dma_wait3A_241, %dma_wait3A_242] : memref<20480x128xf32, #tpu.memory_space<hbm>> -> memref<20480x128xf32, #tpu.memory_space<hbm>>
      tpu.wait_indirect_dma semaphore(%arg22 : memref<!tpu.dma_semaphore, #tpu.memory_space<semaphore_mem>>) src(%dma_wait3A_243 : memref<20480x128xf32, #tpu.memory_space<hbm>>) dst(%arg16 : memref<80x128xf32, #tpu.memory_space<vmem>>)
      %dma_wait3A_244 = tpu.memref_slice %arg3[%add3A_22] : memref<163840xi32, #tpu.memory_space<hbm>> -> memref<80xi32, #tpu.memory_space<hbm>>
      %dma_wait3A_245 = tpu.memref_slice %arg3[%add3A_22] : memref<163840xi32, #tpu.memory_space<hbm>> -> memref<80xi32, #tpu.memory_space<hbm>>
      tpu.wait_dma2 semaphore(%arg21 : memref<!tpu.dma_semaphore, #tpu.memory_space<semaphore_mem>>) src(%dma_wait3A_245 : memref<80xi32, #tpu.memory_space<hbm>>) dst(%arg12 : memref<80xi32, #tpu.memory_space<vmem>>)
      %dma_start3A_246 = arith.constant 0 : i32
      %dma_start3A_247 = arith.constant 0 : i32
      %dma_start3A_248 = tpu.memref_slice %arg7[%dma_start3A_246, %dma_start3A_247] : memref<10240x128xf32, #tpu.memory_space<vmem_shared>> -> memref<10240x128xf32, #tpu.memory_space<vmem_shared>>
      tpu.enqueue_indirect_dma source(%arg16 : memref<80x128xf32, #tpu.memory_space<vmem>>) target(%dma_start3A_248 : memref<10240x128xf32, #tpu.memory_space<vmem_shared>>) offsets(%arg12 : memref<80xi32, #tpu.memory_space<vmem>>) semaphore(%arg23 : memref<!tpu.dma_semaphore, #tpu.memory_space<semaphore_mem>>) {add = true}
      %dma_wait3A_249 = arith.constant 0 : i32
      %dma_wait3A_250 = arith.constant 0 : i32
      %dma_wait3A_251 = tpu.memref_slice %arg4[%dma_wait3A_249, %dma_wait3A_250] : memref<20480x128xf32, #tpu.memory_space<hbm>> -> memref<20480x128xf32, #tpu.memory_space<hbm>>
      tpu.wait_indirect_dma semaphore(%arg22 : memref<!tpu.dma_semaphore, #tpu.memory_space<semaphore_mem>>) src(%dma_wait3A_251 : memref<20480x128xf32, #tpu.memory_space<hbm>>) dst(%arg17 : memref<80x128xf32, #tpu.memory_space<vmem>>)
      %dma_wait3A_252 = tpu.memref_slice %arg3[%add3A_27] : memref<163840xi32, #tpu.memory_space<hbm>> -> memref<80xi32, #tpu.memory_space<hbm>>
      %dma_wait3A_253 = tpu.memref_slice %arg3[%add3A_27] : memref<163840xi32, #tpu.memory_space<hbm>> -> memref<80xi32, #tpu.memory_space<hbm>>
      tpu.wait_dma2 semaphore(%arg21 : memref<!tpu.dma_semaphore, #tpu.memory_space<semaphore_mem>>) src(%dma_wait3A_253 : memref<80xi32, #tpu.memory_space<hbm>>) dst(%arg13 : memref<80xi32, #tpu.memory_space<vmem>>)
      %dma_start3A_254 = arith.constant 0 : i32
      %dma_start3A_255 = arith.constant 0 : i32
      %dma_start3A_256 = tpu.memref_slice %arg7[%dma_start3A_254, %dma_start3A_255] : memref<10240x128xf32, #tpu.memory_space<vmem_shared>> -> memref<10240x128xf32, #tpu.memory_space<vmem_shared>>
      tpu.enqueue_indirect_dma source(%arg17 : memref<80x128xf32, #tpu.memory_space<vmem>>) target(%dma_start3A_256 : memref<10240x128xf32, #tpu.memory_space<vmem_shared>>) offsets(%arg13 : memref<80xi32, #tpu.memory_space<vmem>>) semaphore(%arg23 : memref<!tpu.dma_semaphore, #tpu.memory_space<semaphore_mem>>) {add = true}
      %dma_wait3A_257 = arith.constant 0 : i32
      %dma_wait3A_258 = arith.constant 0 : i32
      %dma_wait3A_259 = tpu.memref_slice %arg4[%dma_wait3A_257, %dma_wait3A_258] : memref<20480x128xf32, #tpu.memory_space<hbm>> -> memref<20480x128xf32, #tpu.memory_space<hbm>>
      tpu.wait_indirect_dma semaphore(%arg22 : memref<!tpu.dma_semaphore, #tpu.memory_space<semaphore_mem>>) src(%dma_wait3A_259 : memref<20480x128xf32, #tpu.memory_space<hbm>>) dst(%arg18 : memref<80x128xf32, #tpu.memory_space<vmem>>)
      %dma_wait3A_260 = tpu.memref_slice %arg3[%add3A_33] : memref<163840xi32, #tpu.memory_space<hbm>> -> memref<80xi32, #tpu.memory_space<hbm>>
      %dma_wait3A_261 = tpu.memref_slice %arg3[%add3A_33] : memref<163840xi32, #tpu.memory_space<hbm>> -> memref<80xi32, #tpu.memory_space<hbm>>
      tpu.wait_dma2 semaphore(%arg21 : memref<!tpu.dma_semaphore, #tpu.memory_space<semaphore_mem>>) src(%dma_wait3A_261 : memref<80xi32, #tpu.memory_space<hbm>>) dst(%arg14 : memref<80xi32, #tpu.memory_space<vmem>>)
      %dma_start3A_262 = arith.constant 0 : i32
      %dma_start3A_263 = arith.constant 0 : i32
      %dma_start3A_264 = tpu.memref_slice %arg7[%dma_start3A_262, %dma_start3A_263] : memref<10240x128xf32, #tpu.memory_space<vmem_shared>> -> memref<10240x128xf32, #tpu.memory_space<vmem_shared>>
      tpu.enqueue_indirect_dma source(%arg18 : memref<80x128xf32, #tpu.memory_space<vmem>>) target(%dma_start3A_264 : memref<10240x128xf32, #tpu.memory_space<vmem_shared>>) offsets(%arg14 : memref<80xi32, #tpu.memory_space<vmem>>) semaphore(%arg23 : memref<!tpu.dma_semaphore, #tpu.memory_space<semaphore_mem>>) {add = true}
      %dma_wait3A_265 = arith.constant 0 : i32
      %dma_wait3A_266 = arith.constant 0 : i32
      %dma_wait3A_267 = tpu.memref_slice %arg4[%dma_wait3A_265, %dma_wait3A_266] : memref<20480x128xf32, #tpu.memory_space<hbm>> -> memref<20480x128xf32, #tpu.memory_space<hbm>>
      tpu.wait_indirect_dma semaphore(%arg22 : memref<!tpu.dma_semaphore, #tpu.memory_space<semaphore_mem>>) src(%dma_wait3A_267 : memref<20480x128xf32, #tpu.memory_space<hbm>>) dst(%arg19 : memref<80x128xf32, #tpu.memory_space<vmem>>)
      %dma_wait3A_268 = tpu.memref_slice %arg3[%add3A_39] : memref<163840xi32, #tpu.memory_space<hbm>> -> memref<80xi32, #tpu.memory_space<hbm>>
      %dma_wait3A_269 = tpu.memref_slice %arg3[%add3A_39] : memref<163840xi32, #tpu.memory_space<hbm>> -> memref<80xi32, #tpu.memory_space<hbm>>
      tpu.wait_dma2 semaphore(%arg21 : memref<!tpu.dma_semaphore, #tpu.memory_space<semaphore_mem>>) src(%dma_wait3A_269 : memref<80xi32, #tpu.memory_space<hbm>>) dst(%arg15 : memref<80xi32, #tpu.memory_space<vmem>>)
      %dma_start3A_270 = arith.constant 0 : i32
      %dma_start3A_271 = arith.constant 0 : i32
      %dma_start3A_272 = tpu.memref_slice %arg7[%dma_start3A_270, %dma_start3A_271] : memref<10240x128xf32, #tpu.memory_space<vmem_shared>> -> memref<10240x128xf32, #tpu.memory_space<vmem_shared>>
      tpu.enqueue_indirect_dma source(%arg19 : memref<80x128xf32, #tpu.memory_space<vmem>>) target(%dma_start3A_272 : memref<10240x128xf32, #tpu.memory_space<vmem_shared>>) offsets(%arg15 : memref<80xi32, #tpu.memory_space<vmem>>) semaphore(%arg23 : memref<!tpu.dma_semaphore, #tpu.memory_space<semaphore_mem>>) {add = true}
      %dma_wait3A_273 = arith.constant 0 : i32
      %dma_wait3A_274 = arith.constant 0 : i32
      %dma_wait3A_275 = tpu.memref_slice %arg7[%dma_wait3A_273, %dma_wait3A_274] : memref<10240x128xf32, #tpu.memory_space<vmem_shared>> -> memref<10240x128xf32, #tpu.memory_space<vmem_shared>>
      tpu.wait_indirect_dma semaphore(%arg23 : memref<!tpu.dma_semaphore, #tpu.memory_space<semaphore_mem>>) src(%arg16 : memref<80x128xf32, #tpu.memory_space<vmem>>) dst(%dma_wait3A_275 : memref<10240x128xf32, #tpu.memory_space<vmem_shared>>)
      %dma_wait3A_276 = arith.constant 0 : i32
      %dma_wait3A_277 = arith.constant 0 : i32
      %dma_wait3A_278 = tpu.memref_slice %arg7[%dma_wait3A_276, %dma_wait3A_277] : memref<10240x128xf32, #tpu.memory_space<vmem_shared>> -> memref<10240x128xf32, #tpu.memory_space<vmem_shared>>
      tpu.wait_indirect_dma semaphore(%arg23 : memref<!tpu.dma_semaphore, #tpu.memory_space<semaphore_mem>>) src(%arg17 : memref<80x128xf32, #tpu.memory_space<vmem>>) dst(%dma_wait3A_278 : memref<10240x128xf32, #tpu.memory_space<vmem_shared>>)
      %dma_wait3A_279 = arith.constant 0 : i32
      %dma_wait3A_280 = arith.constant 0 : i32
      %dma_wait3A_281 = tpu.memref_slice %arg7[%dma_wait3A_279, %dma_wait3A_280] : memref<10240x128xf32, #tpu.memory_space<vmem_shared>> -> memref<10240x128xf32, #tpu.memory_space<vmem_shared>>
      tpu.wait_indirect_dma semaphore(%arg23 : memref<!tpu.dma_semaphore, #tpu.memory_space<semaphore_mem>>) src(%arg18 : memref<80x128xf32, #tpu.memory_space<vmem>>) dst(%dma_wait3A_281 : memref<10240x128xf32, #tpu.memory_space<vmem_shared>>)
      %dma_wait3A_282 = arith.constant 0 : i32
      %dma_wait3A_283 = arith.constant 0 : i32
      %dma_wait3A_284 = tpu.memref_slice %arg7[%dma_wait3A_282, %dma_wait3A_283] : memref<10240x128xf32, #tpu.memory_space<vmem_shared>> -> memref<10240x128xf32, #tpu.memory_space<vmem_shared>>
      tpu.wait_indirect_dma semaphore(%arg23 : memref<!tpu.dma_semaphore, #tpu.memory_space<semaphore_mem>>) src(%arg19 : memref<80x128xf32, #tpu.memory_space<vmem>>) dst(%dma_wait3A_284 : memref<10240x128xf32, #tpu.memory_space<vmem_shared>>)
    }
    %scan3A_9 = arith.constant 32 : i32
    %barrier3A_10 = arith.constant 0 : index
    tpu.barrier barrier_id(%barrier3A_10)
    %mul3A_11 = arith.constant 640 : i32
    %mul3A_12 = arith.muli %arg1, %mul3A_11 : i32
    %mul3A_13 = arith.constant 10240 : i32
    %mul3A_14 = arith.muli %arg0, %mul3A_13 : i32
    %mul3A_15 = arith.constant 640 : i32
    %mul3A_16 = arith.muli %arg1, %mul3A_15 : i32
    %add3A = arith.addi %mul3A_14, %mul3A_16 : i32
    "tpu.region"() ({
      %run_scoped3A = tpu.sem_alloc : memref<!tpu.dma_semaphore, #tpu.memory_space<semaphore_mem>>
      %dma_start3A = arith.constant 0 : i32
      %dma_start3A_17 = tpu.memref_slice %arg6[%add3A, %dma_start3A] : memref<20480x128xf32, #tpu.memory_space<hbm>> -> memref<640x128xf32, #tpu.memory_space<hbm>>
      %dma_start3A_18 = arith.constant 0 : i32
      %dma_start3A_19 = tpu.memref_slice %arg7[%mul3A_12, %dma_start3A_18] : memref<10240x128xf32, #tpu.memory_space<vmem_shared>> -> memref<640x128xf32, #tpu.memory_space<vmem_shared>>
      tpu.enqueue_dma source(%dma_start3A_19 : memref<640x128xf32, #tpu.memory_space<vmem_shared>>) target(%dma_start3A_17 : memref<640x128xf32, #tpu.memory_space<hbm>>) target_semaphore(%run_scoped3A : memref<!tpu.dma_semaphore, #tpu.memory_space<semaphore_mem>>)
      %dma_wait3A = arith.constant 0 : i32
      %dma_wait3A_20 = tpu.memref_slice %arg6[%add3A, %dma_wait3A] : memref<20480x128xf32, #tpu.memory_space<hbm>> -> memref<640x128xf32, #tpu.memory_space<hbm>>
      %dma_wait3A_21 = arith.constant 0 : i32
      %dma_wait3A_22 = tpu.memref_slice %arg7[%mul3A_12, %dma_wait3A_21] : memref<10240x128xf32, #tpu.memory_space<vmem_shared>> -> memref<640x128xf32, #tpu.memory_space<vmem_shared>>
      tpu.wait_dma2 semaphore(%run_scoped3A : memref<!tpu.dma_semaphore, #tpu.memory_space<semaphore_mem>>) src(%dma_wait3A_22 : memref<640x128xf32, #tpu.memory_space<vmem_shared>>) dst(%dma_wait3A_20 : memref<640x128xf32, #tpu.memory_space<hbm>>)
      tpu.yield
    }) : () -> ()
    return
  }
}

module attributes {stable_mosaic.version = 14 : i64} {
  func.func @_prep_body(%arg0: i32, %arg1: memref<2000x256xf32, #tpu.memory_space<vmem>>, %arg2: memref<2000x1xf32, #tpu.memory_space<vmem>>, %arg3: memref<2000x1xf32, #tpu.memory_space<vmem>>, %arg4: memref<2x2000x128xf32, #tpu.memory_space<vmem>>, %arg5: memref<2000x1xf32, #tpu.memory_space<vmem>>) attributes {dimension_semantics = [#tpu.dimension_semantics<arbitrary>], iteration_bounds = array<i64: 5>, scalar_prefetch = 0 : i64, scratch_operands = 0 : i64, tpu.core_type = #tpu.core_type<tc>, window_params = [{transform_indices = @transform_0, window_bounds = array<i64: 2000, 256>}, {transform_indices = @transform_1, window_bounds = array<i64: 2000, 1>}, {transform_indices = @transform_2, window_bounds = array<i64: 2000, 1>}, {transform_indices = @transform_3, window_bounds = array<i64: 2, 2000, 128>}, {transform_indices = @transform_4, window_bounds = array<i64: 2000, 1>}]} {
    %get3A = arith.constant 0 : index
    %get3A_0 = arith.constant 0 : index
    %get3A_1 = vector.load %arg2[%get3A, %get3A_0] : memref<2000x1xf32, #tpu.memory_space<vmem>>, vector<2000x1xf32>
    %get3A_2 = arith.constant 0 : index
    %get3A_3 = arith.constant 0 : index
    %get3A_4 = vector.load %arg3[%get3A_2, %get3A_3] : memref<2000x1xf32, #tpu.memory_space<vmem>>, vector<2000x1xf32>
    %add3A = arith.addf %get3A_1, %get3A_4 : vector<2000x1xf32>
    %add3A_5 = arith.constant 1.000000e+00 : f32
    %add3A_6 = vector.broadcast %add3A_5 : f32 to vector<2000x1xf32>
    %add3A_7 = arith.addf %add3A, %add3A_6 : vector<2000x1xf32>
    %rsqrt3A = math.rsqrt %add3A_7 : vector<2000x1xf32>
    %get3A_8 = arith.constant 0 : index
    %get3A_9 = arith.constant 0 : index
    %get3A_10 = vector.load %arg1[%get3A_8, %get3A_9] : memref<2000x256xf32, #tpu.memory_space<vmem>>, vector<2000x256xf32>
    %mul3A = vector.broadcast %rsqrt3A : vector<2000x1xf32> to vector<2000x256xf32>
    %mul3A_11 = arith.mulf %get3A_10, %mul3A : vector<2000x256xf32>
    %slice3A = vector.extract_strided_slice %mul3A_11 {offsets = [0, 0], sizes = [2000, 128], strides = [1, 1]} : vector<2000x256xf32> to vector<2000x128xf32>
    %swap3A = arith.constant 0 : index
    %swap3A_12 = arith.constant 0 : index
    %swap3A_13 = arith.constant 0 : index
    %swap3A_14 = vector.load %arg4[%swap3A, %swap3A_12, %swap3A_13] : memref<2x2000x128xf32, #tpu.memory_space<vmem>>, vector<1x2000x128xf32>
    %swap3A_15 = vector.shape_cast %swap3A_14 : vector<1x2000x128xf32> to vector<2000x128xf32>
    %swap3A_16 = vector.shape_cast %slice3A : vector<2000x128xf32> to vector<1x2000x128xf32>
    tpu.vector_store %arg4[%swap3A, %swap3A_12, %swap3A_13], %swap3A_16 {strides = array<i32>} : memref<2x2000x128xf32, #tpu.memory_space<vmem>>, vector<1x2000x128xf32>,
    %slice3A_17 = vector.extract_strided_slice %mul3A_11 {offsets = [0, 128], sizes = [2000, 128], strides = [1, 1]} : vector<2000x256xf32> to vector<2000x128xf32>
    %swap3A_18 = arith.constant 1 : index
    %swap3A_19 = arith.constant 0 : index
    %swap3A_20 = arith.constant 0 : index
    %swap3A_21 = vector.load %arg4[%swap3A_18, %swap3A_19, %swap3A_20] : memref<2x2000x128xf32, #tpu.memory_space<vmem>>, vector<1x2000x128xf32>
    %swap3A_22 = vector.shape_cast %swap3A_21 : vector<1x2000x128xf32> to vector<2000x128xf32>
    %swap3A_23 = vector.shape_cast %slice3A_17 : vector<2000x128xf32> to vector<1x2000x128xf32>
    tpu.vector_store %arg4[%swap3A_18, %swap3A_19, %swap3A_20], %swap3A_23 {strides = array<i32>} : memref<2x2000x128xf32, #tpu.memory_space<vmem>>, vector<1x2000x128xf32>,
    %swap3A_24 = arith.constant 0 : index
    %swap3A_25 = arith.constant 0 : index
    %swap3A_26 = vector.load %arg5[%swap3A_24, %swap3A_25] : memref<2000x1xf32, #tpu.memory_space<vmem>>, vector<2000x1xf32>
    tpu.vector_store %arg5[%swap3A_24, %swap3A_25], %rsqrt3A {strides = array<i32>} : memref<2000x1xf32, #tpu.memory_space<vmem>>, vector<2000x1xf32>,
    return
  }
  func.func @transform_0(%arg0: i32) -> (i32, i32) {
    %c0_i32 = arith.constant 0 : i32
    %c0_i32_0 = arith.constant 0 : i32
    return %arg0, %c0_i32 : i32, i32
  }
  func.func @transform_1(%arg0: i32) -> (i32, i32) {
    %c0_i32 = arith.constant 0 : i32
    %c0_i32_0 = arith.constant 0 : i32
    return %arg0, %c0_i32 : i32, i32
  }
  func.func @transform_2(%arg0: i32) -> (i32, i32) {
    %c0_i32 = arith.constant 0 : i32
    %c0_i32_0 = arith.constant 0 : i32
    return %arg0, %c0_i32 : i32, i32
  }
  func.func @transform_3(%arg0: i32) -> (i32, i32, i32) {
    %c0_i32 = arith.constant 0 : i32
    %c0_i32_0 = arith.constant 0 : i32
    %c0_i32_1 = arith.constant 0 : i32
    return %c0_i32, %arg0, %c0_i32_0 : i32, i32, i32
  }
  func.func @transform_4(%arg0: i32) -> (i32, i32) {
    %c0_i32 = arith.constant 0 : i32
    %c0_i32_0 = arith.constant 0 : i32
    return %arg0, %c0_i32 : i32, i32
  }
}

module attributes {stable_mosaic.version = 14 : i64} {
  func.func @_main_body(%arg0: i32, %arg1: memref<2000x256xf32, #tpu.memory_space<vmem>>, %arg2: memref<2x2000x128xf32, #tpu.memory_space<vmem>>, %arg3: memref<2000x1xf32, #tpu.memory_space<vmem>>, %arg4: memref<256x512xf32, #tpu.memory_space<vmem>>, %arg5: memref<1x512xf32, #tpu.memory_space<vmem>>, %arg6: memref<512x256xf32, #tpu.memory_space<vmem>>, %arg7: memref<1x256xf32, #tpu.memory_space<vmem>>, %arg8: memref<1x1x2000xi32, #tpu.memory_space<vmem>>, %arg9: memref<2000x256xf32, #tpu.memory_space<vmem>>, %arg10: memref<512x512xf32, #tpu.memory_space<vmem>>) attributes {dimension_semantics = [#tpu.dimension_semantics<arbitrary>], iteration_bounds = array<i64: 5>, scalar_prefetch = 0 : i64, scratch_operands = 0 : i64, tpu.core_type = #tpu.core_type<tc>, window_params = [{transform_indices = @transform_0, window_bounds = array<i64: 2000, 256>}, {transform_indices = @transform_1, window_bounds = array<i64: 2, 2000, 128>}, {transform_indices = @transform_2, window_bounds = array<i64: 2000, 1>}, {pipeline_mode = #tpu.pipeline_mode<synchronous>, transform_indices = @transform_3, window_bounds = array<i64: 256, 512>}, {pipeline_mode = #tpu.pipeline_mode<synchronous>, transform_indices = @transform_4, window_bounds = array<i64: 1, 512>}, {pipeline_mode = #tpu.pipeline_mode<synchronous>, transform_indices = @transform_5, window_bounds = array<i64: 512, 256>}, {pipeline_mode = #tpu.pipeline_mode<synchronous>, transform_indices = @transform_6, window_bounds = array<i64: 1, 256>}, {transform_indices = @transform_7, window_bounds = array<i64: 1, 1, 2000>}, {transform_indices = @transform_8, window_bounds = array<i64: 2000, 256>}, {pipeline_mode = #tpu.pipeline_mode<synchronous>, transform_indices = @transform_9, window_bounds = array<i64: 512, 512>}]} {
    %get3A = arith.constant 0 : index
    %get3A_0 = arith.constant 0 : index
    %get3A_1 = vector.load %arg3[%get3A, %get3A_0] : memref<2000x1xf32, #tpu.memory_space<vmem>>, vector<2000x1xf32>
    %get3A_2 = arith.constant 0 : index
    %get3A_3 = arith.constant 0 : index
    %get3A_4 = arith.constant 0 : index
    %get3A_5 = vector.load %arg2[%get3A_2, %get3A_3, %get3A_4] : memref<2x2000x128xf32, #tpu.memory_space<vmem>>, vector<1x2000x128xf32>
    %get3A_6 = vector.shape_cast %get3A_5 : vector<1x2000x128xf32> to vector<2000x128xf32>
    %get3A_7 = arith.constant 1 : index
    %get3A_8 = arith.constant 0 : index
    %get3A_9 = arith.constant 0 : index
    %get3A_10 = vector.load %arg2[%get3A_7, %get3A_8, %get3A_9] : memref<2x2000x128xf32, #tpu.memory_space<vmem>>, vector<1x2000x128xf32>
    %get3A_11 = vector.shape_cast %get3A_10 : vector<1x2000x128xf32> to vector<2000x128xf32>
    %concatenate3A = tpu.concatenate %get3A_6, %get3A_11 in 1 : vector<2000x128xf32>, vector<2000x128xf32> -> vector<2000x256xf32>
    %get3A_12 = arith.constant 0 : index
    %get3A_13 = arith.constant 0 : index
    %get3A_14 = vector.load %arg1[%get3A_12, %get3A_13] : memref<2000x256xf32, #tpu.memory_space<vmem>>, vector<2000x256xf32>
    %mul3A = vector.broadcast %get3A_1 : vector<2000x1xf32> to vector<2000x256xf32>
    %mul3A_15 = arith.mulf %mul3A, %get3A_14 : vector<2000x256xf32>
    %add3A = arith.addf %concatenate3A, %mul3A_15 : vector<2000x256xf32>
    %mul3A_16 = vector.broadcast %get3A_1 : vector<2000x1xf32> to vector<2000x256xf32>
    %mul3A_17 = arith.mulf %mul3A_16, %add3A : vector<2000x256xf32>
    %get3A_18 = arith.constant 0 : index
    %get3A_19 = arith.constant 0 : index
    %get3A_20 = vector.load %arg4[%get3A_18, %get3A_19] : memref<256x512xf32, #tpu.memory_space<vmem>>, vector<256x512xf32>
    %dot_general3A = arith.constant dense<0.000000e+00> : vector<2000x512xf32>
    %dot_general3A_21 = tpu.matmul %mul3A_17, %get3A_20, %dot_general3A {dimension_numbers = #tpu.dot_dimension_numbers<[1], [0], [0], [1], [0, 0, 1, 1], [], []>, transpose_lhs_hint = false} : vector<2000x256xf32>, vector<256x512xf32>, vector<2000x512xf32> -> vector<2000x512xf32>
    %get3A_22 = arith.constant 0 : index
    %get3A_23 = arith.constant 0 : index
    %get3A_24 = vector.load %arg5[%get3A_22, %get3A_23] : memref<1x512xf32, #tpu.memory_space<vmem>>, vector<1x512xf32>
    %add3A_25 = vector.broadcast %get3A_24 : vector<1x512xf32> to vector<2000x512xf32>
    %add3A_26 = arith.addf %dot_general3A_21, %add3A_25 : vector<2000x512xf32>
    %max3A = arith.constant 0.000000e+00 : f32
    %max3A_27 = vector.broadcast %max3A : f32 to vector<2000x512xf32>
    %max3A_28 = arith.maximumf %add3A_26, %max3A_27 : vector<2000x512xf32>
    %get3A_29 = arith.constant 0 : index
    %get3A_30 = arith.constant 0 : index
    %get3A_31 = vector.load %arg6[%get3A_29, %get3A_30] : memref<512x256xf32, #tpu.memory_space<vmem>>, vector<512x256xf32>
    %dot_general3A_32 = arith.constant dense<0.000000e+00> : vector<2000x256xf32>
    %dot_general3A_33 = tpu.matmul %max3A_28, %get3A_31, %dot_general3A_32 {dimension_numbers = #tpu.dot_dimension_numbers<[1], [0], [0], [1], [0, 0, 1, 1], [], []>, transpose_lhs_hint = false} : vector<2000x512xf32>, vector<512x256xf32>, vector<2000x256xf32> -> vector<2000x256xf32>
    %get3A_34 = arith.constant 0 : index
    %get3A_35 = arith.constant 0 : index
    %get3A_36 = vector.load %arg7[%get3A_34, %get3A_35] : memref<1x256xf32, #tpu.memory_space<vmem>>, vector<1x256xf32>
    %add3A_37 = vector.broadcast %get3A_36 : vector<1x256xf32> to vector<2000x256xf32>
    %add3A_38 = arith.addf %dot_general3A_33, %add3A_37 : vector<2000x256xf32>
    %swap3A = arith.constant 0 : index
    %swap3A_39 = arith.constant 0 : index
    %swap3A_40 = vector.load %arg9[%swap3A, %swap3A_39] : memref<2000x256xf32, #tpu.memory_space<vmem>>, vector<2000x256xf32>
    tpu.vector_store %arg9[%swap3A, %swap3A_39], %add3A_38 {strides = array<i32>} : memref<2000x256xf32, #tpu.memory_space<vmem>>, vector<2000x256xf32>,
    %get3A_41 = arith.constant 0 : index
    %get3A_42 = arith.constant 0 : index
    %get3A_43 = arith.constant 0 : index
    %get3A_44 = vector.load %arg8[%get3A_41, %get3A_42, %get3A_43] : memref<1x1x2000xi32, #tpu.memory_space<vmem>>, vector<1x1x2000xi32>
    %get3A_45 = vector.shape_cast %get3A_44 : vector<1x1x2000xi32> to vector<2000xi32>
    %iota3A = tpu.iota {dimensions = array<i32: 0>} : vector<512x2000xi32>
    %broadcast_in_dim3A = vector.shape_cast %get3A_45 : vector<2000xi32> to vector<1x2000xi32>
    %eq3A = vector.broadcast %broadcast_in_dim3A : vector<1x2000xi32> to vector<512x2000xi32>
    %eq3A_46 = arith.cmpi eq, %iota3A, %eq3A : vector<512x2000xi32>
    %convert_element_type3A = arith.extui %eq3A_46 : vector<512x2000xi1> to vector<512x2000xi32>
    %convert_element_type3A_47 = arith.sitofp %convert_element_type3A : vector<512x2000xi32> to vector<512x2000xf32>
    %dot_general3A_48 = arith.constant dense<0.000000e+00> : vector<512x512xf32>
    %dot_general3A_49 = tpu.matmul %convert_element_type3A_47, %max3A_28, %dot_general3A_48 {dimension_numbers = #tpu.dot_dimension_numbers<[1], [0], [0], [1], [0, 0, 1, 1], [], []>, transpose_lhs_hint = false} : vector<512x2000xf32>, vector<2000x512xf32>, vector<512x512xf32> -> vector<512x512xf32>
    %eq3A_50 = arith.constant 0 : i32
    %eq3A_51 = arith.cmpi eq, %arg0, %eq3A_50 : i32
    %convert_element_type3A_52 = arith.extui %eq3A_51 : i1 to i32
    %cond3A = arith.constant 0 : i32
    %cond3A_53 = arith.cmpi ne, %convert_element_type3A_52, %cond3A : i32
    scf.if %cond3A_53 {
      %broadcast_in_dim3A_61 = arith.constant 0.000000e+00 : f32
      %broadcast_in_dim3A_62 = vector.broadcast %broadcast_in_dim3A_61 : f32 to vector<512x512xf32>
      %swap3A_63 = arith.constant 0 : index
      %swap3A_64 = arith.constant 0 : index
      %swap3A_65 = vector.load %arg10[%swap3A_63, %swap3A_64] : memref<512x512xf32, #tpu.memory_space<vmem>>, vector<512x512xf32>
      tpu.vector_store %arg10[%swap3A_63, %swap3A_64], %broadcast_in_dim3A_62 {strides = array<i32>} : memref<512x512xf32, #tpu.memory_space<vmem>>, vector<512x512xf32>,
    } else {
    }
    %get3A_54 = arith.constant 0 : index
    %get3A_55 = arith.constant 0 : index
    %get3A_56 = vector.load %arg10[%get3A_54, %get3A_55] : memref<512x512xf32, #tpu.memory_space<vmem>>, vector<512x512xf32>
    %add3A_57 = arith.addf %get3A_56, %dot_general3A_49 : vector<512x512xf32>
    %swap3A_58 = arith.constant 0 : index
    %swap3A_59 = arith.constant 0 : index
    %swap3A_60 = vector.load %arg10[%swap3A_58, %swap3A_59] : memref<512x512xf32, #tpu.memory_space<vmem>>, vector<512x512xf32>
    tpu.vector_store %arg10[%swap3A_58, %swap3A_59], %add3A_57 {strides = array<i32>} : memref<512x512xf32, #tpu.memory_space<vmem>>, vector<512x512xf32>,
    return
  }
  func.func @transform_0(%arg0: i32) -> (i32, i32) {
    %c0_i32 = arith.constant 0 : i32
    %c0_i32_0 = arith.constant 0 : i32
    return %arg0, %c0_i32 : i32, i32
  }
  func.func @transform_1(%arg0: i32) -> (i32, i32, i32) {
    %c0_i32 = arith.constant 0 : i32
    %c0_i32_0 = arith.constant 0 : i32
    %c0_i32_1 = arith.constant 0 : i32
    return %c0_i32, %arg0, %c0_i32_0 : i32, i32, i32
  }
  func.func @transform_2(%arg0: i32) -> (i32, i32) {
    %c0_i32 = arith.constant 0 : i32
    %c0_i32_0 = arith.constant 0 : i32
    return %arg0, %c0_i32 : i32, i32
  }
  func.func @transform_3(%arg0: i32) -> (i32, i32) {
    %c0_i32 = arith.constant 0 : i32
    %c0_i32_0 = arith.constant 0 : i32
    %c0_i32_1 = arith.constant 0 : i32
    return %c0_i32, %c0_i32_0 : i32, i32
  }
  func.func @transform_4(%arg0: i32) -> (i32, i32) {
    %c0_i32 = arith.constant 0 : i32
    %c0_i32_0 = arith.constant 0 : i32
    %c0_i32_1 = arith.constant 0 : i32
    return %c0_i32, %c0_i32_0 : i32, i32
  }
  func.func @transform_5(%arg0: i32) -> (i32, i32) {
    %c0_i32 = arith.constant 0 : i32
    %c0_i32_0 = arith.constant 0 : i32
    %c0_i32_1 = arith.constant 0 : i32
    return %c0_i32, %c0_i32_0 : i32, i32
  }
  func.func @transform_6(%arg0: i32) -> (i32, i32) {
    %c0_i32 = arith.constant 0 : i32
    %c0_i32_0 = arith.constant 0 : i32
    %c0_i32_1 = arith.constant 0 : i32
    return %c0_i32, %c0_i32_0 : i32, i32
  }
  func.func @transform_7(%arg0: i32) -> (i32, i32, i32) {
    %c0_i32 = arith.constant 0 : i32
    %c0_i32_0 = arith.constant 0 : i32
    %c0_i32_1 = arith.constant 0 : i32
    return %arg0, %c0_i32, %c0_i32_0 : i32, i32, i32
  }
  func.func @transform_8(%arg0: i32) -> (i32, i32) {
    %c0_i32 = arith.constant 0 : i32
    %c0_i32_0 = arith.constant 0 : i32
    return %arg0, %c0_i32 : i32, i32
  }
  func.func @transform_9(%arg0: i32) -> (i32, i32) {
    %c0_i32 = arith.constant 0 : i32
    %c0_i32_0 = arith.constant 0 : i32
    %c0_i32_1 = arith.constant 0 : i32
    return %c0_i32, %c0_i32_0 : i32, i32
  }
}

module attributes {stable_mosaic.version = 14 : i64} {
  func.func @_out_body(%arg0: i32, %arg1: memref<512x512xf32, #tpu.memory_space<vmem>>, %arg2: memref<512x1xf32, #tpu.memory_space<vmem>>, %arg3: memref<512x1xf32, #tpu.memory_space<vmem>>, %arg4: memref<2x512x512xf32, #tpu.memory_space<vmem>>, %arg5: memref<512x256xf32, #tpu.memory_space<vmem>>, %arg6: memref<1x256xf32, #tpu.memory_space<vmem>>, %arg7: memref<1x1x2000xi32, #tpu.memory_space<vmem>>, %arg8: memref<2000x256xf32, #tpu.memory_space<vmem>>, %arg9: memref<2000x256xf32, #tpu.memory_space<vmem>>, %arg10: memref<512x256xf32, #tpu.memory_space<vmem>>) attributes {dimension_semantics = [#tpu.dimension_semantics<arbitrary>], iteration_bounds = array<i64: 5>, scalar_prefetch = 0 : i64, scratch_operands = 1 : i64, tpu.core_type = #tpu.core_type<tc>, window_params = [{pipeline_mode = #tpu.pipeline_mode<synchronous>, transform_indices = @transform_0, window_bounds = array<i64: 512, 512>}, {pipeline_mode = #tpu.pipeline_mode<synchronous>, transform_indices = @transform_1, window_bounds = array<i64: 512, 1>}, {pipeline_mode = #tpu.pipeline_mode<synchronous>, transform_indices = @transform_2, window_bounds = array<i64: 512, 1>}, {transform_indices = @transform_3, window_bounds = array<i64: 2, 512, 512>}, {pipeline_mode = #tpu.pipeline_mode<synchronous>, transform_indices = @transform_4, window_bounds = array<i64: 512, 256>}, {pipeline_mode = #tpu.pipeline_mode<synchronous>, transform_indices = @transform_5, window_bounds = array<i64: 1, 256>}, {transform_indices = @transform_6, window_bounds = array<i64: 1, 1, 2000>}, {transform_indices = @transform_7, window_bounds = array<i64: 2000, 256>}, {transform_indices = @transform_8, window_bounds = array<i64: 2000, 256>}]} {
    %eq3A = arith.constant 0 : i32
    %eq3A_0 = arith.cmpi eq, %arg0, %eq3A : i32
    %convert_element_type3A = arith.extui %eq3A_0 : i1 to i32
    %cond3A = arith.constant 0 : i32
    %cond3A_1 = arith.cmpi ne, %convert_element_type3A, %cond3A : i32
    scf.if %cond3A_1 {
      %get3A_19 = arith.constant 0 : index
      %get3A_20 = arith.constant 0 : index
      %get3A_21 = vector.load %arg2[%get3A_19, %get3A_20] : memref<512x1xf32, #tpu.memory_space<vmem>>, vector<512x1xf32>
      %get3A_22 = arith.constant 0 : index
      %get3A_23 = arith.constant 0 : index
      %get3A_24 = vector.load %arg3[%get3A_22, %get3A_23] : memref<512x1xf32, #tpu.memory_space<vmem>>, vector<512x1xf32>
      %add3A_25 = arith.addf %get3A_21, %get3A_24 : vector<512x1xf32>
      %max3A = arith.constant 1.000000e+00 : f32
      %max3A_26 = vector.broadcast %max3A : f32 to vector<512x1xf32>
      %max3A_27 = arith.maximumf %add3A_25, %max3A_26 : vector<512x1xf32>
      %get3A_28 = arith.constant 0 : index
      %get3A_29 = arith.constant 0 : index
      %get3A_30 = vector.load %arg1[%get3A_28, %get3A_29] : memref<512x512xf32, #tpu.memory_space<vmem>>, vector<512x512xf32>
      %div3A = vector.broadcast %max3A_27 : vector<512x1xf32> to vector<512x512xf32>
      %div3A_31 = arith.divf %get3A_30, %div3A : vector<512x512xf32>
      %get3A_32 = arith.constant 0 : index
      %get3A_33 = arith.constant 0 : index
      %get3A_34 = arith.constant 0 : index
      %get3A_35 = vector.load %arg4[%get3A_32, %get3A_33, %get3A_34] : memref<2x512x512xf32, #tpu.memory_space<vmem>>, vector<1x512x512xf32>
      %get3A_36 = vector.shape_cast %get3A_35 : vector<1x512x512xf32> to vector<512x512xf32>
      %get3A_37 = arith.constant 1 : index
      %get3A_38 = arith.constant 0 : index
      %get3A_39 = arith.constant 0 : index
      %get3A_40 = vector.load %arg4[%get3A_37, %get3A_38, %get3A_39] : memref<2x512x512xf32, #tpu.memory_space<vmem>>, vector<1x512x512xf32>
      %get3A_41 = vector.shape_cast %get3A_40 : vector<1x512x512xf32> to vector<512x512xf32>
      %add3A_42 = arith.addf %get3A_36, %get3A_41 : vector<512x512xf32>
      %min3A = arith.constant 1.000000e+00 : f32
      %min3A_43 = vector.broadcast %min3A : f32 to vector<512x512xf32>
      %min3A_44 = arith.minimumf %add3A_42, %min3A_43 : vector<512x512xf32>
      %reduce_sum3A = arith.constant dense<0.000000e+00> : vector<512xf32>
      %reduce_sum3A_45 = vector.multi_reduction <add>, %min3A_44, %reduce_sum3A [1] : vector<512x512xf32> to vector<512xf32>
      %broadcast_in_dim3A_46 = vector.shape_cast %reduce_sum3A_45 : vector<512xf32> to vector<512x1xf32>
      %add3A_47 = arith.constant 1.000000e+00 : f32
      %add3A_48 = vector.broadcast %add3A_47 : f32 to vector<512x1xf32>
      %add3A_49 = arith.addf %broadcast_in_dim3A_46, %add3A_48 : vector<512x1xf32>
      %rsqrt3A = math.rsqrt %add3A_49 : vector<512x1xf32>
      %get3A_50 = arith.constant 0 : index
      %get3A_51 = arith.constant 0 : index
      %get3A_52 = vector.load %arg5[%get3A_50, %get3A_51] : memref<512x256xf32, #tpu.memory_space<vmem>>, vector<512x256xf32>
      %dot_general3A_53 = arith.constant dense<0.000000e+00> : vector<512x256xf32>
      %dot_general3A_54 = tpu.matmul %div3A_31, %get3A_52, %dot_general3A_53 {dimension_numbers = #tpu.dot_dimension_numbers<[1], [0], [0], [1], [0, 0, 1, 1], [], []>, transpose_lhs_hint = false} : vector<512x512xf32>, vector<512x256xf32>, vector<512x256xf32> -> vector<512x256xf32>
      %mul3A = vector.broadcast %rsqrt3A : vector<512x1xf32> to vector<512x256xf32>
      %mul3A_55 = arith.mulf %mul3A, %dot_general3A_54 : vector<512x256xf32>
      %dot_general3A_56 = arith.constant dense<0.000000e+00> : vector<512x256xf32>
      %dot_general3A_57 = tpu.matmul %min3A_44, %mul3A_55, %dot_general3A_56 {dimension_numbers = #tpu.dot_dimension_numbers<[1], [0], [0], [1], [0, 0, 1, 1], [], []>, transpose_lhs_hint = false} : vector<512x512xf32>, vector<512x256xf32>, vector<512x256xf32> -> vector<512x256xf32>
      %add3A_58 = arith.addf %dot_general3A_57, %mul3A_55 : vector<512x256xf32>
      %mul3A_59 = vector.broadcast %rsqrt3A : vector<512x1xf32> to vector<512x256xf32>
      %mul3A_60 = arith.mulf %mul3A_59, %add3A_58 : vector<512x256xf32>
      %get3A_61 = arith.constant 0 : index
      %get3A_62 = arith.constant 0 : index
      %get3A_63 = vector.load %arg6[%get3A_61, %get3A_62] : memref<1x256xf32, #tpu.memory_space<vmem>>, vector<1x256xf32>
      %add3A_64 = vector.broadcast %get3A_63 : vector<1x256xf32> to vector<512x256xf32>
      %add3A_65 = arith.addf %mul3A_60, %add3A_64 : vector<512x256xf32>
      %swap3A_66 = arith.constant 0 : index
      %swap3A_67 = arith.constant 0 : index
      %swap3A_68 = vector.load %arg10[%swap3A_66, %swap3A_67] : memref<512x256xf32, #tpu.memory_space<vmem>>, vector<512x256xf32>
      tpu.vector_store %arg10[%swap3A_66, %swap3A_67], %add3A_65 {strides = array<i32>} : memref<512x256xf32, #tpu.memory_space<vmem>>, vector<512x256xf32>,
    } else {
    }
    %get3A = arith.constant 0 : index
    %get3A_2 = arith.constant 0 : index
    %get3A_3 = arith.constant 0 : index
    %get3A_4 = vector.load %arg7[%get3A, %get3A_2, %get3A_3] : memref<1x1x2000xi32, #tpu.memory_space<vmem>>, vector<1x1x2000xi32>
    %get3A_5 = vector.shape_cast %get3A_4 : vector<1x1x2000xi32> to vector<2000xi32>
    %broadcast_in_dim3A = vector.shape_cast %get3A_5 : vector<2000xi32> to vector<2000x1xi32>
    %iota3A = tpu.iota {dimensions = array<i32: 1>} : vector<2000x512xi32>
    %eq3A_6 = vector.broadcast %broadcast_in_dim3A : vector<2000x1xi32> to vector<2000x512xi32>
    %eq3A_7 = arith.cmpi eq, %eq3A_6, %iota3A : vector<2000x512xi32>
    %convert_element_type3A_8 = arith.extui %eq3A_7 : vector<2000x512xi1> to vector<2000x512xi32>
    %convert_element_type3A_9 = arith.sitofp %convert_element_type3A_8 : vector<2000x512xi32> to vector<2000x512xf32>
    %get3A_10 = arith.constant 0 : index
    %get3A_11 = arith.constant 0 : index
    %get3A_12 = vector.load %arg10[%get3A_10, %get3A_11] : memref<512x256xf32, #tpu.memory_space<vmem>>, vector<512x256xf32>
    %dot_general3A = arith.constant dense<0.000000e+00> : vector<2000x256xf32>
    %dot_general3A_13 = tpu.matmul %convert_element_type3A_9, %get3A_12, %dot_general3A {dimension_numbers = #tpu.dot_dimension_numbers<[1], [0], [0], [1], [0, 0, 1, 1], [], []>, transpose_lhs_hint = false} : vector<2000x512xf32>, vector<512x256xf32>, vector<2000x256xf32> -> vector<2000x256xf32>
    %get3A_14 = arith.constant 0 : index
    %get3A_15 = arith.constant 0 : index
    %get3A_16 = vector.load %arg8[%get3A_14, %get3A_15] : memref<2000x256xf32, #tpu.memory_space<vmem>>, vector<2000x256xf32>
    %add3A = arith.addf %dot_general3A_13, %get3A_16 : vector<2000x256xf32>
    %swap3A = arith.constant 0 : index
    %swap3A_17 = arith.constant 0 : index
    %swap3A_18 = vector.load %arg9[%swap3A, %swap3A_17] : memref<2000x256xf32, #tpu.memory_space<vmem>>, vector<2000x256xf32>
    tpu.vector_store %arg9[%swap3A, %swap3A_17], %add3A {strides = array<i32>} : memref<2000x256xf32, #tpu.memory_space<vmem>>, vector<2000x256xf32>,
    return
  }
  func.func @transform_0(%arg0: i32) -> (i32, i32) {
    %c0_i32 = arith.constant 0 : i32
    %c0_i32_0 = arith.constant 0 : i32
    %c0_i32_1 = arith.constant 0 : i32
    return %c0_i32, %c0_i32_0 : i32, i32
  }
  func.func @transform_1(%arg0: i32) -> (i32, i32) {
    %c0_i32 = arith.constant 0 : i32
    %c0_i32_0 = arith.constant 0 : i32
    %c0_i32_1 = arith.constant 0 : i32
    return %c0_i32, %c0_i32_0 : i32, i32
  }
  func.func @transform_2(%arg0: i32) -> (i32, i32) {
    %c0_i32 = arith.constant 0 : i32
    %c0_i32_0 = arith.constant 0 : i32
    %c0_i32_1 = arith.constant 0 : i32
    return %c0_i32, %c0_i32_0 : i32, i32
  }
  func.func @transform_3(%arg0: i32) -> (i32, i32, i32) {
    %c0_i32 = arith.constant 0 : i32
    %c0_i32_0 = arith.constant 0 : i32
    %c0_i32_1 = arith.constant 0 : i32
    %c0_i32_2 = arith.constant 0 : i32
    return %c0_i32, %c0_i32_0, %c0_i32_1 : i32, i32, i32
  }
  func.func @transform_4(%arg0: i32) -> (i32, i32) {
    %c0_i32 = arith.constant 0 : i32
    %c0_i32_0 = arith.constant 0 : i32
    %c0_i32_1 = arith.constant 0 : i32
    return %c0_i32, %c0_i32_0 : i32, i32
  }
  func.func @transform_5(%arg0: i32) -> (i32, i32) {
    %c0_i32 = arith.constant 0 : i32
    %c0_i32_0 = arith.constant 0 : i32
    %c0_i32_1 = arith.constant 0 : i32
    return %c0_i32, %c0_i32_0 : i32, i32
  }
  func.func @transform_6(%arg0: i32) -> (i32, i32, i32) {
    %c0_i32 = arith.constant 0 : i32
    %c0_i32_0 = arith.constant 0 : i32
    %c0_i32_1 = arith.constant 0 : i32
    return %arg0, %c0_i32, %c0_i32_0 : i32, i32, i32
  }
  func.func @transform_7(%arg0: i32) -> (i32, i32) {
    %c0_i32 = arith.constant 0 : i32
    %c0_i32_0 = arith.constant 0 : i32
    return %arg0, %c0_i32 : i32, i32
  }
  func.func @transform_8(%arg0: i32) -> (i32, i32) {
    %c0_i32 = arith.constant 0 : i32
    %c0_i32_0 = arith.constant 0 : i32
    return %arg0, %c0_i32 : i32, i32
  }
}

</mosaic_0001>

<sc_bundles>
// kernel: kernel.10.cloned.1.call-start
scs
__scs_entry_jumppad:
0x0: {  	(pc) =	sbr.rel $0x88, $3  }
0x1: {  	(tag) =	ssettag $0x0;
	lr =	simm.s32 $0x1  }
0x2: {  	[smem:$0x3F98] =	sst lr;
	_ =	strace $0xD0000000  }
0x3: {  	_ = 	snop  }
0x4: {  	_ = 	snop  }
0x5: {  	_ = 	snop  }
0x6: {  	_ = 	snop  }
0x7: {  	_ = 	snop  }
__scs_overlays_trampoline_lowered:
0x8: {  	[smem:$0x3FA7] =	sst s0  }
0x9: {  	[smem:$0x3FA8] =	sst s1  }
0xa: {  	[smem:$0x3FA9] =	sst s2  }
0xb: {  	[smem:$0x3FAA] =	sst s3  }
0xc: {  	[smem:$0x3FAB] =	sst s4  }
0xd: {  	[smem:$0x3FAC] =	sst s5  }
0xe: {  	[smem:$0x3FAD] =	sst s6  }
0xf: {  	[smem:$0x3FAE] =	sst s7  }
0x10: {  	[smem:$0x3FAF] =	sst s8  }
0x11: {  	[smem:$0x3FB0] =	sst s9;
	s0 =	simm.s32 @!p0 $0x0  }
0x12: {  	s1 =	sld [smem:$0x3F96];
	s0 =	simm.s32 @p0 $0x1  }
0x13: {  	[smem:$0x3FB1] =	sst s0;
	s0 =	simm.s32 @!p1 $0x0  }
0x14: {  	s2 =	sld [smem:$0x3F95];
	s0 =	simm.s32 @p1 $0x1  }
0x15: {  	[smem:$0x3FB2] =	sst s0;
	s0 =	simm.s32 @!p2 $0x0  }
0x16: {  	s3 =	sld [smem:$0x3FDB];
	s0 =	simm.s32 @p2 $0x1  }
0x17: {  	s4 =	simm.s32 $0x1BF5;
	[smem:$0x3FB4] =	sst s0  }
0x18: {  	s0 =	sld [smem:$0x3F97];
	_ =	swait.ge [sflag:s4], $0x0  }
0x19: {  	s7 =	sld [smem:$0x3F98]  }
0x1a: {  	s8 =	sadd.s32 $0xFFFFE003, lr  }
0x1b: {  	s9 =	sadd.s32 $0xFFFFFEF7, lr;
	s5 =	simm.s32 $0xFFFFFFFF;
	p2 =	slt.u32 s8, $0xFFFFF086  }
0x1c: {  	p1 =	slt.u32 s9, $0xF7A;
	s5 =	simm.s32 @!p2 $0x0  }
0x1d: {  	s5 =	simm.s32 @p1 $0x1;
	p0 =	seq.s32 s7, s2  }
0x1e: {  	s7 =	smul.u32 @!p0 $0xF7A, s2;
	p2 =	seq.s32 @!p0 s5, $0x0  }
0x1f: {  	s9 =	smul.u32 $0xF7A, s1;
	s8 =	simm.s32 @!p0 $0x1BF5;
	p2 =	por !p2, p0  }
0x20: {  	[sflag:s8] =	ssyncset.s32 @!p0 $0xFFFFF086;
	s6 =	sadd.s32 @!p0 s3, s7;
	s7 =	simm.s32 @!p0 $0x108  }
0x21: {  	s3 =	sadd.s32 s3, s9;
	s6 =	sadd.s32 @!p0 $0x88, s6;
	s7 =	simm.s32 @p2 $0x1082  }
0x22: {  	[simem:s7], [sflag:s8] =	dma.local @!p0 [hbm:s6], $0xF7A  }
0x23: {  	s9 =	sor.u32 $0xD0000000, s2;
	s6 =	simm.s32 $0x108;
	_ =	swait.ge @!p0 [sflag:s8], $0x0  }
0x24: {  	s3 =	sadd.s32 $0x88, s3;
	s6 =	simm.s32 @!p1 $0x1082;
	[sflag:s4] =	ssyncset.s32 $0xFFFFF086  }
0x25: {  	[simem:s6], [sflag:s4] =	dma.local [hbm:s3], $0xF7A  }
0x26: {  	[smem:$0x3F98] =	sst s1;
	(tag) =	ssettag s2;
	_ =	strace s9  }
0x27: {  	s1 =	sld [smem:$0x3FA8]  }
0x28: {  	s2 =	sld [smem:$0x3FA9]  }
0x29: {  	s4 =	sld [smem:$0x3FAB]  }
0x2a: {  	p0 =	seq.s32 s5, $0x0;
	s5 =	sld [smem:$0x3FAC]  }
0x2b: {  	s6 =	sld [smem:$0x3FAD]  }
0x2c: {  	s7 =	sld [smem:$0x3FAE]  }
0x2d: {  	s3 =	simm.s32 $0x108;
	s8 =	sld [smem:$0x3FAF]  }
0x2e: {  	s3 =	simm.s32 @!p0 $0x1082;
	s9 =	sld [smem:$0x3FB0]  }
0x2f: {  	lr =	sadd.s32 s0, s3;
	s0 =	sld [smem:$0x3FA7]  }
0x30: {  	s3 =	sld [smem:$0x3FAA]  }
0x31: {  	[smem:$0x3FB3] =	sst s10  }
0x32: {  	s10 =	sld [smem:$0x3FB1];
	_ =	sdelay $0x3  }
0x33: {  	p0 =	seq.s32 s10, $0x1;
	s10 =	sld [smem:$0x3FB3];
	_ =	sdelay $0x3  }
0x34: {  	[smem:$0x3FB3] =	sst s10  }
0x35: {  	s10 =	sld [smem:$0x3FB2];
	_ =	sdelay $0x3  }
0x36: {  	p1 =	seq.s32 s10, $0x1;
	s10 =	sld [smem:$0x3FB3];
	_ =	sdelay $0x3  }
0x37: {  	[smem:$0x3FB3] =	sst s10  }
0x38: {  	s10 =	sld [smem:$0x3FB4]  }
0x39: {  	_ = 	snop;
	(pc) =	sbr.ind lr, $3  }
0x3a: {  	_ = 	snop  }
0x3b: {  	_ = 	snop  }
0x3c: {  	p2 =	seq.s32 s10, $0x1;
	s10 =	sld [smem:$0x3FB3]  }
0x3d: {  	_ =	shalt  }
0x3e: {  	_ =	shalt  }
0x3f: {  	_ =	shalt  }
0x40: {  	_ =	shalt  }
0x41: {  	_ =	shalt  }
0x42: {  	_ =	shalt  }
0x43: {  	_ =	shalt  }
0x44: {  	_ =	shalt  }
0x45: {  	_ =	shalt  }
0x46: {  	_ =	shalt  }
0x47: {  	_ =	shalt  }
0x48: {  	_ =	shalt  }
0x49: {  	_ =	shalt  }
0x4a: {  	_ =	shalt  }
0x4b: {  	_ =	shalt  }
0x4c: {  	_ =	shalt  }
0x4d: {  	_ =	shalt  }
0x4e: {  	_ =	shalt  }
0x4f: {  	_ =	shalt  }
0x50: {  	_ =	shalt  }
0x51: {  	_ =	shalt  }
0x52: {  	_ =	shalt  }
0x53: {  	_ =	shalt  }
0x54: {  	_ =	shalt  }
0x55: {  	_ =	shalt  }
0x56: {  	_ =	shalt  }
0x57: {  	_ =	shalt  }
0x58: {  	_ =	shalt  }
0x59: {  	_ =	shalt  }
0x5a: {  	_ =	shalt  }
0x5b: {  	_ =	shalt  }
0x5c: {  	_ =	shalt  }
0x5d: {  	_ =	shalt  }
0x5e: {  	_ =	shalt  }
0x5f: {  	_ =	shalt  }
0x60: {  	_ =	shalt  }
0x61: {  	_ =	shalt  }
0x62: {  	_ =	shalt  }
0x63: {  	_ =	shalt  }
0x64: {  	_ =	shalt  }
0x65: {  	_ =	shalt  }
0x66: {  	_ =	shalt  }
0x67: {  	_ =	shalt  }
0x68: {  	_ =	shalt  }
0x69: {  	_ =	shalt  }
0x6a: {  	_ =	shalt  }
0x6b: {  	_ =	shalt  }
0x6c: {  	_ =	shalt  }
0x6d: {  	_ =	shalt  }
0x6e: {  	_ =	shalt  }
0x6f: {  	_ =	shalt  }
0x70: {  	_ =	shalt  }
0x71: {  	_ =	shalt  }
0x72: {  	_ =	shalt  }
0x73: {  	_ =	shalt  }
0x74: {  	_ =	shalt  }
0x75: {  	_ =	shalt  }
0x76: {  	_ =	shalt  }
0x77: {  	_ =	shalt  }
0x78: {  	_ =	shalt  }
0x79: {  	_ =	shalt  }
0x7a: {  	_ =	shalt  }
0x7b: {  	_ =	shalt  }
0x7c: {  	_ =	shalt  }
0x7d: {  	_ =	shalt  }
0x7e: {  	_ =	shalt  }
0x7f: {  	_ =	shalt  }
0x80: {  	_ =	shalt  }
0x81: {  	_ =	shalt  }
0x82: {  	_ =	shalt  }
0x83: {  	_ =	shalt  }
0x84: {  	_ =	shalt  }
0x85: {  	_ =	shalt  }
0x86: {  	_ =	shalt  }
0x87: {  	_ =	shalt  }
.Lfunc_end0:
.L_simem_size_0:
called_computation.1_lowered:
.L_overlay_start_0:
0x88: {  	s2 =	sld [smem:$0x3FD9]  }
0x89: {  	s3 =	sld [smem:$0x3FFE];
	_ =	sdelay $0x1  }
0x8a: {  	s1 =	srdreg.scid  }
0x8b: {  	s0 =	sand.u32 $0x1, s1  }
0x8c: {  	s16 =	sshll.u32 s0, $0xA;
	s2 =	sadd.s32 s3, s2  }
0x8d: {  	s2 =	sadd.s32 s2, s16  }
0x8e: {  	[smem:$0x3FBF] =	sst s2  }
0x8f: {  	_ = 	snop  }
0x90: {  	(tm) =	ssettm $0x1  }
0x91: {  	s17 =	sld [smem:$0x3FFB];
	_ =	sdelay $0x3  }
0x92: {  	_ =	strace s17  }
0x93: {  	s2 =	sld [smem:$0x3FFC];
	_ =	sdelay $0x3  }
0x94: {  	_ =	strace s2  }
0x95: {  	s2 =	sld [smem:$0x3FFD];
	_ =	sdelay $0x3  }
0x96: {  	_ =	strace s2  }
0x97: {  	_ =	strace $0x8FFFFFFF  }
0x98: {  	s18 =	sld [smem:$0x3FDB];
	_ =	sdelay $0x1  }
0x99: {  	s19 =	simm.s32 $_scs_section_size  }
0x9a: {  	s4 =	simm.s32 $_size__tile_overlayer_lowered;
	s5 =	simm.s32 $_tile_overlayer_lowered  }
0x9b: {  	s22 =	simm.s32 $0x1BFF;
	s21 =	sshll.u32 s5, $0x1;
	s2 =	sadd.s32 s19, s18  }
0x9c: {  	s6 =	simm.s32 $0x0;
	s20 =	sshll.u32 s4, $0x1;
	s4 =	sadd.s32 s21, s2  }
0x9d: {  	[timem:s6], [sflag:s22] =	dma.local [hbm:s4], s20  }
0x9e: {  	_ =	swait.ge [sflag:s22], s20  }
0x9f: {  	s3 =	ssub.s32 $0x0, s20;
	[sflag:s22] =	ssyncset.done $0x0  }
0xa0: {  	[sflag:s22] =	ssyncadd.s32 s3;
	_ =	sdelay $0x1  }
0xa1: {  	s23 =	simm.s32 $0x1B8B  }
0xa2: {  	_ =	swait.ge [sflag:s23], $0x1  }
0xa3: {  	[sflag:s23] =	ssyncset.done $0x0  }
0xa4: {  	s25 =	simm.s32 $0x1B8E;
	s24 =	sld [smem:$0x3FFE];
	[sflag:s23] =	ssyncadd.s32 $0xFFFFFFFF  }
0xa5: {  	s26 =	simm.s32 $execute0_lowered;
	[smem:$0x3FD2] =	sst s25  }
0xa6: {  	s4 =	sshll.u32 s26, $0x1;
	_ =	strace $0x80000049;
	[dreg:$0x1] =	wrdreg $0xFFFFFFFF  }
0xa7: {  	s28 =	simm.s32 $_size_execute0_lowered;
	s2 =	sadd.s32 s2, s4;
	[dreg:$0x0] =	wrdreg $0x0  }
0xa8: {  	s4 =	sshll.u32 s28, $0x1;
	[dreg:$0x2] =	wrdreg s2  }
0xa9: {  	[dreg:$0x3] =	wrdreg s4  }
0xaa: {  	[dreg:$0x4] =	wrdreg $0xC0  }
0xab: {  	_ =	task [dreg:s6], $0x5FFFF  }
0xac: {  	[dreg:$0x1] =	wrdreg $0xFFFFFFFF  }
0xad: {  	[dreg:$0x0] =	wrdreg $0x60  }
0xae: {  	[dreg:$0x2] =	wrdreg s24  }
0xaf: {  	[dreg:$0x3] =	wrdreg $0x0  }
0xb0: {  	[dreg:$0x4] =	wrdreg $0x9  }
0xb1: {  	_ =	task.clear_ibuf [dreg:s6], $0x5FFFF;
	_ =	strace $0x90000049  }
0xb2: {  	s29 =	simm.s32 $0x9;
	_ =	strace $0x8000004B  }
0xb3: {  	_ =	swait.ge [sflag:s29], $0x1  }
0xb4: {  	[sflag:s29] =	ssyncadd.s32 $0xFFFFFFFF  }
0xb5: {  	_ =	strace $0x9000004B  }
0xb6: {  	_ =	sfence  }
0xb7: {  	s30 =	sld [smem:$0x0];
	_ =	sdelay $0x2  }
0xb8: {  	s31 =	sshll.u32 s1, $0xD;
	s1 =	sshrl.u32 s1, $0x2  }
0xb9: {  	s3 =	sand.u32 $0x4000, s31;
	s1 =	sadd.s32 s1, s30  }
0xba: {  	s0 =	sor.u32 s3, s0;
	s1 =	sshll.u32 s1, $0x11  }
0xbb: {  	s0 =	sor.u32 s1, s0  }
0xbc: {  	s0 =	sadd.s32 $0x8F2B, s0  }
0xbd: {  	[sflag:s0] =	ssyncadd.remote.s32 $0x1  }
0xbe: {  	_ =	sfence.sel $0xFFFF  }
0xbf: {  	[dreg:$0x0] =	wrdreg $0xFFFFFFFF;
	(pc) =	sbr.abs _section_cstart, $3  }
0xc0: {  	[dreg:$0x1] =	wrdreg $0xFFFFFFFF  }
0xc1: {  	_ =	task.clear_ibuf [dreg:s6], $0x2FFFF;
	_ =	strace $0x9FFFFFFF  }
0xc2: {  	(tm) =	ssettm $0x7FFFFFFF  }
0xc3: {  	_ =	shalt  }
tec
execute0_lowered:
.L_overlay_start_1:
0x0: {  	(tag) =	ssettag $0x1  }
0x1: {  	s6 =	rddreg [dreg:$0x0]  }
0x2: {  	s2 =	rddreg [dreg:$0x1];
	s0 =	stileid.u32  }
0x3: {  	s5 =	srdreg.scid;
	s3 =	simm.s32 $0x0;
	s12 =	simm.s32 $0x14000  }
0x4: {  	s13 =	simm.s32 $0x14200;
	s14 =	simm.s32 $0x14080;
	s15 =	simm.s32 $0x14280  }
0x5: {  	s16 =	simm.s32 $0x14100;
	s17 =	simm.s32 $0x14300;
	s18 =	simm.s32 $0x14180  }
0x6: {  	s19 =	simm.s32 $0x14380;
	s20 =	simm.s32 $0x1;
	s21 =	simm.s32 $0x50  }
0x7: {  	s22 =	simm.s32 $0x14400;
	s23 =	simm.s32 $0x16C00;
	s4 =	smul.u32 $0x500, s0  }
0x8: {  	s29 =	simm.s32 $0x4;
	s30 =	simm.s32 $0x0;
	s7 =	smul.u32 $0x280, s0  }
0x9: {  	s5 =	sand.u32 $0x1, s5;
	[smem:$0x7FF] =	sst s3;
	s10 =	smul.u32 $0x50000, s0  }
0xa: {  	s1 =	sadd.s32 $0x5DA00, s6;
	s26 =	sshll.u32 s0, $0x6;
	s28 =	smul.u32 $0x2800, s5  }
0xb: {  	_ =	strace $0x8000004A;
	s8 =	ssub.s32 $0x2, s5;
	[dreg:$0x4] =	wrdreg s1  }
0xc: {  	s9 =	sadd.s32 s4, s6;
	s4 =	sadd.s32 $0xDA00, s6;
	s24 =	sshrl.u32 s8, $0x1  }
0xd: {  	s25 =	sshrl.u32 s10, $0x2;
	s7 =	sadd.s32 s7, s28;
	s8 =	ssub.s32 s8, s24  }
0xe: {  	s11 =	sadd.s32 s25, s2;
	s31 =	sadd.s32 $0x6E00, s9;
	s9 =	sadd.s32 $0x1E00, s9  }
0xf: {  	s24 =	simm.s32 $0x19400;
	s25 =	simm.s32 $0x1BC00;
	v0 =	vmov s28;
	s28 =	simm.s32 $0x2  }
0x10: {  	s7 =	sshll.u32 s7, $0x4;
	s8 =	smax.u32 s8, $0x1;
	[dreg:$0x3] =	wrdreg s31  }
0x11: {  	s10 =	sshrl.u32 s11, $0x3;
	s11 =	simm.s32 $0x5;
	s7 =	sadd.s32 s7, s6  }
0x12: {  	s6 =	sor.u32 $0x1C05, s26;
	s26 =	simm.s32 $0x3;
	s7 =	sadd.s32 $0x60200, s7  }
.LBB2_1:
0x13: {  	s0 =	rddreg [dreg:$0x4]  }
0x14: {  	[spmem:s10], [sflag:s6] =	dma.local [hbm:s0], $0x2800  }
0x15: {  	_ =	swait.ge [sflag:s11], $0x2800  }
0x16: {  	[sflag:s11] =	ssyncset.done $0x0  }
0x17: {  	[sflag:s11] =	ssyncadd.s32 $0xFFFFD800  }
0x18: {  	[bflag:$0x0] =	sbarrier.arrive $0xFFFF  }
0x19: {  	s0 =	sadd.s32 $0x0, s9;
	s31 =	rddreg [dreg:$0x3]  }
0x1a: {  	[tilespmem:s12], [sflag:$0x1] =	stream.linear.gather [hbm4b:s0+s3], $0x50, $0x38;
	[tilespmem:$0x1E400] =	vst v63  }
0x1b: {  	s31 =	sadd.s32 $0x0, s31  }
0x1c: {  	[tilespmem:s13], [sflag:$0x2] =	stream.linear.gather [hbm4b:s31+s3], $0x50, $0x38;
	[tilespmem:$0x1E400] =	vst v63  }
0x1d: {  	s1 =	sadd.s32 $0xA, s0  }
0x1e: {  	[tilespmem:s14], [sflag:$0x1] =	stream.linear.gather [hbm4b:s1+s3], $0x50, $0x38;
	[tilespmem:$0x1E400] =	vst v63  }
0x1f: {  	s5 =	sadd.s32 $0xA, s31  }
0x20: {  	[tilespmem:s15], [sflag:$0x2] =	stream.linear.gather [hbm4b:s5+s3], $0x50, $0x38;
	[tilespmem:$0x1E400] =	vst v63  }
0x21: {  	s5 =	sadd.s32 $0x14, s0  }
0x22: {  	[tilespmem:s16], [sflag:$0x1] =	stream.linear.gather [hbm4b:s5+s3], $0x50, $0x38;
	[tilespmem:$0x1E400] =	vst v63  }
0x23: {  	s5 =	sadd.s32 $0x14, s31  }
0x24: {  	[tilespmem:s17], [sflag:$0x2] =	stream.linear.gather [hbm4b:s5+s3], $0x50, $0x38;
	[tilespmem:$0x1E400] =	vst v63  }
0x25: {  	s0 =	sadd.s32 $0x1E, s0  }
0x26: {  	[tilespmem:s18], [sflag:$0x1] =	stream.linear.gather [hbm4b:s0+s3], $0x50, $0x38;
	[tilespmem:$0x1E400] =	vst v63  }
0x27: {  	s5 =	sadd.s32 $0x1E, s31  }
0x28: {  	[tilespmem:s19], [sflag:$0x2] =	stream.linear.gather [hbm4b:s5+s3], $0x50, $0x38;
	[tilespmem:$0x1E400] =	vst v63  }
0x29: {  	_ =	swait.ge [sflag:s20], $0x50  }
0x2a: {  	[sflag:s20] =	ssyncset.done $0x0  }
0x2b: {  	[sflag:s20] =	ssyncadd.s32 $0xFFFFFFB0  }
0x2c: {  	v1 =	vld [tilespmem:$0x14020]  }
0x2d: {  	v2 =	vld [tilespmem:$0x14010]  }
0x2e: {  	v3 =	vld [tilespmem:$0x14000]  }
0x2f: {  	v4 =	vld [tilespmem:$0x14030]  }
0x30: {  	v5 =	vld [tilespmem:$0x14040]  }
0x31: {  	v1 =	vadd.s32 v0, v1  }
0x32: {  	v2 =	vadd.s32 v0, v2;
	[tilespmem:$0x14020] =	vst v1  }
0x33: {  	v1 =	vadd.s32 v0, v3;
	[tilespmem:$0x14010] =	vst v2  }
0x34: {  	v2 =	vadd.s32 v0, v4;
	[tilespmem:$0x14000] =	vst v1  }
0x35: {  	v1 =	vadd.s32 v0, v5;
	[tilespmem:$0x14030] =	vst v2  }
0x36: {  	[tilespmem:$0x14040] =	vst v1  }
0x37: {  	[tilespmem:s22], [sflag:$0x3] =	stream.indirect.gather [hbm4b:s4+s21], $0x80, s12, s21, $0xb8;
	[tilespmem:$0x1E400] =	vst v63  }
0x38: {  	_ =	swait.ge [sflag:s20], $0x50  }
0x39: {  	[sflag:s20] =	ssyncset.done $0x0  }
0x3a: {  	[sflag:s20] =	ssyncadd.s32 $0xFFFFFFB0  }
0x3b: {  	v1 =	vld [tilespmem:$0x14080]  }
0x3c: {  	v2 =	vld [tilespmem:$0x14090]  }
0x3d: {  	v3 =	vld [tilespmem:$0x140A0]  }
0x3e: {  	v58 =	vld [tilespmem:$0x140B0]  }
0x3f: {  	v59 =	vld [tilespmem:$0x140C0]  }
0x40: {  	v1 =	vadd.s32 v0, v1  }
0x41: {  	[tilespmem:$0x14080] =	vst v1;
	v1 =	vadd.s32 v0, v2  }
0x42: {  	[tilespmem:$0x14090] =	vst v1;
	v1 =	vadd.s32 v0, v3  }
0x43: {  	[tilespmem:$0x140A0] =	vst v1;
	v1 =	vadd.s32 v0, v58  }
0x44: {  	[tilespmem:$0x140B0] =	vst v1;
	v1 =	vadd.s32 v0, v59  }
0x45: {  	[tilespmem:$0x140C0] =	vst v1  }
0x46: {  	[tilespmem:s23], [sflag:$0x3] =	stream.indirect.gather [hbm4b:s4+s21], $0x80, s14, s21, $0xb8;
	[tilespmem:$0x1E400] =	vst v63  }
0x47: {  	_ =	swait.ge [sflag:s20], $0x50  }
0x48: {  	[sflag:s20] =	ssyncset.done $0x0  }
0x49: {  	[sflag:s20] =	ssyncadd.s32 $0xFFFFFFB0  }
0x4a: {  	v1 =	vld [tilespmem:$0x14100]  }
0x4b: {  	v2 =	vld [tilespmem:$0x14110]  }
0x4c: {  	v61 =	vld [tilespmem:$0x14130]  }
0x4d: {  	v3 =	vld [tilespmem:$0x14120]  }
0x4e: {  	v60 =	vld [tilespmem:$0x14140]  }
0x4f: {  	v1 =	vadd.s32 v0, v1  }
0x50: {  	[tilespmem:$0x14100] =	vst v1;
	v1 =	vadd.s32 v0, v2  }
0x51: {  	v2 =	vadd.s32 v0, v61;
	[tilespmem:$0x14110] =	vst v1  }
0x52: {  	v1 =	vadd.s32 v0, v3;
	[tilespmem:$0x14130] =	vst v2  }
0x53: {  	[tilespmem:$0x14120] =	vst v1;
	v1 =	vadd.s32 v0, v60  }
0x54: {  	[tilespmem:$0x14140] =	vst v1  }
0x55: {  	[tilespmem:s24], [sflag:$0x3] =	stream.indirect.gather [hbm4b:s4+s21], $0x80, s16, s21, $0xb8;
	[tilespmem:$0x1E400] =	vst v63  }
0x56: {  	_ =	swait.ge [sflag:s20], $0x50  }
0x57: {  	[sflag:s20] =	ssyncset.done $0x0  }
0x58: {  	[sflag:s20] =	ssyncadd.s32 $0xFFFFFFB0  }
0x59: {  	v1 =	vld [tilespmem:$0x141C0]  }
0x5a: {  	v2 =	vld [tilespmem:$0x14190]  }
0x5b: {  	v3 =	vld [tilespmem:$0x141A0]  }
0x5c: {  	v63 =	vld [tilespmem:$0x14180]  }
0x5d: {  	v62 =	vld [tilespmem:$0x141B0]  }
0x5e: {  	v1 =	vadd.s32 v0, v1  }
0x5f: {  	v2 =	vadd.s32 v0, v2;
	[tilespmem:$0x141C0] =	vst v1  }
0x60: {  	[tilespmem:$0x14190] =	vst v2;
	v1 =	vadd.s32 v0, v3  }
0x61: {  	v2 =	vadd.s32 v0, v63;
	[tilespmem:$0x141A0] =	vst v1  }
0x62: {  	v1 =	vadd.s32 v0, v62;
	[tilespmem:$0x14180] =	vst v2  }
0x63: {  	[tilespmem:$0x141B0] =	vst v1  }
0x64: {  	[tilespmem:s25], [sflag:$0x3] =	stream.indirect.gather [hbm4b:s4+s21], $0x80, s18, s21, $0xb8;
	[tilespmem:$0x1E400] =	vst v63  }
0x65: {  	_ =	swait.ge [sflag:s26], $0x2800  }
0x66: {  	[sflag:s26] =	ssyncset.done $0x0  }
0x67: {  	[sflag:s26] =	ssyncadd.s32 $0xFFFFD800  }
0x68: {  	_ =	swait.ge [sflag:s28], $0x50  }
0x69: {  	[sflag:s28] =	ssyncset.done $0x0  }
0x6a: {  	[sflag:s28] =	ssyncadd.s32 $0xFFFFFFB0  }
0x6b: {  	[spmem:s2] =	stream.indirect.scatter.add.f32 [tilespmem:s22], [sflag:$0x4], $0x80, s13, s21, $0xb8;
	[tilespmem:$0x1E400] =	vst v63  }
0x6c: {  	_ =	swait.ge [sflag:s26], $0x2800  }
0x6d: {  	[sflag:s26] =	ssyncset.done $0x0  }
0x6e: {  	[sflag:s26] =	ssyncadd.s32 $0xFFFFD800  }
0x6f: {  	_ =	swait.ge [sflag:s28], $0x50  }
0x70: {  	[sflag:s28] =	ssyncset.done $0x0  }
0x71: {  	[sflag:s28] =	ssyncadd.s32 $0xFFFFFFB0  }
0x72: {  	[spmem:s2] =	stream.indirect.scatter.add.f32 [tilespmem:s23], [sflag:$0x4], $0x80, s15, s21, $0xb8;
	[tilespmem:$0x1E400] =	vst v63  }
0x73: {  	_ =	swait.ge [sflag:s26], $0x2800  }
0x74: {  	[sflag:s26] =	ssyncset.done $0x0  }
0x75: {  	[sflag:s26] =	ssyncadd.s32 $0xFFFFD800  }
0x76: {  	_ =	swait.ge [sflag:s28], $0x50  }
0x77: {  	[sflag:s28] =	ssyncset.done $0x0  }
0x78: {  	s31 =	simm.s32 $0x28;
	[sflag:s28] =	ssyncadd.s32 $0xFFFFFFB0  }
0x79: {  	[spmem:s2] =	stream.indirect.scatter.add.f32 [tilespmem:s24], [sflag:$0x4], $0x80, s17, s21, $0xb8;
	[tilespmem:$0x1E400] =	vst v63  }
.LBB2_2:
0x7a: {  	_ =	swait.ge [sflag:s26], $0x2800  }
0x7b: {  	[sflag:s26] =	ssyncset.done $0x0  }
0x7c: {  	[sflag:s26] =	ssyncadd.s32 $0xFFFFD800  }
0x7d: {  	_ =	swait.ge [sflag:s28], $0x50  }
0x7e: {  	[sflag:s28] =	ssyncset.done $0x0  }
0x7f: {  	[sflag:s28] =	ssyncadd.s32 $0xFFFFFFB0  }
0x80: {  	[spmem:s2] =	stream.indirect.scatter.add.f32 [tilespmem:s25], [sflag:$0x4], $0x80, s19, s21, $0xb8;
	[tilespmem:$0x1E400] =	vst v63  }
0x81: {  	_ =	swait.ge [sflag:s29], $0x2800  }
0x82: {  	[sflag:s29] =	ssyncset.done $0x0  }
0x83: {  	[sflag:s29] =	ssyncadd.s32 $0xFFFFD800  }
0x84: {  	_ =	swait.ge [sflag:s29], $0x2800  }
0x85: {  	[sflag:s29] =	ssyncset.done $0x0  }
0x86: {  	[sflag:s29] =	ssyncadd.s32 $0xFFFFD800  }
0x87: {  	_ =	swait.ge [sflag:s29], $0x2800  }
0x88: {  	[sflag:s29] =	ssyncset.done $0x0  }
0x89: {  	[sflag:s29] =	ssyncadd.s32 $0xFFFFD800  }
0x8a: {  	_ =	swait.ge [sflag:s29], $0x2800  }
0x8b: {  	s0 =	smov.u32 s31;
	[sflag:s29] =	ssyncset.done $0x0  }
0x8c: {  	s5 =	sadd.s32 s0, s9;
	s1 =	rddreg [dreg:$0x3];
	[sflag:s29] =	ssyncadd.s32 $0xFFFFD800  }
0x8d: {  	[tilespmem:s12], [sflag:$0x1] =	stream.linear.gather [hbm4b:s5+s3], $0x50, $0x38;
	[tilespmem:$0x1E400] =	vst v63  }
0x8e: {  	s0 =	sadd.s32 s0, s1  }
0x8f: {  	[tilespmem:s13], [sflag:$0x2] =	stream.linear.gather [hbm4b:s0+s3], $0x50, $0x38;
	[tilespmem:$0x1E400] =	vst v63  }
0x90: {  	s1 =	sadd.s32 $0xA, s5  }
0x91: {  	[tilespmem:s14], [sflag:$0x1] =	stream.linear.gather [hbm4b:s1+s3], $0x50, $0x38;
	[tilespmem:$0x1E400] =	vst v63  }
0x92: {  	s1 =	sadd.s32 $0xA, s0  }
0x93: {  	[tilespmem:s15], [sflag:$0x2] =	stream.linear.gather [hbm4b:s1+s3], $0x50, $0x38;
	[tilespmem:$0x1E400] =	vst v63  }
0x94: {  	s1 =	sadd.s32 $0x14, s5  }
0x95: {  	[tilespmem:s16], [sflag:$0x1] =	stream.linear.gather [hbm4b:s1+s3], $0x50, $0x38;
	[tilespmem:$0x1E400] =	vst v63  }
0x96: {  	s1 =	sadd.s32 $0x14, s0  }
0x97: {  	[tilespmem:s17], [sflag:$0x2] =	stream.linear.gather [hbm4b:s1+s3], $0x50, $0x38;
	[tilespmem:$0x1E400] =	vst v63  }
0x98: {  	s5 =	sadd.s32 $0x1E, s5  }
0x99: {  	[tilespmem:s18], [sflag:$0x1] =	stream.linear.gather [hbm4b:s5+s3], $0x50, $0x38;
	[tilespmem:$0x1E400] =	vst v63  }
0x9a: {  	s0 =	sadd.s32 $0x1E, s0  }
0x9b: {  	[tilespmem:s19], [sflag:$0x2] =	stream.linear.gather [hbm4b:s0+s3], $0x50, $0x38;
	[tilespmem:$0x1E400] =	vst v63  }
0x9c: {  	_ =	swait.ge [sflag:s20], $0x50  }
0x9d: {  	[sflag:s20] =	ssyncset.done $0x0  }
0x9e: {  	[sflag:s20] =	ssyncadd.s32 $0xFFFFFFB0  }
0x9f: {  	v2 =	vld [tilespmem:$0x14020]  }
0xa0: {  	v3 =	vld [tilespmem:$0x14010]  }
0xa1: {  	v1 =	vld [tilespmem:$0x14030]  }
0xa2: {  	v4 =	vld [tilespmem:$0x14000]  }
0xa3: {  	v5 =	vld [tilespmem:$0x14040]  }
0xa4: {  	v2 =	vadd.s32 v0, v2  }
0xa5: {  	v3 =	vadd.s32 v0, v3;
	[tilespmem:$0x14020] =	vst v2  }
0xa6: {  	v1 =	vadd.s32 v0, v1;
	[tilespmem:$0x14010] =	vst v3  }
0xa7: {  	v2 =	vadd.s32 v0, v4;
	[tilespmem:$0x14030] =	vst v1  }
0xa8: {  	[tilespmem:$0x14000] =	vst v2;
	v2 =	vadd.s32 v0, v5  }
0xa9: {  	[tilespmem:$0x14040] =	vst v2  }
0xaa: {  	[tilespmem:s22], [sflag:$0x3] =	stream.indirect.gather [hbm4b:s4+s21], $0x80, s12, s21, $0xb8;
	[tilespmem:$0x1E400] =	vst v63  }
0xab: {  	_ =	swait.ge [sflag:s20], $0x50  }
0xac: {  	[sflag:s20] =	ssyncset.done $0x0  }
0xad: {  	[sflag:s20] =	ssyncadd.s32 $0xFFFFFFB0  }
0xae: {  	v1 =	vld [tilespmem:$0x14080]  }
0xaf: {  	v2 =	vld [tilespmem:$0x14090]  }
0xb0: {  	v3 =	vld [tilespmem:$0x140A0]  }
0xb1: {  	v58 =	vld [tilespmem:$0x140B0]  }
0xb2: {  	v59 =	vld [tilespmem:$0x140C0]  }
0xb3: {  	v1 =	vadd.s32 v0, v1  }
0xb4: {  	[tilespmem:$0x14080] =	vst v1;
	v1 =	vadd.s32 v0, v2  }
0xb5: {  	[tilespmem:$0x14090] =	vst v1;
	v1 =	vadd.s32 v0, v3  }
0xb6: {  	[tilespmem:$0x140A0] =	vst v1;
	v1 =	vadd.s32 v0, v58  }
0xb7: {  	[tilespmem:$0x140B0] =	vst v1;
	v1 =	vadd.s32 v0, v59  }
0xb8: {  	[tilespmem:$0x140C0] =	vst v1  }
0xb9: {  	[tilespmem:s23], [sflag:$0x3] =	stream.indirect.gather [hbm4b:s4+s21], $0x80, s14, s21, $0xb8;
	[tilespmem:$0x1E400] =	vst v63  }
0xba: {  	_ =	swait.ge [sflag:s20], $0x50  }
0xbb: {  	[sflag:s20] =	ssyncset.done $0x0  }
0xbc: {  	[sflag:s20] =	ssyncadd.s32 $0xFFFFFFB0  }
0xbd: {  	v1 =	vld [tilespmem:$0x14100]  }
0xbe: {  	v2 =	vld [tilespmem:$0x14110]  }
0xbf: {  	v61 =	vld [tilespmem:$0x14130]  }
0xc0: {  	v3 =	vld [tilespmem:$0x14120]  }
0xc1: {  	v60 =	vld [tilespmem:$0x14140]  }
0xc2: {  	v1 =	vadd.s32 v0, v1  }
0xc3: {  	[tilespmem:$0x14100] =	vst v1;
	v1 =	vadd.s32 v0, v2  }
0xc4: {  	v2 =	vadd.s32 v0, v61;
	[tilespmem:$0x14110] =	vst v1  }
0xc5: {  	v1 =	vadd.s32 v0, v3;
	[tilespmem:$0x14130] =	vst v2  }
0xc6: {  	[tilespmem:$0x14120] =	vst v1;
	v1 =	vadd.s32 v0, v60  }
0xc7: {  	[tilespmem:$0x14140] =	vst v1  }
0xc8: {  	[tilespmem:s24], [sflag:$0x3] =	stream.indirect.gather [hbm4b:s4+s21], $0x80, s16, s21, $0xb8;
	[tilespmem:$0x1E400] =	vst v63  }
0xc9: {  	_ =	swait.ge [sflag:s20], $0x50  }
0xca: {  	[sflag:s20] =	ssyncset.done $0x0  }
0xcb: {  	[sflag:s20] =	ssyncadd.s32 $0xFFFFFFB0  }
0xcc: {  	v1 =	vld [tilespmem:$0x141C0]  }
0xcd: {  	v2 =	vld [tilespmem:$0x14190]  }
0xce: {  	v3 =	vld [tilespmem:$0x141A0]  }
0xcf: {  	v63 =	vld [tilespmem:$0x14180]  }
0xd0: {  	v62 =	vld [tilespmem:$0x141B0]  }
0xd1: {  	v1 =	vadd.s32 v0, v1  }
0xd2: {  	v2 =	vadd.s32 v0, v2;
	[tilespmem:$0x141C0] =	vst v1  }
0xd3: {  	[tilespmem:$0x14190] =	vst v2;
	v1 =	vadd.s32 v0, v3  }
0xd4: {  	v2 =	vadd.s32 v0, v63;
	[tilespmem:$0x141A0] =	vst v1  }
0xd5: {  	v1 =	vadd.s32 v0, v62;
	[tilespmem:$0x14180] =	vst v2  }
0xd6: {  	[tilespmem:$0x141B0] =	vst v1  }
0xd7: {  	[tilespmem:s25], [sflag:$0x3] =	stream.indirect.gather [hbm4b:s4+s21], $0x80, s18, s21, $0xb8;
	[tilespmem:$0x1E400] =	vst v63  }
0xd8: {  	_ =	swait.ge [sflag:s26], $0x2800  }
0xd9: {  	[sflag:s26] =	ssyncset.done $0x0  }
0xda: {  	[sflag:s26] =	ssyncadd.s32 $0xFFFFD800  }
0xdb: {  	_ =	swait.ge [sflag:s28], $0x50  }
0xdc: {  	[sflag:s28] =	ssyncset.done $0x0  }
0xdd: {  	[sflag:s28] =	ssyncadd.s32 $0xFFFFFFB0  }
0xde: {  	[spmem:s2] =	stream.indirect.scatter.add.f32 [tilespmem:s22], [sflag:$0x4], $0x80, s13, s21, $0xb8;
	[tilespmem:$0x1E400] =	vst v63  }
0xdf: {  	_ =	swait.ge [sflag:s26], $0x2800  }
0xe0: {  	[sflag:s26] =	ssyncset.done $0x0  }
0xe1: {  	[sflag:s26] =	ssyncadd.s32 $0xFFFFD800  }
0xe2: {  	_ =	swait.ge [sflag:s28], $0x50  }
0xe3: {  	[sflag:s28] =	ssyncset.done $0x0  }
0xe4: {  	[sflag:s28] =	ssyncadd.s32 $0xFFFFFFB0  }
0xe5: {  	[spmem:s2] =	stream.indirect.scatter.add.f32 [tilespmem:s23], [sflag:$0x4], $0x80, s15, s21, $0xb8;
	[tilespmem:$0x1E400] =	vst v63  }
0xe6: {  	_ =	swait.ge [sflag:s26], $0x2800  }
0xe7: {  	p0 =	sne.s32 s31, $0x4D8;
	[sflag:s26] =	ssyncset.done $0x0  }
.Ltmp0:
0xe8: {  	[sflag:s26] =	ssyncadd.s32 $0xFFFFD800;
	(pc) =	sbr.rel @p0 .LBB2_2-.Ltmp0, $4  }
0xe9: {  	_ =	swait.ge [sflag:s28], $0x50  }
0xea: {  	[sflag:s28] =	ssyncset.done $0x0  }
0xeb: {  	s31 =	sadd.s32 $0x28, s31;
	[sflag:s28] =	ssyncadd.s32 $0xFFFFFFB0  }
0xec: {  	[spmem:s2] =	stream.indirect.scatter.add.f32 [tilespmem:s24], [sflag:$0x4], $0x80, s17, s21, $0xb8;
	[tilespmem:$0x1E400] =	vst v63  }
0xed: {  	_ =	swait.ge [sflag:s26], $0x2800  }
0xee: {  	[sflag:s26] =	ssyncset.done $0x0  }
0xef: {  	[sflag:s26] =	ssyncadd.s32 $0xFFFFD800  }
0xf0: {  	_ =	swait.ge [sflag:s28], $0x50  }
0xf1: {  	[sflag:s28] =	ssyncset.done $0x0  }
0xf2: {  	[sflag:s28] =	ssyncadd.s32 $0xFFFFFFB0  }
0xf3: {  	[spmem:s2] =	stream.indirect.scatter.add.f32 [tilespmem:s25], [sflag:$0x4], $0x80, s19, s21, $0xb8;
	[tilespmem:$0x1E400] =	vst v63  }
0xf4: {  	_ =	swait.ge [sflag:s29], $0x2800  }
0xf5: {  	[sflag:s29] =	ssyncset.done $0x0  }
0xf6: {  	[sflag:s29] =	ssyncadd.s32 $0xFFFFD800  }
0xf7: {  	_ =	swait.ge [sflag:s29], $0x2800  }
0xf8: {  	[sflag:s29] =	ssyncset.done $0x0  }
0xf9: {  	[sflag:s29] =	ssyncadd.s32 $0xFFFFD800  }
0xfa: {  	_ =	swait.ge [sflag:s29], $0x2800  }
0xfb: {  	[sflag:s29] =	ssyncset.done $0x0  }
0xfc: {  	[sflag:s29] =	ssyncadd.s32 $0xFFFFD800  }
0xfd: {  	_ =	swait.ge [sflag:s29], $0x2800  }
0xfe: {  	s30 =	sadd.s32 $0x1, s30;
	[sflag:s29] =	ssyncset.done $0x0  }
0xff: {  	p0 =	sne.s32 s30, s8;
	[sflag:s29] =	ssyncadd.s32 $0xFFFFD800  }
.Ltmp1:
0x100: {  	[bflag:$0x0] =	sbarrier.arrive $0xFFFF;
	(pc) =	sbr.rel @p0 .LBB2_1-.Ltmp1, $4  }
0x101: {  	[hbm:s7], [sflag:s6] =	dma.local [spmem:s10], $0x2800  }
0x102: {  	_ =	swait.ge [sflag:s11], $0x2800  }
0x103: {  	[sflag:s11] =	ssyncset.done $0x0  }
0x104: {  	[sflag:s11] =	ssyncadd.s32 $0xFFFFD800  }
0x105: {  	_ =	sfence.sel $0x180000  }
0x106: {  	[bflag:$0x0] =	sbarrier.arrive $0xFFFF  }
0x107: {  	_ =	strace $0x9000004A  }
0x108: {  	s0 =	stileid.u32;
	[bflag:$0x2] =	sbarrier.arrive $0xFFFF  }
0x109: {  	p0 =	sne.s32 s0, $0x0;
	s0 =	rddreg [dreg:$0x2]  }
0x10a: {  	s0 =	sadd.s32 @!p0 $0x100000, s0  }
0x10b: {  	[sflag:s0] =	ssyncadd.tile.s32 @!p0 $0x1;
	_ =	shalt  }
.Lfunc_end2:
_tile_overlayer_lowered:
.L_overlay_start_2:
0x10c: {  	(tag) =	ssettag $0x2  }
0x10d: {  	s0 =	rddreg [dreg:$0x0];
	s2 =	stileid.u32  }
0x10e: {  	s1 =	rddreg [dreg:$0x1];
	p0 =	sne.s32 s2, $0x0  }
0x10f: {  	s3 =	rddreg [dreg:$0x2];
	[bflag:$0x3] =	sbarrier.arrive $0xFFFF;
	s2 =	simm.s32 @!p0 $0x1C05  }
0x110: {  	[timem:s3], [sflag:s2] =	dma.local @!p0 [hbm:s0], s1  }
0x111: {  	s0 =	simm.s32 @!p0 $0x5  }
0x112: {  	_ =	swait.ge @!p0 [sflag:s0], s1  }
0x113: {  	s1 =	ssub.s32 @!p0 $0x0, s1;
	[sflag:s0] =	ssyncset.done @!p0 $0x0  }
0x114: {  	[sflag:s0] =	ssyncadd.s32 @!p0 s1  }
0x115: {  	[bflag:$0x3] =	sbarrier.arrive $0xFFFF  }
0x116: {  	_ =	shalt  }

// kernel: kernel.7.cloned.1.call-start
scs
__scs_entry_jumppad:
0x0: {  	(pc) =	sbr.rel $0x88, $3  }
0x1: {  	(tag) =	ssettag $0x0;
	lr =	simm.s32 $0x1  }
0x2: {  	[smem:$0x3F98] =	sst lr;
	_ =	strace $0xD0000000  }
0x3: {  	_ = 	snop  }
0x4: {  	_ = 	snop  }
0x5: {  	_ = 	snop  }
0x6: {  	_ = 	snop  }
0x7: {  	_ = 	snop  }
__scs_overlays_trampoline_lowered:
0x8: {  	[smem:$0x3FA7] =	sst s0  }
0x9: {  	[smem:$0x3FA8] =	sst s1  }
0xa: {  	[smem:$0x3FA9] =	sst s2  }
0xb: {  	[smem:$0x3FAA] =	sst s3  }
0xc: {  	[smem:$0x3FAB] =	sst s4  }
0xd: {  	[smem:$0x3FAC] =	sst s5  }
0xe: {  	[smem:$0x3FAD] =	sst s6  }
0xf: {  	[smem:$0x3FAE] =	sst s7  }
0x10: {  	[smem:$0x3FAF] =	sst s8  }
0x11: {  	[smem:$0x3FB0] =	sst s9;
	s0 =	simm.s32 @!p0 $0x0  }
0x12: {  	s1 =	sld [smem:$0x3F96];
	s0 =	simm.s32 @p0 $0x1  }
0x13: {  	[smem:$0x3FB1] =	sst s0;
	s0 =	simm.s32 @!p1 $0x0  }
0x14: {  	s2 =	sld [smem:$0x3F95];
	s0 =	simm.s32 @p1 $0x1  }
0x15: {  	[smem:$0x3FB2] =	sst s0;
	s0 =	simm.s32 @!p2 $0x0  }
0x16: {  	s3 =	sld [smem:$0x3FDB];
	s0 =	simm.s32 @p2 $0x1  }
0x17: {  	s4 =	simm.s32 $0x1BF5;
	[smem:$0x3FB4] =	sst s0  }
0x18: {  	s0 =	sld [smem:$0x3F97];
	_ =	swait.ge [sflag:s4], $0x0  }
0x19: {  	s7 =	sld [smem:$0x3F98]  }
0x1a: {  	s8 =	sadd.s32 $0xFFFFE003, lr  }
0x1b: {  	s9 =	sadd.s32 $0xFFFFFEF7, lr;
	s5 =	simm.s32 $0xFFFFFFFF;
	p2 =	slt.u32 s8, $0xFFFFF086  }
0x1c: {  	p1 =	slt.u32 s9, $0xF7A;
	s5 =	simm.s32 @!p2 $0x0  }
0x1d: {  	s5 =	simm.s32 @p1 $0x1;
	p0 =	seq.s32 s7, s2  }
0x1e: {  	s7 =	smul.u32 @!p0 $0xF7A, s2;
	p2 =	seq.s32 @!p0 s5, $0x0  }
0x1f: {  	s9 =	smul.u32 $0xF7A, s1;
	s8 =	simm.s32 @!p0 $0x1BF5;
	p2 =	por !p2, p0  }
0x20: {  	[sflag:s8] =	ssyncset.s32 @!p0 $0xFFFFF086;
	s6 =	sadd.s32 @!p0 s3, s7;
	s7 =	simm.s32 @!p0 $0x108  }
0x21: {  	s3 =	sadd.s32 s3, s9;
	s6 =	sadd.s32 @!p0 $0x88, s6;
	s7 =	simm.s32 @p2 $0x1082  }
0x22: {  	[simem:s7], [sflag:s8] =	dma.local @!p0 [hbm:s6], $0xF7A  }
0x23: {  	s9 =	sor.u32 $0xD0000000, s2;
	s6 =	simm.s32 $0x108;
	_ =	swait.ge @!p0 [sflag:s8], $0x0  }
0x24: {  	s3 =	sadd.s32 $0x88, s3;
	s6 =	simm.s32 @!p1 $0x1082;
	[sflag:s4] =	ssyncset.s32 $0xFFFFF086  }
0x25: {  	[simem:s6], [sflag:s4] =	dma.local [hbm:s3], $0xF7A  }
0x26: {  	[smem:$0x3F98] =	sst s1;
	(tag) =	ssettag s2;
	_ =	strace s9  }
0x27: {  	s1 =	sld [smem:$0x3FA8]  }
0x28: {  	s2 =	sld [smem:$0x3FA9]  }
0x29: {  	s4 =	sld [smem:$0x3FAB]  }
0x2a: {  	p0 =	seq.s32 s5, $0x0;
	s5 =	sld [smem:$0x3FAC]  }
0x2b: {  	s6 =	sld [smem:$0x3FAD]  }
0x2c: {  	s7 =	sld [smem:$0x3FAE]  }
0x2d: {  	s3 =	simm.s32 $0x108;
	s8 =	sld [smem:$0x3FAF]  }
0x2e: {  	s3 =	simm.s32 @!p0 $0x1082;
	s9 =	sld [smem:$0x3FB0]  }
0x2f: {  	lr =	sadd.s32 s0, s3;
	s0 =	sld [smem:$0x3FA7]  }
0x30: {  	s3 =	sld [smem:$0x3FAA]  }
0x31: {  	[smem:$0x3FB3] =	sst s10  }
0x32: {  	s10 =	sld [smem:$0x3FB1];
	_ =	sdelay $0x3  }
0x33: {  	p0 =	seq.s32 s10, $0x1;
	s10 =	sld [smem:$0x3FB3];
	_ =	sdelay $0x3  }
0x34: {  	[smem:$0x3FB3] =	sst s10  }
0x35: {  	s10 =	sld [smem:$0x3FB2];
	_ =	sdelay $0x3  }
0x36: {  	p1 =	seq.s32 s10, $0x1;
	s10 =	sld [smem:$0x3FB3];
	_ =	sdelay $0x3  }
0x37: {  	[smem:$0x3FB3] =	sst s10  }
0x38: {  	s10 =	sld [smem:$0x3FB4]  }
0x39: {  	_ = 	snop;
	(pc) =	sbr.ind lr, $3  }
0x3a: {  	_ = 	snop  }
0x3b: {  	_ = 	snop  }
0x3c: {  	p2 =	seq.s32 s10, $0x1;
	s10 =	sld [smem:$0x3FB3]  }
0x3d: {  	_ =	shalt  }
0x3e: {  	_ =	shalt  }
0x3f: {  	_ =	shalt  }
0x40: {  	_ =	shalt  }
0x41: {  	_ =	shalt  }
0x42: {  	_ =	shalt  }
0x43: {  	_ =	shalt  }
0x44: {  	_ =	shalt  }
0x45: {  	_ =	shalt  }
0x46: {  	_ =	shalt  }
0x47: {  	_ =	shalt  }
0x48: {  	_ =	shalt  }
0x49: {  	_ =	shalt  }
0x4a: {  	_ =	shalt  }
0x4b: {  	_ =	shalt  }
0x4c: {  	_ =	shalt  }
0x4d: {  	_ =	shalt  }
0x4e: {  	_ =	shalt  }
0x4f: {  	_ =	shalt  }
0x50: {  	_ =	shalt  }
0x51: {  	_ =	shalt  }
0x52: {  	_ =	shalt  }
0x53: {  	_ =	shalt  }
0x54: {  	_ =	shalt  }
0x55: {  	_ =	shalt  }
0x56: {  	_ =	shalt  }
0x57: {  	_ =	shalt  }
0x58: {  	_ =	shalt  }
0x59: {  	_ =	shalt  }
0x5a: {  	_ =	shalt  }
0x5b: {  	_ =	shalt  }
0x5c: {  	_ =	shalt  }
0x5d: {  	_ =	shalt  }
0x5e: {  	_ =	shalt  }
0x5f: {  	_ =	shalt  }
0x60: {  	_ =	shalt  }
0x61: {  	_ =	shalt  }
0x62: {  	_ =	shalt  }
0x63: {  	_ =	shalt  }
0x64: {  	_ =	shalt  }
0x65: {  	_ =	shalt  }
0x66: {  	_ =	shalt  }
0x67: {  	_ =	shalt  }
0x68: {  	_ =	shalt  }
0x69: {  	_ =	shalt  }
0x6a: {  	_ =	shalt  }
0x6b: {  	_ =	shalt  }
0x6c: {  	_ =	shalt  }
0x6d: {  	_ =	shalt  }
0x6e: {  	_ =	shalt  }
0x6f: {  	_ =	shalt  }
0x70: {  	_ =	shalt  }
0x71: {  	_ =	shalt  }
0x72: {  	_ =	shalt  }
0x73: {  	_ =	shalt  }
0x74: {  	_ =	shalt  }
0x75: {  	_ =	shalt  }
0x76: {  	_ =	shalt  }
0x77: {  	_ =	shalt  }
0x78: {  	_ =	shalt  }
0x79: {  	_ =	shalt  }
0x7a: {  	_ =	shalt  }
0x7b: {  	_ =	shalt  }
0x7c: {  	_ =	shalt  }
0x7d: {  	_ =	shalt  }
0x7e: {  	_ =	shalt  }
0x7f: {  	_ =	shalt  }
0x80: {  	_ =	shalt  }
0x81: {  	_ =	shalt  }
0x82: {  	_ =	shalt  }
0x83: {  	_ =	shalt  }
0x84: {  	_ =	shalt  }
0x85: {  	_ =	shalt  }
0x86: {  	_ =	shalt  }
0x87: {  	_ =	shalt  }
.Lfunc_end0:
.L_simem_size_0:
called_computation_lowered:
.L_overlay_start_0:
0x88: {  	s2 =	sld [smem:$0x3FD9]  }
0x89: {  	s3 =	sld [smem:$0x3FFE];
	_ =	sdelay $0x1  }
0x8a: {  	s1 =	srdreg.scid  }
0x8b: {  	s0 =	sand.u32 $0x1, s1  }
0x8c: {  	s14 =	sshll.u32 s0, $0xA;
	s2 =	sadd.s32 s3, s2  }
0x8d: {  	s2 =	sadd.s32 s2, s14  }
0x8e: {  	[smem:$0x3FBF] =	sst s2  }
0x8f: {  	_ = 	snop  }
0x90: {  	s2 =	sld [smem:$0x3FD0];
	_ =	sdelay $0x2  }
0x91: {  	s15 =	simm.s32 $0xA;
	s4 =	simm.s32 $0x10  }
0x92: {  	[smem:s4], [sflag:s15] =	dma.local [hbm:s2], $0x1  }
0x93: {  	_ =	swait.eq [sflag:s15], $0x1  }
0x94: {  	[sflag:s15] =	ssyncset.done $0x0  }
0x95: {  	[sflag:s15] =	ssyncadd.s32 $0xFFFFFFFF  }
0x96: {  	s16 =	sld [smem:$0x10];
	(tm) =	ssettm $0x1  }
0x97: {  	s17 =	sld [smem:$0x3FFB];
	_ =	sdelay $0x3  }
0x98: {  	_ =	strace s17  }
0x99: {  	s3 =	sld [smem:$0x3FFC];
	_ =	sdelay $0x3  }
0x9a: {  	_ =	strace s3  }
0x9b: {  	s3 =	sld [smem:$0x3FFD];
	_ =	sdelay $0x3  }
0x9c: {  	_ =	strace s3  }
0x9d: {  	_ =	strace $0x8FFFFFFF  }
0x9e: {  	s18 =	sld [smem:$0x3FDB];
	_ =	sdelay $0x1  }
0x9f: {  	s19 =	simm.s32 $_scs_section_size  }
0xa0: {  	s5 =	simm.s32 $_size__tile_overlayer_lowered;
	s6 =	simm.s32 $_tile_overlayer_lowered  }
0xa1: {  	s22 =	simm.s32 $0x1BFF;
	s21 =	sshll.u32 s6, $0x1;
	s3 =	sadd.s32 s19, s18  }
0xa2: {  	s7 =	simm.s32 $0x0;
	s20 =	sshll.u32 s5, $0x1;
	s5 =	sadd.s32 s21, s3  }
0xa3: {  	[timem:s7], [sflag:s22] =	dma.local [hbm:s5], s20  }
0xa4: {  	_ =	swait.ge [sflag:s22], s20  }
0xa5: {  	s4 =	ssub.s32 $0x0, s20;
	[sflag:s22] =	ssyncset.done $0x0  }
0xa6: {  	[sflag:s22] =	ssyncadd.s32 s4;
	_ =	sdelay $0x1  }
0xa7: {  	s23 =	simm.s32 $0x1B8B  }
0xa8: {  	_ =	swait.ge [sflag:s23], $0x1  }
0xa9: {  	[sflag:s23] =	ssyncset.done $0x0  }
0xaa: {  	s25 =	simm.s32 $0x1B8E;
	s24 =	sld [smem:$0x3FFE];
	[sflag:s23] =	ssyncadd.s32 $0xFFFFFFFF  }
0xab: {  	s26 =	simm.s32 $execute0_lowered;
	[smem:$0x3FD2] =	sst s25  }
0xac: {  	s5 =	sshll.u32 s26, $0x1;
	_ =	strace $0x80000046;
	[dreg:$0x1] =	wrdreg $0xFFFFFFFF  }
0xad: {  	s28 =	simm.s32 $_size_execute0_lowered;
	s3 =	sadd.s32 s3, s5;
	[dreg:$0x0] =	wrdreg $0x0  }
0xae: {  	s5 =	sshll.u32 s28, $0x1;
	[dreg:$0x2] =	wrdreg s3  }
0xaf: {  	[dreg:$0x3] =	wrdreg s5  }
0xb0: {  	[dreg:$0x4] =	wrdreg $0xC0  }
0xb1: {  	_ =	task [dreg:s7], $0x5FFFF  }
0xb2: {  	[dreg:$0x1] =	wrdreg $0xFFFFFFFF  }
0xb3: {  	[dreg:$0x0] =	wrdreg $0x60  }
0xb4: {  	[dreg:$0x2] =	wrdreg s24  }
0xb5: {  	[dreg:$0x3] =	wrdreg s16  }
0xb6: {  	[dreg:$0x4] =	wrdreg $0x0  }
0xb7: {  	[dreg:$0x5] =	wrdreg $0x2800  }
0xb8: {  	[dreg:$0x6] =	wrdreg $0x43000  }
0xb9: {  	[dreg:$0x7] =	wrdreg $0x9  }
0xba: {  	_ =	task.clear_ibuf [dreg:s7], $0x8FFFF;
	_ =	strace $0x90000046  }
0xbb: {  	s29 =	simm.s32 $0x9;
	_ =	strace $0x80000048  }
0xbc: {  	_ =	swait.ge [sflag:s29], $0x1  }
0xbd: {  	[sflag:s29] =	ssyncadd.s32 $0xFFFFFFFF  }
0xbe: {  	_ =	strace $0x90000048  }
0xbf: {  	_ =	sfence  }
0xc0: {  	s30 =	sld [smem:$0x0];
	_ =	sdelay $0x2  }
0xc1: {  	s31 =	sshll.u32 s1, $0xD;
	s1 =	sshrl.u32 s1, $0x2  }
0xc2: {  	s3 =	sand.u32 $0x4000, s31;
	s1 =	sadd.s32 s1, s30  }
0xc3: {  	s0 =	sor.u32 s3, s0;
	s1 =	sshll.u32 s1, $0x11  }
0xc4: {  	s0 =	sor.u32 s1, s0  }
0xc5: {  	s0 =	sadd.s32 $0x8F2B, s0  }
0xc6: {  	[sflag:s0] =	ssyncadd.remote.s32 $0x1  }
0xc7: {  	_ =	sfence.sel $0xFFFF  }
0xc8: {  	[dreg:$0x0] =	wrdreg $0xFFFFFFFF;
	(pc) =	sbr.abs _section_cstart, $3  }
0xc9: {  	[dreg:$0x1] =	wrdreg $0xFFFFFFFF  }
0xca: {  	_ =	task.clear_ibuf [dreg:s7], $0x2FFFF;
	_ =	strace $0x9FFFFFFF  }
0xcb: {  	(tm) =	ssettm $0x7FFFFFFF  }
tec
execute0_lowered:
.L_overlay_start_1:
0x0: {  	(tag) =	ssettag $0x1  }
0x1: {  	s7 =	rddreg [dreg:$0x0]  }
0x2: {  	s8 =	rddreg [dreg:$0x1]  }
0x3: {  	s0 =	rddreg [dreg:$0x2]  }
0x4: {  	s2 =	srdreg.scid;
	s1 =	rddreg [dreg:$0x3]  }
0x5: {  	s9 =	stileid.u32;
	s19 =	rddreg [dreg:$0x4];
	s4 =	simm.s32 $0x0  }
0x6: {  	s23 =	simm.s32 $0x4928;
	s24 =	simm.s32 $0x49A8;
	s28 =	simm.s32 $0x46A8  }
0x7: {  	s29 =	simm.s32 $0x1;
	s30 =	simm.s32 $0x80;
	s6 =	smul.u32 $0x1400, s9  }
0x8: {  	s31 =	simm.s32 $0x4728;
	s2 =	sand.u32 $0x1, s2;
	s10 =	smul.u32 $0x280, s9  }
0x9: {  	[smem:$0x7FF] =	sst s4;
	s3 =	sadd.s32 $0xC400, s7;
	s15 =	smul.u32 $0x4080, s9  }
0xa: {  	s25 =	sshll.u32 s9, $0x6;
	p0 =	sne.s32 s9, $0x0;
	s5 =	smul.u32 $0x14000, s2  }
0xb: {  	s11 =	smul.u32 $0x2800, s2;
	_ =	strace $0x80000047;
	[dreg:$0xc] =	wrdreg s3  }
0xc: {  	s9 =	simm.s32 $0x4828;
	s13 =	smul.u32 $0x50, s2;
	[dreg:$0x8] =	wrdreg s23  }
0xd: {  	s14 =	ssub.s32 $0x2, s2;
	s17 =	smul.u32 $0x40800, s2;
	[dreg:$0x9] =	wrdreg s24  }
0xe: {  	s23 =	simm.s32 $0x45A8;
	s24 =	simm.s32 $0x4428;
	p1 =	seq.s32 s2, $0x0  }
0xf: {  	s2 =	simm.s32 $0x2;
	s16 =	sshrl.u32 s14, $0x1;
	s5 =	sadd.s32 s6, s5  }
0x10: {  	s11 =	sadd.s32 s10, s11;
	s13 =	sadd.s32 s13, s7;
	s14 =	ssub.s32 s14, s16  }
0x11: {  	s17 =	sadd.s32 s15, s17;
	s15 =	sadd.s32 s15, s1;
	s5 =	sshrl.u32 s5, $0x3  }
0x12: {  	s11 =	sshrl.u32 s11, $0x3;
	s17 =	sshrl.u32 s17, $0x3;
	s13 =	sadd.s32 $0xD800, s13  }
0x13: {  	s14 =	smax.u32 s14, $0x1;
	s16 =	sshrl.u32 s15, $0x3;
	[dreg:$0x10] =	wrdreg s13  }
0x14: {  	s12 =	sadd.s32 s5, s7;
	s5 =	sadd.s32 $0xBE00, s7;
	[dreg:$0x11] =	wrdreg s14  }
0x15: {  	s11 =	sadd.s32 s11, s7;
	s8 =	sadd.s32 s8, s17;
	[dreg:$0x18] =	wrdreg s16  }
0x16: {  	s7 =	sor.u32 $0x1C05, s25;
	s25 =	simm.s32 $0x4A28;
	[dreg:$0xe] =	wrdreg s8  }
0x17: {  	s26 =	sadd.s32 s10, s0;
	s10 =	sshrl.u32 s10, $0x3;
	[dreg:$0xa] =	wrdreg s25  }
0x18: {  	s15 =	simm.s32 $0x0;
	s6 =	sadd.s32 $0xCE00, s11;
	[dreg:$0x13] =	wrdreg s7  }
0x19: {  	s13 =	simm.s32 $0x3;
	s11 =	sadd.s32 s5, s10;
	[dreg:$0xd] =	wrdreg s6  }
0x1a: {  	s14 =	simm.s32 $0x4;
	s21 =	sadd.s32 $0x1E00, s12;
	[dreg:$0xf] =	wrdreg s11  }
0x1b: {  	s22 =	sadd.s32 $0x6E00, s12;
	s10 =	sshrl.u32 s26, $0x3;
	[dreg:$0x6] =	wrdreg s21  }
0x1c: {  	s26 =	simm.s32 $0x4AA8;
	s25 =	simm.s32 $0x4628;
	[dreg:$0x7] =	wrdreg s22  }
0x1d: {  	s8 =	simm.s32 $0x47A8;
	s12 =	simm.s32 $0x4B28;
	[dreg:$0xb] =	wrdreg s26  }
0x1e: {  	s17 =	sadd.s32 $0x10, s11;
	s18 =	sadd.s32 $0x20, s11;
	[dreg:$0x17] =	wrdreg s10  }
0x1f: {  	s20 =	sadd.s32 $0x30, s11;
	s3 =	sadd.s32 $0x40, s11;
	[dreg:$0x12] =	wrdreg s17  }
0x20: {  	s21 =	simm.s32 $0x4528;
	s22 =	simm.s32 $0x43A8;
	[dreg:$0x14] =	wrdreg s18  }
0x21: {  	s26 =	simm.s32 $0x44A8;
	s11 =	simm.s32 $0x48A8;
	[dreg:$0x15] =	wrdreg s20  }
0x22: {  	v0 =	vimm.f32 $1.000000000e+00;
	[dreg:$0x16] =	wrdreg s3;
	s18 =	simm.s32 $0x5;
	s20 =	simm.s32 $0x4328  }
.LBB2_1:
0x23: {  	[tilespmem:$0x4B28] =	vst v0  }
0x24: {  	[tilespmem:$0x4B38] =	vst v0  }
0x25: {  	[tilespmem:$0x4B48] =	vst v0  }
0x26: {  	[tilespmem:$0x4B58] =	vst v0  }
0x27: {  	[tilespmem:$0x4B68] =	vst v0  }
0x28: {  	[tilespmem:$0x4B78] =	vst v0  }
0x29: {  	[tilespmem:$0x4B88] =	vst v0  }
0x2a: {  	[tilespmem:$0x4B98] =	vst v0;
	s3 =	rddreg [dreg:$0xc]  }
0x2b: {  	[spmem:s10], [sflag:s7] =	dma.local [hbm:s3], $0x50  }
0x2c: {  	_ =	swait.ge [sflag:s18], $0x50  }
0x2d: {  	[sflag:s18] =	ssyncset.done $0x0  }
0x2e: {  	[sflag:s18] =	ssyncadd.s32 $0xFFFFFFB0  }
0x2f: {  	[spmem:s16], [sflag:s7] =	dma.local [hbm:s3], $0x810  }
0x30: {  	_ =	swait.ge [sflag:s18], $0x810  }
0x31: {  	s6 =	sshrl.u32 @!p0 s19, $0x3;
	[sflag:s18] =	ssyncset.done $0x0  }
0x32: {  	s10 =	simm.s32 @!p0 $0x5;
	[dreg:$0x19] =	wrdreg s6;
	[sflag:s18] =	ssyncadd.s32 $0xFFFFF7F0  }
0x33: {  	[spmem:s6], [sflag:s7] =	dma.local @!p0 [hbm:s3], $0x50  }
0x34: {  	_ =	swait.ge @!p0 [sflag:s10], $0x50  }
0x35: {  	[sflag:s10] =	ssyncset.done @!p0 $0x0  }
0x36: {  	[sflag:s10] =	ssyncadd.s32 @!p0 $0xFFFFFFB0  }
0x37: {  	s10 =	simm.s32 $0x0;
	[bflag:$0x0] =	sbarrier.arrive $0xFFFF  }
.LBB2_2:
0x38: {  	s17 =	rddreg [dreg:$0x6]  }
0x39: {  	s19 =	rddreg [dreg:$0x7];
	s17 =	sadd.s32 s10, s17  }
0x3a: {  	[tilespmem:s20], [sflag:$0x1] =	stream.linear.gather [hbm4b:s17+s4], $0x80, $0x38;
	[tilespmem:$0x4BA8] =	vst v63  }
0x3b: {  	s19 =	sadd.s32 s10, s19  }
0x3c: {  	[tilespmem:s21], [sflag:$0x2] =	stream.linear.gather [hbm4b:s19+s4], $0x80, $0x38;
	[tilespmem:$0x4BA8] =	vst v63  }
0x3d: {  	s3 =	sadd.s32 $0x10, s17  }
0x3e: {  	[tilespmem:s22], [sflag:$0x1] =	stream.linear.gather [hbm4b:s3+s4], $0x80, $0x38;
	[tilespmem:$0x4BA8] =	vst v63  }
0x3f: {  	s6 =	sadd.s32 $0x10, s19  }
0x40: {  	[tilespmem:s23], [sflag:$0x2] =	stream.linear.gather [hbm4b:s6+s4], $0x80, $0x38;
	[tilespmem:$0x4BA8] =	vst v63  }
0x41: {  	s7 =	sadd.s32 $0x20, s17  }
0x42: {  	[tilespmem:s24], [sflag:$0x1] =	stream.linear.gather [hbm4b:s7+s4], $0x80, $0x38;
	[tilespmem:$0x4BA8] =	vst v63  }
0x43: {  	s16 =	sadd.s32 $0x20, s19  }
0x44: {  	[tilespmem:s25], [sflag:$0x2] =	stream.linear.gather [hbm4b:s16+s4], $0x80, $0x38;
	[tilespmem:$0x4BA8] =	vst v63  }
0x45: {  	s17 =	sadd.s32 $0x30, s17  }
0x46: {  	[tilespmem:s26], [sflag:$0x1] =	stream.linear.gather [hbm4b:s17+s4], $0x80, $0x38;
	[tilespmem:$0x4BA8] =	vst v63  }
0x47: {  	s6 =	sadd.s32 $0x30, s19  }
0x48: {  	[tilespmem:s28], [sflag:$0x2] =	stream.linear.gather [hbm4b:s6+s4], $0x80, $0x38;
	[tilespmem:$0x4BA8] =	vst v63  }
0x49: {  	_ =	swait.ge [sflag:s29], $0x80  }
0x4a: {  	[sflag:s29] =	ssyncset.done $0x0  }
0x4b: {  	[sflag:s29] =	ssyncadd.s32 $0xFFFFFF80  }
0x4c: {  	[tilespmem:s31], [sflag:$0x3] =	stream.indirect.gather [hbm4b:s5+s30], $0x1, s20, s30, $0xb8;
	[tilespmem:$0x4BA8] =	vst v63  }
0x4d: {  	_ =	swait.ge [sflag:s2], $0x80  }
0x4e: {  	[sflag:s2] =	ssyncset.done $0x0  }
0x4f: {  	s7 =	rddreg [dreg:$0x8];
	[sflag:s2] =	ssyncadd.s32 $0xFFFFFF80  }
0x50: {  	[tilespmem:s7], [sflag:$0x4] =	stream.indirect.gather [hbm4b:s5+s30], $0x1, s21, s30, $0xb8;
	[tilespmem:$0x4BA8] =	vst v63  }
0x51: {  	_ =	swait.ge [sflag:s29], $0x80  }
0x52: {  	[sflag:s29] =	ssyncset.done $0x0  }
0x53: {  	[sflag:s29] =	ssyncadd.s32 $0xFFFFFF80  }
0x54: {  	[tilespmem:s8], [sflag:$0x3] =	stream.indirect.gather [hbm4b:s5+s30], $0x1, s22, s30, $0xb8;
	[tilespmem:$0x4BA8] =	vst v63  }
0x55: {  	_ =	swait.ge [sflag:s2], $0x80  }
0x56: {  	[sflag:s2] =	ssyncset.done $0x0  }
0x57: {  	s16 =	rddreg [dreg:$0x9];
	[sflag:s2] =	ssyncadd.s32 $0xFFFFFF80  }
0x58: {  	[tilespmem:s16], [sflag:$0x4] =	stream.indirect.gather [hbm4b:s5+s30], $0x1, s23, s30, $0xb8;
	[tilespmem:$0x4BA8] =	vst v63  }
0x59: {  	_ =	swait.ge [sflag:s29], $0x80  }
0x5a: {  	[sflag:s29] =	ssyncset.done $0x0  }
0x5b: {  	[sflag:s29] =	ssyncadd.s32 $0xFFFFFF80  }
0x5c: {  	[tilespmem:s9], [sflag:$0x3] =	stream.indirect.gather [hbm4b:s5+s30], $0x1, s24, s30, $0xb8;
	[tilespmem:$0x4BA8] =	vst v63  }
0x5d: {  	_ =	swait.ge [sflag:s2], $0x80  }
0x5e: {  	[sflag:s2] =	ssyncset.done $0x0  }
0x5f: {  	s17 =	rddreg [dreg:$0xa];
	[sflag:s2] =	ssyncadd.s32 $0xFFFFFF80  }
0x60: {  	[tilespmem:s17], [sflag:$0x4] =	stream.indirect.gather [hbm4b:s5+s30], $0x1, s25, s30, $0xb8;
	[tilespmem:$0x4BA8] =	vst v63  }
0x61: {  	_ =	swait.ge [sflag:s29], $0x80  }
0x62: {  	[sflag:s29] =	ssyncset.done $0x0  }
0x63: {  	[sflag:s29] =	ssyncadd.s32 $0xFFFFFF80  }
0x64: {  	[tilespmem:s11], [sflag:$0x3] =	stream.indirect.gather [hbm4b:s5+s30], $0x1, s26, s30, $0xb8;
	[tilespmem:$0x4BA8] =	vst v63  }
0x65: {  	_ =	swait.ge [sflag:s2], $0x80  }
0x66: {  	[sflag:s2] =	ssyncset.done $0x0  }
0x67: {  	s19 =	rddreg [dreg:$0xb];
	[sflag:s2] =	ssyncadd.s32 $0xFFFFFF80  }
0x68: {  	[tilespmem:s19], [sflag:$0x4] =	stream.indirect.gather [hbm4b:s5+s30], $0x1, s28, s30, $0xb8;
	[tilespmem:$0x4BA8] =	vst v63  }
0x69: {  	_ = 	snop  }
0x6a: {  	[spmem:s0] =	stream.indirect.scatter.add.f32 [tilespmem:s12], [sflag:$0x5], $0x1, s21, s30, $0xb8;
	[tilespmem:$0x4BA8] =	vst v63  }
0x6b: {  	_ =	swait.ge [sflag:s18], $0x80  }
0x6c: {  	[sflag:s18] =	ssyncset.done $0x0  }
0x6d: {  	[sflag:s18] =	ssyncadd.s32 $0xFFFFFF80  }
0x6e: {  	[spmem:s0] =	stream.indirect.scatter.add.f32 [tilespmem:s12], [sflag:$0x5], $0x1, s23, s30, $0xb8;
	[tilespmem:$0x4BA8] =	vst v63  }
0x6f: {  	_ =	swait.ge [sflag:s18], $0x80  }
0x70: {  	[sflag:s18] =	ssyncset.done $0x0  }
0x71: {  	[sflag:s18] =	ssyncadd.s32 $0xFFFFFF80  }
0x72: {  	[spmem:s0] =	stream.indirect.scatter.add.f32 [tilespmem:s12], [sflag:$0x5], $0x1, s25, s30, $0xb8;
	[tilespmem:$0x4BA8] =	vst v63  }
0x73: {  	_ =	swait.ge [sflag:s18], $0x80  }
0x74: {  	[sflag:s18] =	ssyncset.done $0x0  }
0x75: {  	[sflag:s18] =	ssyncadd.s32 $0xFFFFFF80  }
0x76: {  	[spmem:s0] =	stream.indirect.scatter.add.f32 [tilespmem:s12], [sflag:$0x5], $0x1, s28, s30, $0xb8;
	[tilespmem:$0x4BA8] =	vst v63  }
0x77: {  	_ =	swait.ge [sflag:s18], $0x80  }
0x78: {  	[sflag:s18] =	ssyncset.done $0x0  }
0x79: {  	[sflag:s18] =	ssyncadd.s32 $0xFFFFFF80  }
0x7a: {  	_ =	swait.ge [sflag:s13], $0x80  }
0x7b: {  	[sflag:s13] =	ssyncset.done $0x0  }
0x7c: {  	[sflag:s13] =	ssyncadd.s32 $0xFFFFFF80  }
0x7d: {  	_ =	swait.ge [sflag:s14], $0x80  }
0x7e: {  	[sflag:s14] =	ssyncset.done $0x0  }
0x7f: {  	[sflag:s14] =	ssyncadd.s32 $0xFFFFFF80  }
0x80: {  	v1 =	vld [tilespmem:$0x4728]  }
0x81: {  	v2 =	vld [tilespmem:$0x4928]  }
0x82: {  	v3 =	vld [tilespmem:$0x4738]  }
0x83: {  	v4 =	vld [tilespmem:$0x4938]  }
0x84: {  	v5 =	vld [tilespmem:$0x4748]  }
0x85: {  	v6 =	vld [tilespmem:$0x4948]  }
0x86: {  	v7 =	vld [tilespmem:$0x4758]  }
0x87: {  	v8 =	vld [tilespmem:$0x4958]  }
0x88: {  	v9 =	vld [tilespmem:$0x4768]  }
0x89: {  	v10 =	vld [tilespmem:$0x4968]  }
0x8a: {  	v47 =	vld [tilespmem:$0x4978]  }
0x8b: {  	v12 =	vld [tilespmem:$0x4778];
	v11 =	vshll.u32 v2, $0x9  }
0x8c: {  	vm0 =	veq.s32 v1, v2;
	v2 =	vshll.u32 v4, $0x9;
	vm11 =	veq.s32 v3, v4  }
0x8d: {  	v13 =	vld [tilespmem:$0x4988];
	vm1 =	veq.s32 v5, v6;
	v48 =	vshll.u32 v6, $0x9;
	v49 =	vshll.u32 v8, $0x9  }
0x8e: {  	v51 =	vld [tilespmem:$0x4998];
	vm2 =	veq.s32 v7, v8;
	vm12 =	veq.s32 v9, v10;
	v1 =	vadd.s32 v1, v11  }
0x8f: {  	v54 =	vshll.u32 v47, $0x9;
	v2 =	vadd.s32 v3, v2;
	v3 =	vld [tilespmem:$0x4788];
	v1 =	vsel vm0, $0x40000, v1  }
0x90: {  	v53 =	vld [tilespmem:$0x4798];
	vm13 =	veq.s32 v12, v47;
	v4 =	vadd.s32 v5, v48;
	[tilespmem:$0x4728] =	vst v1;
	v1 =	vsel vm11, $0x40000, v2  }
0x91: {  	v50 =	vadd.s32 v7, v49;
	v2 =	vsel vm1, $0x40000, v4;
	[tilespmem:$0x4738] =	vst v1;
	v1 =	vshll.u32 v10, $0x9  }
0x92: {  	v52 =	vsel vm2, $0x40000, v50;
	[tilespmem:$0x4748] =	vst v2;
	v2 =	vadd.s32 v12, v54;
	v1 =	vadd.s32 v9, v1  }
0x93: {  	v55 =	vshll.u32 v13, $0x9;
	[tilespmem:$0x4758] =	vst v52;
	v2 =	vsel vm13, $0x40000, v2;
	v1 =	vsel vm12, $0x40000, v1  }
0x94: {  	vm14 =	veq.s32 v3, v13;
	[tilespmem:$0x4768] =	vst v1;
	v1 =	vadd.s32 v3, v55;
	v3 =	vshll.u32 v51, $0x9  }
0x95: {  	vm15 =	veq.s32 v53, v51;
	[tilespmem:$0x4778] =	vst v2;
	v1 =	vsel vm14, $0x40000, v1;
	v2 =	vadd.s32 v53, v3  }
0x96: {  	[tilespmem:$0x4788] =	vst v1;
	v1 =	vsel vm15, $0x40000, v2  }
0x97: {  	[tilespmem:$0x4798] =	vst v1  }
0x98: {  	[spmem:s1] =	stream.indirect.scatter.add.f32 [tilespmem:s12], [sflag:$0x5], $0x1, s31, s30, $0xb8;
	[tilespmem:$0x4BA8] =	vst v63  }
0x99: {  	_ =	swait.ge [sflag:s18], $0x80  }
0x9a: {  	[sflag:s18] =	ssyncset.done $0x0  }
0x9b: {  	[sflag:s18] =	ssyncadd.s32 $0xFFFFFF80  }
0x9c: {  	_ =	swait.ge [sflag:s13], $0x80  }
0x9d: {  	[sflag:s13] =	ssyncset.done $0x0  }
0x9e: {  	[sflag:s13] =	ssyncadd.s32 $0xFFFFFF80  }
0x9f: {  	_ =	swait.ge [sflag:s14], $0x80  }
0xa0: {  	[sflag:s14] =	ssyncset.done $0x0  }
0xa1: {  	[sflag:s14] =	ssyncadd.s32 $0xFFFFFF80  }
0xa2: {  	v1 =	vld [tilespmem:$0x47A8]  }
0xa3: {  	v2 =	vld [tilespmem:$0x49A8]  }
0xa4: {  	v3 =	vld [tilespmem:$0x47B8]  }
0xa5: {  	v56 =	vld [tilespmem:$0x49B8]  }
0xa6: {  	v57 =	vld [tilespmem:$0x47C8]  }
0xa7: {  	v58 =	vld [tilespmem:$0x49C8]  }
0xa8: {  	v59 =	vld [tilespmem:$0x47D8]  }
0xa9: {  	v60 =	vld [tilespmem:$0x49D8]  }
0xaa: {  	v61 =	vld [tilespmem:$0x47E8]  }
0xab: {  	v62 =	vld [tilespmem:$0x49E8]  }
0xac: {  	v17 =	vld [tilespmem:$0x49F8]  }
0xad: {  	v16 =	vld [tilespmem:$0x47F8];
	v63 =	vshll.u32 v2, $0x9  }
0xae: {  	vm4 =	veq.s32 v1, v2;
	v2 =	vshll.u32 v56, $0x9;
	vm5 =	veq.s32 v3, v56  }
0xaf: {  	v20 =	vld [tilespmem:$0x4A08];
	vm6 =	veq.s32 v57, v58;
	v18 =	vshll.u32 v58, $0x9;
	v19 =	vshll.u32 v60, $0x9  }
0xb0: {  	v22 =	vld [tilespmem:$0x4A18];
	vm7 =	veq.s32 v59, v60;
	vm8 =	veq.s32 v61, v62;
	v1 =	vadd.s32 v1, v63  }
0xb1: {  	v25 =	vshll.u32 v17, $0x9;
	v2 =	vadd.s32 v3, v2;
	v3 =	vld [tilespmem:$0x4808];
	v1 =	vsel vm4, $0x40000, v1  }
0xb2: {  	v24 =	vld [tilespmem:$0x4818];
	vm9 =	veq.s32 v16, v17;
	v4 =	vadd.s32 v57, v18;
	[tilespmem:$0x47A8] =	vst v1;
	v1 =	vsel vm5, $0x40000, v2  }
0xb3: {  	v21 =	vadd.s32 v59, v19;
	v2 =	vsel vm6, $0x40000, v4;
	[tilespmem:$0x47B8] =	vst v1;
	v1 =	vshll.u32 v62, $0x9  }
0xb4: {  	v23 =	vsel vm7, $0x40000, v21;
	[tilespmem:$0x47C8] =	vst v2;
	v2 =	vadd.s32 v16, v25;
	v1 =	vadd.s32 v61, v1  }
0xb5: {  	v26 =	vshll.u32 v20, $0x9;
	[tilespmem:$0x47D8] =	vst v23;
	v2 =	vsel vm9, $0x40000, v2;
	v1 =	vsel vm8, $0x40000, v1  }
0xb6: {  	vm10 =	veq.s32 v3, v20;
	[tilespmem:$0x47E8] =	vst v1;
	v1 =	vadd.s32 v3, v26;
	v3 =	vshll.u32 v22, $0x9  }
0xb7: {  	vm11 =	veq.s32 v24, v22;
	[tilespmem:$0x47F8] =	vst v2;
	v1 =	vsel vm10, $0x40000, v1;
	v2 =	vadd.s32 v24, v3  }
0xb8: {  	[tilespmem:$0x4808] =	vst v1;
	v1 =	vsel vm11, $0x40000, v2  }
0xb9: {  	[tilespmem:$0x4818] =	vst v1  }
0xba: {  	[spmem:s1] =	stream.indirect.scatter.add.f32 [tilespmem:s12], [sflag:$0x5], $0x1, s8, s30, $0xb8;
	[tilespmem:$0x4BA8] =	vst v63  }
0xbb: {  	_ =	swait.ge [sflag:s18], $0x80  }
0xbc: {  	[sflag:s18] =	ssyncset.done $0x0  }
0xbd: {  	[sflag:s18] =	ssyncadd.s32 $0xFFFFFF80  }
0xbe: {  	_ =	swait.ge [sflag:s13], $0x80  }
0xbf: {  	[sflag:s13] =	ssyncset.done $0x0  }
0xc0: {  	[sflag:s13] =	ssyncadd.s32 $0xFFFFFF80  }
0xc1: {  	_ =	swait.ge [sflag:s14], $0x80  }
0xc2: {  	[sflag:s14] =	ssyncset.done $0x0  }
0xc3: {  	[sflag:s14] =	ssyncadd.s32 $0xFFFFFF80  }
0xc4: {  	v1 =	vld [tilespmem:$0x4828]  }
0xc5: {  	v2 =	vld [tilespmem:$0x4A28]  }
0xc6: {  	v3 =	vld [tilespmem:$0x4838]  }
0xc7: {  	v27 =	vld [tilespmem:$0x4A38]  }
0xc8: {  	v28 =	vld [tilespmem:$0x4848]  }
0xc9: {  	v29 =	vld [tilespmem:$0x4A48]  }
0xca: {  	v30 =	vld [tilespmem:$0x4858]  }
0xcb: {  	v31 =	vld [tilespmem:$0x4A58]  }
0xcc: {  	v32 =	vld [tilespmem:$0x4868]  }
0xcd: {  	v33 =	vld [tilespmem:$0x4A68]  }
0xce: {  	v36 =	vld [tilespmem:$0x4A78]  }
0xcf: {  	v35 =	vld [tilespmem:$0x4878];
	v34 =	vshll.u32 v2, $0x9  }
0xd0: {  	vm12 =	veq.s32 v1, v2;
	v2 =	vshll.u32 v27, $0x9;
	vm13 =	veq.s32 v3, v27  }
0xd1: {  	v39 =	vld [tilespmem:$0x4A88];
	vm14 =	veq.s32 v28, v29;
	v37 =	vshll.u32 v29, $0x9;
	v38 =	vshll.u32 v31, $0x9  }
0xd2: {  	v41 =	vld [tilespmem:$0x4A98];
	vm15 =	veq.s32 v30, v31;
	vm4 =	veq.s32 v32, v33;
	v1 =	vadd.s32 v1, v34  }
0xd3: {  	v44 =	vshll.u32 v36, $0x9;
	v2 =	vadd.s32 v3, v2;
	v3 =	vld [tilespmem:$0x4888];
	v1 =	vsel vm12, $0x40000, v1  }
0xd4: {  	v43 =	vld [tilespmem:$0x4898];
	vm5 =	veq.s32 v35, v36;
	v4 =	vadd.s32 v28, v37;
	v2 =	vsel vm13, $0x40000, v2;
	[tilespmem:$0x4828] =	vst v1  }
0xd5: {  	v40 =	vadd.s32 v30, v38;
	v1 =	vsel vm14, $0x40000, v4;
	[tilespmem:$0x4838] =	vst v2;
	v2 =	vshll.u32 v33, $0x9  }
0xd6: {  	v42 =	vsel vm15, $0x40000, v40;
	[tilespmem:$0x4848] =	vst v1;
	v1 =	vadd.s32 v32, v2;
	v2 =	vadd.s32 v35, v44  }
0xd7: {  	v45 =	vshll.u32 v39, $0x9;
	[tilespmem:$0x4858] =	vst v42;
	v1 =	vsel vm4, $0x40000, v1;
	v2 =	vsel vm5, $0x40000, v2  }
0xd8: {  	[tilespmem:$0x4868] =	vst v1;
	vm6 =	veq.s32 v3, v39;
	v1 =	vadd.s32 v3, v45;
	v3 =	vshll.u32 v41, $0x9  }
0xd9: {  	vm7 =	veq.s32 v43, v41;
	[tilespmem:$0x4878] =	vst v2;
	v1 =	vsel vm6, $0x40000, v1;
	v2 =	vadd.s32 v43, v3  }
0xda: {  	[tilespmem:$0x4888] =	vst v1;
	v1 =	vsel vm7, $0x40000, v2  }
0xdb: {  	[tilespmem:$0x4898] =	vst v1  }
0xdc: {  	[spmem:s1] =	stream.indirect.scatter.add.f32 [tilespmem:s12], [sflag:$0x5], $0x1, s9, s30, $0xb8;
	[tilespmem:$0x4BA8] =	vst v63  }
0xdd: {  	_ =	swait.ge [sflag:s18], $0x80  }
0xde: {  	[sflag:s18] =	ssyncset.done $0x0  }
0xdf: {  	[sflag:s18] =	ssyncadd.s32 $0xFFFFFF80  }
0xe0: {  	_ =	swait.ge [sflag:s13], $0x80  }
0xe1: {  	[sflag:s13] =	ssyncset.done $0x0  }
0xe2: {  	[sflag:s13] =	ssyncadd.s32 $0xFFFFFF80  }
0xe3: {  	_ =	swait.ge [sflag:s14], $0x80  }
0xe4: {  	[sflag:s14] =	ssyncset.done $0x0  }
0xe5: {  	[sflag:s14] =	ssyncadd.s32 $0xFFFFFF80  }
0xe6: {  	v1 =	vld [tilespmem:$0x48A8]  }
0xe7: {  	v2 =	vld [tilespmem:$0x4AA8]  }
0xe8: {  	v3 =	vld [tilespmem:$0x48B8]  }
0xe9: {  	v46 =	vld [tilespmem:$0x4AB8]  }
0xea: {  	v47 =	vld [tilespmem:$0x48C8]  }
0xeb: {  	v48 =	vld [tilespmem:$0x4AC8]  }
0xec: {  	v49 =	vld [tilespmem:$0x48D8]  }
0xed: {  	v50 =	vld [tilespmem:$0x4AD8]  }
0xee: {  	v53 =	vld [tilespmem:$0x4AE8]  }
0xef: {  	v51 =	vld [tilespmem:$0x48E8]  }
0xf0: {  	v54 =	vld [tilespmem:$0x4AF8];
	v52 =	vshll.u32 v2, $0x9  }
0xf1: {  	v56 =	vld [tilespmem:$0x4908];
	vm8 =	veq.s32 v1, v2;
	vm9 =	veq.s32 v3, v46;
	v4 =	vshll.u32 v46, $0x9  }
0xf2: {  	v2 =	vld [tilespmem:$0x48F8];
	v55 =	vshll.u32 v48, $0x9;
	vm10 =	veq.s32 v47, v48;
	v59 =	vshll.u32 v50, $0x9  }
0xf3: {  	v58 =	vld [tilespmem:$0x4B08];
	vm11 =	veq.s32 v49, v50;
	v61 =	vshll.u32 v53, $0x9;
	v1 =	vadd.s32 v1, v52  }
0xf4: {  	v60 =	vld [tilespmem:$0x4B18];
	vm12 =	veq.s32 v51, v53;
	v3 =	vadd.s32 v3, v4;
	v1 =	vsel vm8, $0x40000, v1  }
0xf5: {  	v62 =	vld [tilespmem:$0x4918];
	v63 =	vshll.u32 v54, $0x9;
	v57 =	vadd.s32 v47, v55;
	v3 =	vsel vm9, $0x40000, v3;
	[tilespmem:$0x48A8] =	vst v1  }
0xf6: {  	v4 =	vsel vm10, $0x40000, v57;
	v1 =	vadd.s32 v49, v59;
	[tilespmem:$0x48B8] =	vst v3;
	v3 =	vadd.s32 v51, v61  }
0xf7: {  	[tilespmem:$0x48C8] =	vst v4;
	v1 =	vsel vm11, $0x40000, v1;
	vm13 =	veq.s32 v2, v54;
	v2 =	vadd.s32 v2, v63  }
0xf8: {  	v3 =	vsel vm12, $0x40000, v3;
	[tilespmem:$0x48D8] =	vst v1;
	v1 =	vsel vm13, $0x40000, v2;
	v2 =	vshll.u32 v58, $0x9  }
0xf9: {  	vm14 =	veq.s32 v56, v58;
	[tilespmem:$0x48E8] =	vst v3;
	v3 =	vshll.u32 v60, $0x9;
	v2 =	vadd.s32 v56, v2  }
0xfa: {  	vm15 =	veq.s32 v62, v60;
	[tilespmem:$0x48F8] =	vst v1;
	v1 =	vsel vm14, $0x40000, v2;
	v2 =	vadd.s32 v62, v3  }
0xfb: {  	p2 =	sne.s32 s10, $0x240;
	[tilespmem:$0x4908] =	vst v1;
	v1 =	vsel vm15, $0x40000, v2  }
.Ltmp0:
0xfc: {  	[tilespmem:$0x4918] =	vst v1;
	(pc) =	sbr.rel @p2 .LBB2_2-.Ltmp0, $4  }
0xfd: {  	[spmem:s1] =	stream.indirect.scatter.add.f32 [tilespmem:s12], [sflag:$0x5], $0x1, s11, s30, $0xb8;
	[tilespmem:$0x4BA8] =	vst v63  }
0xfe: {  	_ =	swait.ge [sflag:s18], $0x80  }
0xff: {  	[sflag:s18] =	ssyncset.done $0x0  }
0x100: {  	s10 =	sadd.s32 $0x40, s10;
	[sflag:s18] =	ssyncadd.s32 $0xFFFFFF80  }
0x101: {  	s3 =	simm.s32 @!p1 $0x0  }
0x102: {  	s10 =	simm.s32 @!p1 $0x4328;
	s6 =	rddreg [dreg:$0xf];
	s17 =	simm.s32 @!p1 $0x5  }
0x103: {  	[tilespmem:s10], [sflag:$0x5] =	stream.linear.gather @!p1 [hbm4b:s6+s3], $0x80, $0x38;
	[tilespmem:$0x4BA8] =	vst v63  }
0x104: {  	_ =	swait.ge @!p1 [sflag:s17], $0x80  }
0x105: {  	[sflag:s17] =	ssyncset.done @!p1 $0x0  }
0x106: {  	[sflag:s17] =	ssyncadd.s32 @!p1 $0xFFFFFF80  }
0x107: {  	s19 =	simm.s32 @!p1 $0x80;
	s6 =	simm.s32 @!p1 $0x4B28;
	s16 =	rddreg [dreg:$0x4]  }
0x108: {  	[spmem:s16] =	stream.indirect.scatter.add.f32 @!p1 [tilespmem:s6], [sflag:$0x5], $0x1, s10, s19, $0xb8;
	[tilespmem:$0x4BA8] =	vst v63  }
0x109: {  	_ =	swait.ge @!p1 [sflag:s17], $0x80  }
0x10a: {  	[sflag:s17] =	ssyncset.done @!p1 $0x0  }
0x10b: {  	s7 =	rddreg [dreg:$0x12];
	[sflag:s17] =	ssyncadd.s32 @!p1 $0xFFFFFF80  }
0x10c: {  	[tilespmem:s10], [sflag:$0x5] =	stream.linear.gather @!p1 [hbm4b:s7+s3], $0x80, $0x38;
	[tilespmem:$0x4BA8] =	vst v63  }
0x10d: {  	_ =	swait.ge @!p1 [sflag:s17], $0x80  }
0x10e: {  	[sflag:s17] =	ssyncset.done @!p1 $0x0  }
0x10f: {  	[sflag:s17] =	ssyncadd.s32 @!p1 $0xFFFFFF80  }
0x110: {  	[spmem:s16] =	stream.indirect.scatter.add.f32 @!p1 [tilespmem:s6], [sflag:$0x5], $0x1, s10, s19, $0xb8;
	[tilespmem:$0x4BA8] =	vst v63  }
0x111: {  	_ =	swait.ge @!p1 [sflag:s17], $0x80  }
0x112: {  	[sflag:s17] =	ssyncset.done @!p1 $0x0  }
0x113: {  	s7 =	rddreg [dreg:$0x14];
	[sflag:s17] =	ssyncadd.s32 @!p1 $0xFFFFFF80  }
0x114: {  	[tilespmem:s10], [sflag:$0x5] =	stream.linear.gather @!p1 [hbm4b:s7+s3], $0x80, $0x38;
	[tilespmem:$0x4BA8] =	vst v63  }
0x115: {  	_ =	swait.ge @!p1 [sflag:s17], $0x80  }
0x116: {  	[sflag:s17] =	ssyncset.done @!p1 $0x0  }
0x117: {  	[sflag:s17] =	ssyncadd.s32 @!p1 $0xFFFFFF80  }
0x118: {  	[spmem:s16] =	stream.indirect.scatter.add.f32 @!p1 [tilespmem:s6], [sflag:$0x5], $0x1, s10, s19, $0xb8;
	[tilespmem:$0x4BA8] =	vst v63  }
0x119: {  	_ =	swait.ge @!p1 [sflag:s17], $0x80  }
0x11a: {  	[sflag:s17] =	ssyncset.done @!p1 $0x0  }
0x11b: {  	s7 =	rddreg [dreg:$0x15];
	[sflag:s17] =	ssyncadd.s32 @!p1 $0xFFFFFF80  }
0x11c: {  	[tilespmem:s10], [sflag:$0x5] =	stream.linear.gather @!p1 [hbm4b:s7+s3], $0x80, $0x38;
	[tilespmem:$0x4BA8] =	vst v63  }
0x11d: {  	_ =	swait.ge @!p1 [sflag:s17], $0x80  }
0x11e: {  	[sflag:s17] =	ssyncset.done @!p1 $0x0  }
0x11f: {  	[sflag:s17] =	ssyncadd.s32 @!p1 $0xFFFFFF80  }
0x120: {  	[spmem:s16] =	stream.indirect.scatter.add.f32 @!p1 [tilespmem:s6], [sflag:$0x5], $0x1, s10, s19, $0xb8;
	[tilespmem:$0x4BA8] =	vst v63  }
0x121: {  	_ =	swait.ge @!p1 [sflag:s17], $0x80  }
0x122: {  	[sflag:s17] =	ssyncset.done @!p1 $0x0  }
0x123: {  	s7 =	rddreg [dreg:$0x16];
	[sflag:s17] =	ssyncadd.s32 @!p1 $0xFFFFFF80  }
0x124: {  	[tilespmem:s10], [sflag:$0x5] =	stream.linear.gather @!p1 [hbm4b:s7+s3], $0x80, $0x38;
	[tilespmem:$0x4BA8] =	vst v63  }
0x125: {  	_ =	swait.ge @!p1 [sflag:s17], $0x80  }
0x126: {  	[sflag:s17] =	ssyncset.done @!p1 $0x0  }
0x127: {  	[sflag:s17] =	ssyncadd.s32 @!p1 $0xFFFFFF80  }
0x128: {  	[spmem:s16] =	stream.indirect.scatter.add.f32 @!p1 [tilespmem:s6], [sflag:$0x5], $0x1, s10, s19, $0xb8;
	[tilespmem:$0x4BA8] =	vst v63  }
0x129: {  	_ =	swait.ge @!p1 [sflag:s17], $0x80  }
0x12a: {  	[sflag:s17] =	ssyncset.done @!p1 $0x0  }
0x12b: {  	[sflag:s17] =	ssyncadd.s32 @!p1 $0xFFFFFF80  }
0x12c: {  	[bflag:$0x0] =	sbarrier.arrive $0xFFFF  }
0x12d: {  	s17 =	rddreg [dreg:$0xd]  }
0x12e: {  	s7 =	rddreg [dreg:$0x13]  }
0x12f: {  	s10 =	rddreg [dreg:$0x17]  }
0x130: {  	[hbm:s17], [sflag:s7] =	dma.local [spmem:s10], $0x50  }
0x131: {  	_ =	swait.ge [sflag:s18], $0x50  }
0x132: {  	[sflag:s18] =	ssyncset.done $0x0;
	s6 =	rddreg [dreg:$0xe]  }
0x133: {  	s19 =	smov.u32 s16;
	s16 =	rddreg [dreg:$0x18];
	[sflag:s18] =	ssyncadd.s32 $0xFFFFFFB0  }
0x134: {  	[hbm:s6], [sflag:s7] =	dma.local [spmem:s16], $0x810  }
0x135: {  	_ =	swait.ge [sflag:s18], $0x810  }
0x136: {  	[sflag:s18] =	ssyncset.done $0x0;
	s3 =	rddreg [dreg:$0x10]  }
0x137: {  	s6 =	rddreg [dreg:$0x19];
	[sflag:s18] =	ssyncadd.s32 $0xFFFFF7F0  }
0x138: {  	[hbm:s3], [sflag:s7] =	dma.local @!p0 [spmem:s6], $0x50  }
0x139: {  	s3 =	simm.s32 @!p0 $0x5  }
0x13a: {  	_ =	swait.ge @!p0 [sflag:s3], $0x50  }
0x13b: {  	s15 =	sadd.s32 $0x1, s15;
	s17 =	rddreg [dreg:$0x11]  }
0x13c: {  	p2 =	sne.s32 s15, s17  }
.Ltmp1:
0x13d: {  	_ = 	snop;
	(pc) =	sbr.rel @p2 .LBB2_1-.Ltmp1, $3  }
0x13e: {  	_ =	sdelay $0x1  }
0x13f: {  	[sflag:s3] =	ssyncset.done @!p0 $0x0  }
0x140: {  	[sflag:s3] =	ssyncadd.s32 @!p0 $0xFFFFFFB0  }
0x141: {  	_ =	sfence.sel $0x180000  }
0x142: {  	[bflag:$0x0] =	sbarrier.arrive $0xFFFF  }
0x143: {  	_ =	strace $0x90000047  }
0x144: {  	[bflag:$0x2] =	sbarrier.arrive $0xFFFF  }
0x145: {  	s0 =	rddreg [dreg:$0x5]  }
0x146: {  	s0 =	sadd.s32 @!p0 $0x100000, s0  }
0x147: {  	[sflag:s0] =	ssyncadd.tile.s32 @!p0 $0x1;
	_ =	shalt  }
.Lfunc_end2:
_tile_overlayer_lowered:
.L_overlay_start_2:
0x148: {  	(tag) =	ssettag $0x2  }
0x149: {  	s0 =	rddreg [dreg:$0x0];
	s2 =	stileid.u32  }
0x14a: {  	s1 =	rddreg [dreg:$0x1];
	p0 =	sne.s32 s2, $0x0  }
0x14b: {  	s3 =	rddreg [dreg:$0x2];
	[bflag:$0x3] =	sbarrier.arrive $0xFFFF;
	s2 =	simm.s32 @!p0 $0x1C05  }
0x14c: {  	[timem:s3], [sflag:s2] =	dma.local @!p0 [hbm:s0], s1  }
0x14d: {  	s0 =	simm.s32 @!p0 $0x5  }
0x14e: {  	_ =	swait.ge @!p0 [sflag:s0], s1  }
0x14f: {  	s1 =	ssub.s32 @!p0 $0x0, s1;
	[sflag:s0] =	ssyncset.done @!p0 $0x0  }
0x150: {  	[sflag:s0] =	ssyncadd.s32 @!p0 s1  }
0x151: {  	[bflag:$0x3] =	sbarrier.arrive $0xFFFF  }
0x152: {  	_ =	shalt  }

</sc_bundles>
